<compile_context>
chip_gen: v7x
topology: tpu7x:2x2x1
jax: 0.10.2.dev20260603
libtpu: 0.0.44.dev20260713+nightly
codegen_flags: <defaults>
</compile_context>

<pallas_src>
import dataclasses
import functools

import jax
import jax.numpy as jnp
import numpy as np
from jax import lax
from jax.experimental import pallas as pl
from jax.experimental.pallas import tpu as pltpu
from jax.experimental.pallas import tpu_sc as plsc

N = 1_000_000
TABLE_T = 2_097_152
NCH = 15
NPAD = 1 << 20
NW = 32
PER_W = NPAD // NW

TK = 2048
T_PER_W = TABLE_T // NW
TCHUNKS = T_PER_W // TK

CG = 2048
GCHUNKS = PER_W // CG

P2 = np.int32(np.uint32(2654435761).view(np.int32))
P3 = np.int32(805459861)
MASK = np.int32(TABLE_T - 1)


def _cparams(tc_tiling):
    cp = pltpu.CompilerParams()
    fields = pltpu.CompilerParams.__dataclass_fields__
    if "needs_layout_passes" in fields:
        cp = dataclasses.replace(cp, needs_layout_passes=False)
    if "use_tc_tiling_on_sc" in fields:
        cp = dataclasses.replace(cp, use_tc_tiling_on_sc=tc_tiling)
    return cp


def _tc_flatten_body(t_ref, *o_refs):
    g = t_ref[...]
    for ch in range(NCH):
        o_refs[ch][...] = g[ch, :]


def _tc_flatten(tab):
    BT = 32768
    return pl.pallas_call(
        _tc_flatten_body,
        grid=(TABLE_T // BT,),
        in_specs=[pl.BlockSpec((16, BT), lambda i: (0, i))],
        out_specs=[pl.BlockSpec((BT,), lambda i: (i,))] * NCH,
        out_shape=[
            jax.ShapeDtypeStruct((TABLE_T,), jnp.float32) for _ in range(NCH)
        ],
    )(tab)


def _sc_transpose(chans):
    mesh = plsc.VectorSubcoreMesh(core_axis_name="c", subcore_axis_name="s")

    @functools.partial(
        pl.kernel,
        mesh=mesh,
        compiler_params=_cparams(False),
        out_type=jax.ShapeDtypeStruct((TABLE_T * 16,), jnp.float32),
        scratch_types=[
            pltpu.VMEM((16 * TK,), jnp.float32),
            pltpu.VMEM((16 * TK,), jnp.float32),
            pltpu.SemaphoreType.DMA,
        ],
    )
    def k(*refs):
        ch_hbm = refs[:NCH]
        t16_hbm = refs[NCH]
        cbuf, obuf, sem = refs[NCH + 1:]
        wid = lax.axis_index("s") * 2 + lax.axis_index("c")
        t_base_w = wid * T_PER_W
        lane = lax.iota(jnp.int32, 16)
        lK = jnp.minimum(lane, 14) * TK

        @pl.loop(0, TCHUNKS)
        def _chunk(ci):
            t0 = pl.multiple_of(t_base_w + ci * TK, TK)
            for ch in range(NCH):
                pltpu.async_copy(
                    ch_hbm[ch].at[pl.ds(t0, TK)],
                    cbuf.at[pl.ds(ch * TK, TK)],
                    sem,
                )
            for ch in range(NCH):
                pltpu.make_async_copy(
                    ch_hbm[ch].at[pl.ds(t0, TK)],
                    cbuf.at[pl.ds(ch * TK, TK)],
                    sem,
                ).wait()

            @plsc.parallel_loop(0, TK, 1, unroll=8)
            def _row(r):
                v = plsc.load_gather(cbuf, [lK + r])
                obuf[pl.ds(r * 16, 16)] = v

            pltpu.sync_copy(obuf, t16_hbm.at[pl.ds(t0 * 16, 16 * TK)])

    return k(*chans)


def _sc_gather(t16, cflat):
    mesh = plsc.VectorSubcoreMesh(core_axis_name="c", subcore_axis_name="s")

    @functools.partial(
        pl.kernel,
        mesh=mesh,
        compiler_params=_cparams(False),
        out_type=(
            jax.ShapeDtypeStruct((NCH * NPAD,), jnp.float32),
            jax.ShapeDtypeStruct((NW * 2 * 16,), jnp.float32),
        ),
        scratch_types=[
            pltpu.VMEM((3 * CG,), jnp.int32),
            pltpu.VMEM((CG,), jnp.int32),
            pltpu.VMEM((CG,), jnp.int32),
            pltpu.VMEM((CG, 16), jnp.float32),
            pltpu.VMEM((CG, 16), jnp.float32),
            pltpu.VMEM((16 * CG,), jnp.float32),
            pltpu.VMEM((16,), jnp.float32),
            pltpu.VMEM((16,), jnp.float32),
            pltpu.SemaphoreType.DMA,
            pltpu.SemaphoreType.DMA,
            pltpu.SemaphoreType.DMA,
        ],
    )
    def k(t16_hbm, cf_hbm, g_hbm, part_hbm, c3, idx0, idx1, gb0, gb1, gbx,
          acc, accsq, sg0, sg1, semw):
        wid = lax.axis_index("s") * 2 + lax.axis_index("c")
        base_w = wid * PER_W
        acc[...] = jnp.zeros((16,), jnp.float32)
        accsq[...] = jnp.zeros((16,), jnp.float32)
        idxs = (idx0, idx1)
        gbs = (gb0, gb1)
        sgs = (sg0, sg1)
        lane = lax.iota(jnp.int32, 16)
        laneCG = lane * CG

        def chunk_base(k_):
            return pl.multiple_of(base_w + k_ * CG, CG)

        def hash_chunk(k_, b):
            base = chunk_base(k_)
            idx = idxs[b]
            pltpu.sync_copy(cf_hbm.at[pl.ds(base * 3, 3 * CG)], c3)

            @plsc.parallel_loop(0, CG, 16, unroll=4)
            def _hash16(j):
                i0 = j * 3 + lane * 3
                x = plsc.load_gather(c3, [i0])
                y = plsc.load_gather(c3, [i0 + 1])
                z = plsc.load_gather(c3, [i0 + 2])
                h = x ^ (y * P2) ^ (z * P3)
                idx[pl.ds(j, 16)] = h & MASK

        def fire(b):
            pltpu.async_copy(t16_hbm.at[idxs[b]], gbs[b], sgs[b])

        def wait_gather(b):
            pltpu.make_async_copy(t16_hbm.at[idxs[b]], gbs[b], sgs[b]).wait()

        def transform(k_, b):
            base = chunk_base(k_)
            gb = gbs[b]

            def _row(r, c):
                a, asq = c
                v = gb[r, :]
                m = jnp.where(base + r < N, jnp.float32(1.0), jnp.float32(0.0))
                plsc.store_scatter(gbx, [laneCG + r], v)
                return (a + v * m, asq + v * v * m)

            a, asq = plsc.parallel_loop(
                0, CG, 1, unroll=8, carry=(acc[...], accsq[...])
            )(_row)
            acc[...] = a
            accsq[...] = asq

        def fire_writes(k_):
            base = chunk_base(k_)
            for ch in range(NCH):
                dst0 = pl.multiple_of(np.int32(ch * NPAD) + base, CG)
                pltpu.async_copy(
                    gbx.at[pl.ds(ch * CG, CG)],
                    g_hbm.at[pl.ds(dst0, CG)],
                    semw,
                )

        def wait_writes(k_):
            base = chunk_base(k_)
            for ch in range(NCH):
                dst0 = pl.multiple_of(np.int32(ch * NPAD) + base, CG)
                pltpu.make_async_copy(
                    gbx.at[pl.ds(ch * CG, CG)],
                    g_hbm.at[pl.ds(dst0, CG)],
                    semw,
                ).wait()

        hash_chunk(0, 0)
        fire(0)

        @pl.loop(0, GCHUNKS // 2)
        def _pair(kk):
            k0 = kk * 2
            hash_chunk(k0 + 1, 1)
            fire(1)
            wait_gather(0)
            transform(k0, 0)
            fire_writes(k0)

            @pl.when(k0 + 2 < GCHUNKS)
            def _():
                hash_chunk(k0 + 2, 0)
                fire(0)

            wait_gather(1)
            wait_writes(k0)
            transform(k0 + 1, 1)
            fire_writes(k0 + 1)
            wait_writes(k0 + 1)

        pltpu.sync_copy(acc, part_hbm.at[pl.ds(pl.multiple_of(wid * 32, 16), 16)])
        pltpu.sync_copy(
            accsq, part_hbm.at[pl.ds(pl.multiple_of(wid * 32 + 16, 16), 16)]
        )

    return k(t16, cflat)


def _tc_act_body(g_ref, p_ref, fac_ref, o_ref):
    p = p_ref[...]
    fl = lax.broadcasted_iota(jnp.int32, p.shape, 0) * 128 + lax.broadcasted_iota(
        jnp.int32, p.shape, 1
    )
    ch3 = (fl % 16) < 3
    is_sum = ((fl % 32) < 16) & ch3
    is_sq = ((fl % 32) >= 16) & ch3
    S = jnp.sum(jnp.where(is_sum, p, 0.0))
    SS = jnp.sum(jnp.where(is_sq, p, 0.0))
    M = jnp.float32(3 * N)
    mu = S / M
    var = (SS - S * S / M) / (M - 1.0)
    inv_sd = lax.rsqrt(var)
    f = fac_ref[0, 0]
    vs = fac_ref[0, 1]
    s1 = 2.0 * f / vs
    g = g_ref[...]
    rows = lax.broadcasted_iota(jnp.int32, g.shape, 0)
    sig = 1.0 / (1.0 + jnp.exp(-g))
    sig4 = 1.0 / (1.0 + jnp.exp(-(g - 4.0)))
    dm = (g - mu) * inv_sd * (s1 / 6.0)
    o_ref[...] = jnp.where(
        rows < 3,
        dm,
        jnp.where(
            rows < 7,
            g,
            jnp.where(rows < 10, sig * s1, jnp.where(rows == 13, sig4, sig)),
        ),
    )


def _tc_activate(g_raw, partials, fac):
    BN = 8192
    grid = (pl.cdiv(N, BN),)
    return pl.pallas_call(
        _tc_act_body,
        grid=grid,
        in_specs=[
            pl.BlockSpec((NCH, BN), lambda i: (0, i)),
            pl.BlockSpec((8, 128), lambda i: (0, 0)),
            pl.BlockSpec((1, 2), lambda i: (0, 0)),
        ],
        out_specs=pl.BlockSpec((NCH, BN), lambda i: (0, i)),
        out_shape=jax.ShapeDtypeStruct((NCH, N), jnp.float32),
    )(g_raw, partials, fac)


def kernel(hash_table, coordinates, far, voxel_size):
    cflat = jnp.pad(coordinates, ((0, NPAD - N), (0, 0))).reshape(-1)
    chans = _tc_flatten(hash_table)
    t16 = _sc_transpose(chans).reshape(TABLE_T, 16)
    g_raw, partials = _sc_gather(t16, cflat)
    fac = jnp.stack(
        [far[0].astype(jnp.float32),
         jnp.asarray(voxel_size, jnp.float32)]
    ).reshape(1, 2)
    return _tc_activate(
        g_raw.reshape(NCH, NPAD), partials.reshape(8, 128), fac
    )

# --- scband reference (transcript-rebuilt; emitter-appended) ---
"""Pipeline reference for scband-hash-table-voxelized-gaussian-adapter-module-86990267613197 (READ-ONLY COPY).

The authoritative reference and input builder live on the scoring server;
editing this copy changes nothing except your own understanding.
"""

import jax, jax.numpy as jnp
import numpy as np

N_COORDS = 1000000
TABLE_T = 2097152  # power of two so uint32 arithmetic matches int64 hash modulo
NUM_CH = 15
VOXEL_SIZE = 512


def _hash_query_index(coordinates, table_size):
    # primes PI_1=1, PI_2=2654435761, PI_3=805459861; product wraps identically
    # to int64 low-32-bits because table_size is a power of two <= 2**32
    primes = jnp.array([1, 2654435761, 805459861], dtype=jnp.uint32)
    c = coordinates.astype(jnp.uint32)
    prod = c * primes  # [N, 3] uint32 (wraps mod 2**32)
    h = prod[:, 0] ^ prod[:, 1] ^ prod[:, 2]
    return (h % jnp.uint32(table_size)).astype(jnp.int32)


def setup_inputs(seed: int = 0) -> dict:
    key = jax.random.key(seed)
    k1, k2 = jax.random.split(key)
    coordinates = jax.random.randint(k1, (N_COORDS, 3), 0, VOXEL_SIZE, dtype=jnp.int32)
    hash_table = jax.random.normal(k2, (NUM_CH, TABLE_T), dtype=jnp.float32)
    far = jnp.ones((1,), dtype=jnp.float32)
    return {"hash_table": hash_table, "coordinates": coordinates, "far": far, "voxel_size": VOXEL_SIZE}


def reference(hash_table, coordinates, far, voxel_size):
    # hash_query: gather columns of the hash table
    idx = _hash_query_index(coordinates, hash_table.shape[1])
    g = jnp.take(hash_table, idx, axis=1)  # [15, N]
    f = far[0]
    # activate_hash_table semantics (slices along channel dim)
    dm = g[0:3]
    mu = jnp.mean(dm)
    sd = jnp.std(dm, ddof=1)  # torch.std is unbiased by default
    dm = (dm - mu) / sd * 2.0 * f / voxel_size / 6.0
    quat = g[3:7]  # identity activation
    scale = jax.nn.sigmoid(g[7:10]) * 2.0 * f / voxel_size
    shs = jax.nn.sigmoid(g[10:13])
    opac = jax.nn.sigmoid(g[13:14] - 4.0)
    cur = jax.nn.sigmoid(g[14:15])
    return jnp.concatenate([dm, quat, scale, shs, opac, cur], axis=0)

if __name__ == "__main__":
    import jax
    _d = setup_inputs()
    print(jax.jit(kernel)(*tuple(_d.values())))

</pallas_src>

<mosaic_0001>
#map = affine_map<(d0, d1) -> (0, 0)>
#map1 = affine_map<(d0, d1) -> (0)>
module attributes {stable_mosaic.version = 14 : i64} {
  func.func @k(%arg0: i32, %arg1: i32, %arg2: memref<2097152x16xf32, #tpu.memory_space<hbm>>, %arg3: memref<3145728xi32, #tpu.memory_space<hbm>>, %arg4: memref<15728640xf32, #tpu.memory_space<hbm>>, %arg5: memref<1024xf32, #tpu.memory_space<hbm>>, %arg6: memref<6144xi32, #tpu.memory_space<vmem>>, %arg7: memref<2048xi32, #tpu.memory_space<vmem>>, %arg8: memref<2048xi32, #tpu.memory_space<vmem>>, %arg9: memref<2048x16xf32, #tpu.memory_space<vmem>>, %arg10: memref<2048x16xf32, #tpu.memory_space<vmem>>, %arg11: memref<32768xf32, #tpu.memory_space<vmem>>, %arg12: memref<16xf32, #tpu.memory_space<vmem>>, %arg13: memref<16xf32, #tpu.memory_space<vmem>>, %arg14: memref<!tpu.dma_semaphore, #tpu.memory_space<semaphore_mem>>, %arg15: memref<!tpu.dma_semaphore, #tpu.memory_space<semaphore_mem>>, %arg16: memref<!tpu.dma_semaphore, #tpu.memory_space<semaphore_mem>>) attributes {dimension_semantics = [#tpu.dimension_semantics<core_parallel>, #tpu.dimension_semantics<subcore_parallel>], iteration_bounds = array<i64: 2, 16>, scalar_prefetch = 0 : i64, scratch_operands = 11 : i64, tpu.core_type = #tpu.core_type<sc_vector_subcore>, window_params = [{transform_indices = #map}, {transform_indices = #map1}, {transform_indices = #map1}, {transform_indices = #map1}]} {
    %mul3A = arith.constant 2 : i32
    %mul3A_0 = arith.muli %arg1, %mul3A : i32
    %add3A = arith.addi %mul3A_0, %arg0 : i32
    %mul3A_1 = arith.constant 32768 : i32
    %mul3A_2 = arith.muli %add3A, %mul3A_1 : i32
    %broadcast_in_dim3A = arith.constant 0.000000e+00 : f32
    %broadcast_in_dim3A_3 = vector.broadcast %broadcast_in_dim3A : f32 to vector<16xf32>
    %swap3A = arith.constant 0 : index
    %swap3A_4 = tpu.vector_load %arg12[%swap3A] {strides = array<i32>} : memref<16xf32, #tpu.memory_space<vmem>>, vector<16xf32>,
    tpu.vector_store %arg12[%swap3A], %broadcast_in_dim3A_3 {strides = array<i32>} : memref<16xf32, #tpu.memory_space<vmem>>, vector<16xf32>,
    %broadcast_in_dim3A_5 = arith.constant 0.000000e+00 : f32
    %broadcast_in_dim3A_6 = vector.broadcast %broadcast_in_dim3A_5 : f32 to vector<16xf32>
    %swap3A_7 = arith.constant 0 : index
    %swap3A_8 = tpu.vector_load %arg13[%swap3A_7] {strides = array<i32>} : memref<16xf32, #tpu.memory_space<vmem>>, vector<16xf32>,
    tpu.vector_store %arg13[%swap3A_7], %broadcast_in_dim3A_6 {strides = array<i32>} : memref<16xf32, #tpu.memory_space<vmem>>, vector<16xf32>,
    %iota3A = tpu.iota {dimensions = array<i32: 0>} : vector<16xi32>
    %mul3A_9 = arith.constant 2048 : i32
    %mul3A_10 = vector.broadcast %mul3A_9 : i32 to vector<16xi32>
    %mul3A_11 = arith.muli %iota3A, %mul3A_10 : vector<16xi32>
    %add3A_12 = arith.constant 0 : i32
    %add3A_13 = arith.addi %mul3A_2, %add3A_12 : i32
    %multiple_of3A = tpu.assume_multiple %add3A_13, 2048 : i32
    %mul3A_14 = arith.constant 3 : i32
    %mul3A_15 = arith.muli %multiple_of3A, %mul3A_14 : i32
    "tpu.region"() ({
      %run_scoped3A = tpu.sem_alloc : memref<!tpu.dma_semaphore, #tpu.memory_space<semaphore_mem>>
      %dma_start3A_32 = tpu.memref_slice %arg3[%mul3A_15] : memref<3145728xi32, #tpu.memory_space<hbm>> -> memref<6144xi32, #tpu.memory_space<hbm>>
      %dma_start3A_33 = tpu.memref_slice %arg3[%mul3A_15] : memref<3145728xi32, #tpu.memory_space<hbm>> -> memref<6144xi32, #tpu.memory_space<hbm>>
      tpu.enqueue_dma source(%dma_start3A_33 : memref<6144xi32, #tpu.memory_space<hbm>>) target(%arg6 : memref<6144xi32, #tpu.memory_space<vmem>>) target_semaphore(%run_scoped3A : memref<!tpu.dma_semaphore, #tpu.memory_space<semaphore_mem>>)
      %dma_wait3A = tpu.memref_slice %arg3[%mul3A_15] : memref<3145728xi32, #tpu.memory_space<hbm>> -> memref<6144xi32, #tpu.memory_space<hbm>>
      %dma_wait3A_34 = tpu.memref_slice %arg3[%mul3A_15] : memref<3145728xi32, #tpu.memory_space<hbm>> -> memref<6144xi32, #tpu.memory_space<hbm>>
      tpu.wait_dma2 semaphore(%run_scoped3A : memref<!tpu.dma_semaphore, #tpu.memory_space<semaphore_mem>>) src(%dma_wait3A_34 : memref<6144xi32, #tpu.memory_space<hbm>>) dst(%arg6 : memref<6144xi32, #tpu.memory_space<vmem>>)
      tpu.yield
    }) : () -> ()
    %parallel_loop3A = arith.constant 0 : i32
    %parallel_loop3A_16 = arith.constant 2048 : i32
    %parallel_loop3A_17 = arith.constant 16 : i32
    scf.for %parallel_loop3A_32 = %parallel_loop3A to %parallel_loop3A_16 step %parallel_loop3A_17  : i32 {
      %parallel_loop3A_33 = arith.constant 3 : i32
      %parallel_loop3A_34 = arith.muli %parallel_loop3A_32, %parallel_loop3A_33 : i32
      %parallel_loop3A_35 = arith.constant 3 : i32
      %parallel_loop3A_36 = vector.broadcast %parallel_loop3A_35 : i32 to vector<16xi32>
      %parallel_loop3A_37 = arith.muli %iota3A, %parallel_loop3A_36 : vector<16xi32>
      %parallel_loop3A_38 = vector.broadcast %parallel_loop3A_34 : i32 to vector<16xi32>
      %parallel_loop3A_39 = arith.addi %parallel_loop3A_38, %parallel_loop3A_37 : vector<16xi32>
      %parallel_loop3A_40 = tpu.vector_load_idx %arg6[%parallel_loop3A_39] : memref<6144xi32, #tpu.memory_space<vmem>>[vector<16xi32>], vector<16xi32>,
      %parallel_loop3A_41 = arith.constant 1 : i32
      %parallel_loop3A_42 = vector.broadcast %parallel_loop3A_41 : i32 to vector<16xi32>
      %parallel_loop3A_43 = arith.addi %parallel_loop3A_39, %parallel_loop3A_42 : vector<16xi32>
      %parallel_loop3A_44 = tpu.vector_load_idx %arg6[%parallel_loop3A_43] : memref<6144xi32, #tpu.memory_space<vmem>>[vector<16xi32>], vector<16xi32>,
      %parallel_loop3A_45 = arith.constant 2 : i32
      %parallel_loop3A_46 = vector.broadcast %parallel_loop3A_45 : i32 to vector<16xi32>
      %parallel_loop3A_47 = arith.addi %parallel_loop3A_39, %parallel_loop3A_46 : vector<16xi32>
      %parallel_loop3A_48 = tpu.vector_load_idx %arg6[%parallel_loop3A_47] : memref<6144xi32, #tpu.memory_space<vmem>>[vector<16xi32>], vector<16xi32>,
      %parallel_loop3A_49 = arith.constant -1640531535 : i32
      %parallel_loop3A_50 = vector.broadcast %parallel_loop3A_49 : i32 to vector<16xi32>
      %parallel_loop3A_51 = arith.muli %parallel_loop3A_44, %parallel_loop3A_50 : vector<16xi32>
      %parallel_loop3A_52 = arith.xori %parallel_loop3A_40, %parallel_loop3A_51 : vector<16xi32>
      %parallel_loop3A_53 = arith.constant 805459861 : i32
      %parallel_loop3A_54 = vector.broadcast %parallel_loop3A_53 : i32 to vector<16xi32>
      %parallel_loop3A_55 = arith.muli %parallel_loop3A_48, %parallel_loop3A_54 : vector<16xi32>
      %parallel_loop3A_56 = arith.xori %parallel_loop3A_52, %parallel_loop3A_55 : vector<16xi32>
      %parallel_loop3A_57 = arith.constant 2097151 : i32
      %parallel_loop3A_58 = vector.broadcast %parallel_loop3A_57 : i32 to vector<16xi32>
      %parallel_loop3A_59 = arith.andi %parallel_loop3A_56, %parallel_loop3A_58 : vector<16xi32>
      %parallel_loop3A_60 = arith.index_cast %parallel_loop3A_32 : i32 to index
      %parallel_loop3A_61 = tpu.vector_load %arg7[%parallel_loop3A_60] {strides = array<i32>} : memref<2048xi32, #tpu.memory_space<vmem>>, vector<16xi32>,
      tpu.vector_store %arg7[%parallel_loop3A_60], %parallel_loop3A_59 {strides = array<i32>} : memref<2048xi32, #tpu.memory_space<vmem>>, vector<16xi32>,
    } {sc.loop_unroll_factor = 4 : i64, sc.parallel_access}
    %dma_start3A = arith.constant 0 : i32
    %dma_start3A_18 = arith.constant 0 : i32
    %dma_start3A_19 = tpu.memref_slice %arg2[%dma_start3A, %dma_start3A_18] : memref<2097152x16xf32, #tpu.memory_space<hbm>> -> memref<2097152x16xf32, #tpu.memory_space<hbm>>
    tpu.enqueue_indirect_dma source(%dma_start3A_19 : memref<2097152x16xf32, #tpu.memory_space<hbm>>) target(%arg9 : memref<2048x16xf32, #tpu.memory_space<vmem>>) offsets(%arg7 : memref<2048xi32, #tpu.memory_space<vmem>>) semaphore(%arg14 : memref<!tpu.dma_semaphore, #tpu.memory_space<semaphore_mem>>)
    %scan3A = arith.constant 0 : i32
    %scan3A_20 = arith.constant 8 : i32
    %scan3A_21 = arith.addi %scan3A, %scan3A_20 : i32
    %scan3A_22 = arith.constant 1 : i32
    scf.for %scan3A_32 = %scan3A to %scan3A_21 step %scan3A_22  : i32 {
      %mul3A_33 = arith.constant 1 : i32
      %mul3A_34 = arith.muli %scan3A_32, %mul3A_33 : i32
      %add3A_35 = arith.constant 0 : i32
      %add3A_36 = arith.addi %add3A_35, %mul3A_34 : i32
      %mul3A_37 = arith.constant 2 : i32
      %mul3A_38 = arith.muli %add3A_36, %mul3A_37 : i32
      %add3A_39 = arith.constant 1 : i32
      %add3A_40 = arith.addi %mul3A_38, %add3A_39 : i32
      %mul3A_41 = arith.constant 2048 : i32
      %mul3A_42 = arith.muli %add3A_40, %mul3A_41 : i32
      %add3A_43 = arith.addi %mul3A_2, %mul3A_42 : i32
      %multiple_of3A_44 = tpu.assume_multiple %add3A_43, 2048 : i32
      %mul3A_45 = arith.constant 3 : i32
      %mul3A_46 = arith.muli %multiple_of3A_44, %mul3A_45 : i32
      "tpu.region"() ({
        %run_scoped3A = tpu.sem_alloc : memref<!tpu.dma_semaphore, #tpu.memory_space<semaphore_mem>>
        %dma_start3A_655 = tpu.memref_slice %arg3[%mul3A_46] : memref<3145728xi32, #tpu.memory_space<hbm>> -> memref<6144xi32, #tpu.memory_space<hbm>>
        %dma_start3A_656 = tpu.memref_slice %arg3[%mul3A_46] : memref<3145728xi32, #tpu.memory_space<hbm>> -> memref<6144xi32, #tpu.memory_space<hbm>>
        tpu.enqueue_dma source(%dma_start3A_656 : memref<6144xi32, #tpu.memory_space<hbm>>) target(%arg6 : memref<6144xi32, #tpu.memory_space<vmem>>) target_semaphore(%run_scoped3A : memref<!tpu.dma_semaphore, #tpu.memory_space<semaphore_mem>>)
        %dma_wait3A_657 = tpu.memref_slice %arg3[%mul3A_46] : memref<3145728xi32, #tpu.memory_space<hbm>> -> memref<6144xi32, #tpu.memory_space<hbm>>
        %dma_wait3A_658 = tpu.memref_slice %arg3[%mul3A_46] : memref<3145728xi32, #tpu.memory_space<hbm>> -> memref<6144xi32, #tpu.memory_space<hbm>>
        tpu.wait_dma2 semaphore(%run_scoped3A : memref<!tpu.dma_semaphore, #tpu.memory_space<semaphore_mem>>) src(%dma_wait3A_658 : memref<6144xi32, #tpu.memory_space<hbm>>) dst(%arg6 : memref<6144xi32, #tpu.memory_space<vmem>>)
        tpu.yield
      }) : () -> ()
      %parallel_loop3A_47 = arith.constant 0 : i32
      %parallel_loop3A_48 = arith.constant 2048 : i32
      %parallel_loop3A_49 = arith.constant 16 : i32
      scf.for %parallel_loop3A_655 = %parallel_loop3A_47 to %parallel_loop3A_48 step %parallel_loop3A_49  : i32 {
        %parallel_loop3A_656 = arith.constant 3 : i32
        %parallel_loop3A_657 = arith.muli %parallel_loop3A_655, %parallel_loop3A_656 : i32
        %parallel_loop3A_658 = arith.constant 3 : i32
        %parallel_loop3A_659 = vector.broadcast %parallel_loop3A_658 : i32 to vector<16xi32>
        %parallel_loop3A_660 = arith.muli %iota3A, %parallel_loop3A_659 : vector<16xi32>
        %parallel_loop3A_661 = vector.broadcast %parallel_loop3A_657 : i32 to vector<16xi32>
        %parallel_loop3A_662 = arith.addi %parallel_loop3A_661, %parallel_loop3A_660 : vector<16xi32>
        %parallel_loop3A_663 = tpu.vector_load_idx %arg6[%parallel_loop3A_662] : memref<6144xi32, #tpu.memory_space<vmem>>[vector<16xi32>], vector<16xi32>,
        %parallel_loop3A_664 = arith.constant 1 : i32
        %parallel_loop3A_665 = vector.broadcast %parallel_loop3A_664 : i32 to vector<16xi32>
        %parallel_loop3A_666 = arith.addi %parallel_loop3A_662, %parallel_loop3A_665 : vector<16xi32>
        %parallel_loop3A_667 = tpu.vector_load_idx %arg6[%parallel_loop3A_666] : memref<6144xi32, #tpu.memory_space<vmem>>[vector<16xi32>], vector<16xi32>,
        %parallel_loop3A_668 = arith.constant 2 : i32
        %parallel_loop3A_669 = vector.broadcast %parallel_loop3A_668 : i32 to vector<16xi32>
        %parallel_loop3A_670 = arith.addi %parallel_loop3A_662, %parallel_loop3A_669 : vector<16xi32>
        %parallel_loop3A_671 = tpu.vector_load_idx %arg6[%parallel_loop3A_670] : memref<6144xi32, #tpu.memory_space<vmem>>[vector<16xi32>], vector<16xi32>,
        %parallel_loop3A_672 = arith.constant -1640531535 : i32
        %parallel_loop3A_673 = vector.broadcast %parallel_loop3A_672 : i32 to vector<16xi32>
        %parallel_loop3A_674 = arith.muli %parallel_loop3A_667, %parallel_loop3A_673 : vector<16xi32>
        %parallel_loop3A_675 = arith.xori %parallel_loop3A_663, %parallel_loop3A_674 : vector<16xi32>
        %parallel_loop3A_676 = arith.constant 805459861 : i32
        %parallel_loop3A_677 = vector.broadcast %parallel_loop3A_676 : i32 to vector<16xi32>
        %parallel_loop3A_678 = arith.muli %parallel_loop3A_671, %parallel_loop3A_677 : vector<16xi32>
        %parallel_loop3A_679 = arith.xori %parallel_loop3A_675, %parallel_loop3A_678 : vector<16xi32>
        %parallel_loop3A_680 = arith.constant 2097151 : i32
        %parallel_loop3A_681 = vector.broadcast %parallel_loop3A_680 : i32 to vector<16xi32>
        %parallel_loop3A_682 = arith.andi %parallel_loop3A_679, %parallel_loop3A_681 : vector<16xi32>
        %parallel_loop3A_683 = arith.index_cast %parallel_loop3A_655 : i32 to index
        %parallel_loop3A_684 = tpu.vector_load %arg8[%parallel_loop3A_683] {strides = array<i32>} : memref<2048xi32, #tpu.memory_space<vmem>>, vector<16xi32>,
        tpu.vector_store %arg8[%parallel_loop3A_683], %parallel_loop3A_682 {strides = array<i32>} : memref<2048xi32, #tpu.memory_space<vmem>>, vector<16xi32>,
      } {sc.loop_unroll_factor = 4 : i64, sc.parallel_access}
      %dma_start3A_50 = arith.constant 0 : i32
      %dma_start3A_51 = arith.constant 0 : i32
      %dma_start3A_52 = tpu.memref_slice %arg2[%dma_start3A_50, %dma_start3A_51] : memref<2097152x16xf32, #tpu.memory_space<hbm>> -> memref<2097152x16xf32, #tpu.memory_space<hbm>>
      tpu.enqueue_indirect_dma source(%dma_start3A_52 : memref<2097152x16xf32, #tpu.memory_space<hbm>>) target(%arg10 : memref<2048x16xf32, #tpu.memory_space<vmem>>) offsets(%arg8 : memref<2048xi32, #tpu.memory_space<vmem>>) semaphore(%arg15 : memref<!tpu.dma_semaphore, #tpu.memory_space<semaphore_mem>>)
      %dma_wait3A = arith.constant 0 : i32
      %dma_wait3A_53 = arith.constant 0 : i32
      %dma_wait3A_54 = tpu.memref_slice %arg2[%dma_wait3A, %dma_wait3A_53] : memref<2097152x16xf32, #tpu.memory_space<hbm>> -> memref<2097152x16xf32, #tpu.memory_space<hbm>>
      tpu.wait_indirect_dma semaphore(%arg14 : memref<!tpu.dma_semaphore, #tpu.memory_space<semaphore_mem>>) src(%dma_wait3A_54 : memref<2097152x16xf32, #tpu.memory_space<hbm>>) dst(%arg9 : memref<2048x16xf32, #tpu.memory_space<vmem>>)
      %mul3A_55 = arith.constant 2048 : i32
      %mul3A_56 = arith.muli %mul3A_38, %mul3A_55 : i32
      %add3A_57 = arith.addi %mul3A_2, %mul3A_56 : i32
      %multiple_of3A_58 = tpu.assume_multiple %add3A_57, 2048 : i32
      %get3A = arith.constant 0 : index
      %get3A_59 = tpu.vector_load %arg12[%get3A] {strides = array<i32>} : memref<16xf32, #tpu.memory_space<vmem>>, vector<16xf32>,
      %get3A_60 = arith.constant 0 : index
      %get3A_61 = tpu.vector_load %arg13[%get3A_60] {strides = array<i32>} : memref<16xf32, #tpu.memory_space<vmem>>, vector<16xf32>,
      %parallel_loop3A_62 = arith.constant 0 : i32
      %parallel_loop3A_63 = arith.constant 2048 : i32
      %parallel_loop3A_64 = arith.constant 1 : i32
      %parallel_loop3A_65:2 = scf.for %parallel_loop3A_655 = %parallel_loop3A_62 to %parallel_loop3A_63 step %parallel_loop3A_64 iter_args(%parallel_loop3A_656 = %get3A_59, %parallel_loop3A_657 = %get3A_61) -> (vector<16xf32>, vector<16xf32>)  : i32 {
        %parallel_loop3A_658 = arith.index_cast %parallel_loop3A_655 : i32 to index
        %parallel_loop3A_659 = arith.constant 0 : index
        %parallel_loop3A_660 = tpu.vector_load %arg9[%parallel_loop3A_658, %parallel_loop3A_659] {strides = array<i32>} : memref<2048x16xf32, #tpu.memory_space<vmem>>, vector<16xf32>,
        %parallel_loop3A_661 = arith.addi %multiple_of3A_58, %parallel_loop3A_655 : i32
        %parallel_loop3A_662 = arith.constant 1000000 : i32
        %parallel_loop3A_663 = arith.cmpi slt, %parallel_loop3A_661, %parallel_loop3A_662 : i32
        %parallel_loop3A_664 = arith.constant 1.000000e+00 : f32
        %parallel_loop3A_665 = arith.constant 0.000000e+00 : f32
        %parallel_loop3A_666 = arith.select %parallel_loop3A_663, %parallel_loop3A_664, %parallel_loop3A_665 : f32
        %parallel_loop3A_667 = vector.broadcast %parallel_loop3A_655 : i32 to vector<16xi32>
        %parallel_loop3A_668 = arith.addi %mul3A_11, %parallel_loop3A_667 : vector<16xi32>
        tpu.vector_store_idx %arg11[%parallel_loop3A_668], %parallel_loop3A_660 : memref<32768xf32, #tpu.memory_space<vmem>>[vector<16xi32>], vector<16xf32>,
        %parallel_loop3A_669 = vector.broadcast %parallel_loop3A_666 : f32 to vector<16xf32>
        %parallel_loop3A_670 = arith.mulf %parallel_loop3A_660, %parallel_loop3A_669 : vector<16xf32>
        %parallel_loop3A_671 = arith.addf %parallel_loop3A_656, %parallel_loop3A_670 : vector<16xf32>
        %parallel_loop3A_672 = arith.mulf %parallel_loop3A_660, %parallel_loop3A_660 : vector<16xf32>
        %parallel_loop3A_673 = vector.broadcast %parallel_loop3A_666 : f32 to vector<16xf32>
        %parallel_loop3A_674 = arith.mulf %parallel_loop3A_672, %parallel_loop3A_673 : vector<16xf32>
        %parallel_loop3A_675 = arith.addf %parallel_loop3A_657, %parallel_loop3A_674 : vector<16xf32>
        scf.yield %parallel_loop3A_671, %parallel_loop3A_675 : vector<16xf32>, vector<16xf32>
      } {sc.loop_unroll_factor = 8 : i64, sc.parallel_access}
      %swap3A_66 = arith.constant 0 : index
      %swap3A_67 = tpu.vector_load %arg12[%swap3A_66] {strides = array<i32>} : memref<16xf32, #tpu.memory_space<vmem>>, vector<16xf32>,
      tpu.vector_store %arg12[%swap3A_66], %parallel_loop3A_65#0 {strides = array<i32>} : memref<16xf32, #tpu.memory_space<vmem>>, vector<16xf32>,
      %swap3A_68 = arith.constant 0 : index
      %swap3A_69 = tpu.vector_load %arg13[%swap3A_68] {strides = array<i32>} : memref<16xf32, #tpu.memory_space<vmem>>, vector<16xf32>,
      tpu.vector_store %arg13[%swap3A_68], %parallel_loop3A_65#1 {strides = array<i32>} : memref<16xf32, #tpu.memory_space<vmem>>, vector<16xf32>,
      %mul3A_70 = arith.constant 2048 : i32
      %mul3A_71 = arith.muli %mul3A_38, %mul3A_70 : i32
      %add3A_72 = arith.addi %mul3A_2, %mul3A_71 : i32
      %multiple_of3A_73 = tpu.assume_multiple %add3A_72, 2048 : i32
      %add3A_74 = arith.constant 0 : i32
      %add3A_75 = arith.addi %add3A_74, %multiple_of3A_73 : i32
      %multiple_of3A_76 = tpu.assume_multiple %add3A_75, 2048 : i32
      %dma_start3A_77 = arith.constant 0 : i32
      %dma_start3A_78 = tpu.memref_slice %arg11[%dma_start3A_77] : memref<32768xf32, #tpu.memory_space<vmem>> -> memref<2048xf32, #tpu.memory_space<vmem>>
      %dma_start3A_79 = tpu.memref_slice %arg4[%multiple_of3A_76] : memref<15728640xf32, #tpu.memory_space<hbm>> -> memref<2048xf32, #tpu.memory_space<hbm>>
      %dma_start3A_80 = tpu.memref_slice %arg4[%multiple_of3A_76] : memref<15728640xf32, #tpu.memory_space<hbm>> -> memref<2048xf32, #tpu.memory_space<hbm>>
      %dma_start3A_81 = arith.constant 0 : i32
      %dma_start3A_82 = tpu.memref_slice %arg11[%dma_start3A_81] : memref<32768xf32, #tpu.memory_space<vmem>> -> memref<2048xf32, #tpu.memory_space<vmem>>
      tpu.enqueue_dma source(%dma_start3A_82 : memref<2048xf32, #tpu.memory_space<vmem>>) target(%dma_start3A_80 : memref<2048xf32, #tpu.memory_space<hbm>>) target_semaphore(%arg16 : memref<!tpu.dma_semaphore, #tpu.memory_space<semaphore_mem>>)
      %add3A_83 = arith.constant 1048576 : i32
      %add3A_84 = arith.addi %add3A_83, %multiple_of3A_73 : i32
      %multiple_of3A_85 = tpu.assume_multiple %add3A_84, 2048 : i32
      %dma_start3A_86 = arith.constant 2048 : i32
      %dma_start3A_87 = tpu.memref_slice %arg11[%dma_start3A_86] : memref<32768xf32, #tpu.memory_space<vmem>> -> memref<2048xf32, #tpu.memory_space<vmem>>
      %dma_start3A_88 = tpu.memref_slice %arg4[%multiple_of3A_85] : memref<15728640xf32, #tpu.memory_space<hbm>> -> memref<2048xf32, #tpu.memory_space<hbm>>
      %dma_start3A_89 = tpu.memref_slice %arg4[%multiple_of3A_85] : memref<15728640xf32, #tpu.memory_space<hbm>> -> memref<2048xf32, #tpu.memory_space<hbm>>
      %dma_start3A_90 = arith.constant 2048 : i32
      %dma_start3A_91 = tpu.memref_slice %arg11[%dma_start3A_90] : memref<32768xf32, #tpu.memory_space<vmem>> -> memref<2048xf32, #tpu.memory_space<vmem>>
      tpu.enqueue_dma source(%dma_start3A_91 : memref<2048xf32, #tpu.memory_space<vmem>>) target(%dma_start3A_89 : memref<2048xf32, #tpu.memory_space<hbm>>) target_semaphore(%arg16 : memref<!tpu.dma_semaphore, #tpu.memory_space<semaphore_mem>>)
      %add3A_92 = arith.constant 2097152 : i32
      %add3A_93 = arith.addi %add3A_92, %multiple_of3A_73 : i32
      %multiple_of3A_94 = tpu.assume_multiple %add3A_93, 2048 : i32
      %dma_start3A_95 = arith.constant 4096 : i32
      %dma_start3A_96 = tpu.memref_slice %arg11[%dma_start3A_95] : memref<32768xf32, #tpu.memory_space<vmem>> -> memref<2048xf32, #tpu.memory_space<vmem>>
      %dma_start3A_97 = tpu.memref_slice %arg4[%multiple_of3A_94] : memref<15728640xf32, #tpu.memory_space<hbm>> -> memref<2048xf32, #tpu.memory_space<hbm>>
      %dma_start3A_98 = tpu.memref_slice %arg4[%multiple_of3A_94] : memref<15728640xf32, #tpu.memory_space<hbm>> -> memref<2048xf32, #tpu.memory_space<hbm>>
      %dma_start3A_99 = arith.constant 4096 : i32
      %dma_start3A_100 = tpu.memref_slice %arg11[%dma_start3A_99] : memref<32768xf32, #tpu.memory_space<vmem>> -> memref<2048xf32, #tpu.memory_space<vmem>>
      tpu.enqueue_dma source(%dma_start3A_100 : memref<2048xf32, #tpu.memory_space<vmem>>) target(%dma_start3A_98 : memref<2048xf32, #tpu.memory_space<hbm>>) target_semaphore(%arg16 : memref<!tpu.dma_semaphore, #tpu.memory_space<semaphore_mem>>)
      %add3A_101 = arith.constant 3145728 : i32
      %add3A_102 = arith.addi %add3A_101, %multiple_of3A_73 : i32
      %multiple_of3A_103 = tpu.assume_multiple %add3A_102, 2048 : i32
      %dma_start3A_104 = arith.constant 6144 : i32
      %dma_start3A_105 = tpu.memref_slice %arg11[%dma_start3A_104] : memref<32768xf32, #tpu.memory_space<vmem>> -> memref<2048xf32, #tpu.memory_space<vmem>>
      %dma_start3A_106 = tpu.memref_slice %arg4[%multiple_of3A_103] : memref<15728640xf32, #tpu.memory_space<hbm>> -> memref<2048xf32, #tpu.memory_space<hbm>>
      %dma_start3A_107 = tpu.memref_slice %arg4[%multiple_of3A_103] : memref<15728640xf32, #tpu.memory_space<hbm>> -> memref<2048xf32, #tpu.memory_space<hbm>>
      %dma_start3A_108 = arith.constant 6144 : i32
      %dma_start3A_109 = tpu.memref_slice %arg11[%dma_start3A_108] : memref<32768xf32, #tpu.memory_space<vmem>> -> memref<2048xf32, #tpu.memory_space<vmem>>
      tpu.enqueue_dma source(%dma_start3A_109 : memref<2048xf32, #tpu.memory_space<vmem>>) target(%dma_start3A_107 : memref<2048xf32, #tpu.memory_space<hbm>>) target_semaphore(%arg16 : memref<!tpu.dma_semaphore, #tpu.memory_space<semaphore_mem>>)
      %add3A_110 = arith.constant 4194304 : i32
      %add3A_111 = arith.addi %add3A_110, %multiple_of3A_73 : i32
      %multiple_of3A_112 = tpu.assume_multiple %add3A_111, 2048 : i32
      %dma_start3A_113 = arith.constant 8192 : i32
      %dma_start3A_114 = tpu.memref_slice %arg11[%dma_start3A_113] : memref<32768xf32, #tpu.memory_space<vmem>> -> memref<2048xf32, #tpu.memory_space<vmem>>
      %dma_start3A_115 = tpu.memref_slice %arg4[%multiple_of3A_112] : memref<15728640xf32, #tpu.memory_space<hbm>> -> memref<2048xf32, #tpu.memory_space<hbm>>
      %dma_start3A_116 = tpu.memref_slice %arg4[%multiple_of3A_112] : memref<15728640xf32, #tpu.memory_space<hbm>> -> memref<2048xf32, #tpu.memory_space<hbm>>
      %dma_start3A_117 = arith.constant 8192 : i32
      %dma_start3A_118 = tpu.memref_slice %arg11[%dma_start3A_117] : memref<32768xf32, #tpu.memory_space<vmem>> -> memref<2048xf32, #tpu.memory_space<vmem>>
      tpu.enqueue_dma source(%dma_start3A_118 : memref<2048xf32, #tpu.memory_space<vmem>>) target(%dma_start3A_116 : memref<2048xf32, #tpu.memory_space<hbm>>) target_semaphore(%arg16 : memref<!tpu.dma_semaphore, #tpu.memory_space<semaphore_mem>>)
      %add3A_119 = arith.constant 5242880 : i32
      %add3A_120 = arith.addi %add3A_119, %multiple_of3A_73 : i32
      %multiple_of3A_121 = tpu.assume_multiple %add3A_120, 2048 : i32
      %dma_start3A_122 = arith.constant 10240 : i32
      %dma_start3A_123 = tpu.memref_slice %arg11[%dma_start3A_122] : memref<32768xf32, #tpu.memory_space<vmem>> -> memref<2048xf32, #tpu.memory_space<vmem>>
      %dma_start3A_124 = tpu.memref_slice %arg4[%multiple_of3A_121] : memref<15728640xf32, #tpu.memory_space<hbm>> -> memref<2048xf32, #tpu.memory_space<hbm>>
      %dma_start3A_125 = tpu.memref_slice %arg4[%multiple_of3A_121] : memref<15728640xf32, #tpu.memory_space<hbm>> -> memref<2048xf32, #tpu.memory_space<hbm>>
      %dma_start3A_126 = arith.constant 10240 : i32
      %dma_start3A_127 = tpu.memref_slice %arg11[%dma_start3A_126] : memref<32768xf32, #tpu.memory_space<vmem>> -> memref<2048xf32, #tpu.memory_space<vmem>>
      tpu.enqueue_dma source(%dma_start3A_127 : memref<2048xf32, #tpu.memory_space<vmem>>) target(%dma_start3A_125 : memref<2048xf32, #tpu.memory_space<hbm>>) target_semaphore(%arg16 : memref<!tpu.dma_semaphore, #tpu.memory_space<semaphore_mem>>)
      %add3A_128 = arith.constant 6291456 : i32
      %add3A_129 = arith.addi %add3A_128, %multiple_of3A_73 : i32
      %multiple_of3A_130 = tpu.assume_multiple %add3A_129, 2048 : i32
      %dma_start3A_131 = arith.constant 12288 : i32
      %dma_start3A_132 = tpu.memref_slice %arg11[%dma_start3A_131] : memref<32768xf32, #tpu.memory_space<vmem>> -> memref<2048xf32, #tpu.memory_space<vmem>>
      %dma_start3A_133 = tpu.memref_slice %arg4[%multiple_of3A_130] : memref<15728640xf32, #tpu.memory_space<hbm>> -> memref<2048xf32, #tpu.memory_space<hbm>>
      %dma_start3A_134 = tpu.memref_slice %arg4[%multiple_of3A_130] : memref<15728640xf32, #tpu.memory_space<hbm>> -> memref<2048xf32, #tpu.memory_space<hbm>>
      %dma_start3A_135 = arith.constant 12288 : i32
      %dma_start3A_136 = tpu.memref_slice %arg11[%dma_start3A_135] : memref<32768xf32, #tpu.memory_space<vmem>> -> memref<2048xf32, #tpu.memory_space<vmem>>
      tpu.enqueue_dma source(%dma_start3A_136 : memref<2048xf32, #tpu.memory_space<vmem>>) target(%dma_start3A_134 : memref<2048xf32, #tpu.memory_space<hbm>>) target_semaphore(%arg16 : memref<!tpu.dma_semaphore, #tpu.memory_space<semaphore_mem>>)
      %add3A_137 = arith.constant 7340032 : i32
      %add3A_138 = arith.addi %add3A_137, %multiple_of3A_73 : i32
      %multiple_of3A_139 = tpu.assume_multiple %add3A_138, 2048 : i32
      %dma_start3A_140 = arith.constant 14336 : i32
      %dma_start3A_141 = tpu.memref_slice %arg11[%dma_start3A_140] : memref<32768xf32, #tpu.memory_space<vmem>> -> memref<2048xf32, #tpu.memory_space<vmem>>
      %dma_start3A_142 = tpu.memref_slice %arg4[%multiple_of3A_139] : memref<15728640xf32, #tpu.memory_space<hbm>> -> memref<2048xf32, #tpu.memory_space<hbm>>
      %dma_start3A_143 = tpu.memref_slice %arg4[%multiple_of3A_139] : memref<15728640xf32, #tpu.memory_space<hbm>> -> memref<2048xf32, #tpu.memory_space<hbm>>
      %dma_start3A_144 = arith.constant 14336 : i32
      %dma_start3A_145 = tpu.memref_slice %arg11[%dma_start3A_144] : memref<32768xf32, #tpu.memory_space<vmem>> -> memref<2048xf32, #tpu.memory_space<vmem>>
      tpu.enqueue_dma source(%dma_start3A_145 : memref<2048xf32, #tpu.memory_space<vmem>>) target(%dma_start3A_143 : memref<2048xf32, #tpu.memory_space<hbm>>) target_semaphore(%arg16 : memref<!tpu.dma_semaphore, #tpu.memory_space<semaphore_mem>>)
      %add3A_146 = arith.constant 8388608 : i32
      %add3A_147 = arith.addi %add3A_146, %multiple_of3A_73 : i32
      %multiple_of3A_148 = tpu.assume_multiple %add3A_147, 2048 : i32
      %dma_start3A_149 = arith.constant 16384 : i32
      %dma_start3A_150 = tpu.memref_slice %arg11[%dma_start3A_149] : memref<32768xf32, #tpu.memory_space<vmem>> -> memref<2048xf32, #tpu.memory_space<vmem>>
      %dma_start3A_151 = tpu.memref_slice %arg4[%multiple_of3A_148] : memref<15728640xf32, #tpu.memory_space<hbm>> -> memref<2048xf32, #tpu.memory_space<hbm>>
      %dma_start3A_152 = tpu.memref_slice %arg4[%multiple_of3A_148] : memref<15728640xf32, #tpu.memory_space<hbm>> -> memref<2048xf32, #tpu.memory_space<hbm>>
      %dma_start3A_153 = arith.constant 16384 : i32
      %dma_start3A_154 = tpu.memref_slice %arg11[%dma_start3A_153] : memref<32768xf32, #tpu.memory_space<vmem>> -> memref<2048xf32, #tpu.memory_space<vmem>>
      tpu.enqueue_dma source(%dma_start3A_154 : memref<2048xf32, #tpu.memory_space<vmem>>) target(%dma_start3A_152 : memref<2048xf32, #tpu.memory_space<hbm>>) target_semaphore(%arg16 : memref<!tpu.dma_semaphore, #tpu.memory_space<semaphore_mem>>)
      %add3A_155 = arith.constant 9437184 : i32
      %add3A_156 = arith.addi %add3A_155, %multiple_of3A_73 : i32
      %multiple_of3A_157 = tpu.assume_multiple %add3A_156, 2048 : i32
      %dma_start3A_158 = arith.constant 18432 : i32
      %dma_start3A_159 = tpu.memref_slice %arg11[%dma_start3A_158] : memref<32768xf32, #tpu.memory_space<vmem>> -> memref<2048xf32, #tpu.memory_space<vmem>>
      %dma_start3A_160 = tpu.memref_slice %arg4[%multiple_of3A_157] : memref<15728640xf32, #tpu.memory_space<hbm>> -> memref<2048xf32, #tpu.memory_space<hbm>>
      %dma_start3A_161 = tpu.memref_slice %arg4[%multiple_of3A_157] : memref<15728640xf32, #tpu.memory_space<hbm>> -> memref<2048xf32, #tpu.memory_space<hbm>>
      %dma_start3A_162 = arith.constant 18432 : i32
      %dma_start3A_163 = tpu.memref_slice %arg11[%dma_start3A_162] : memref<32768xf32, #tpu.memory_space<vmem>> -> memref<2048xf32, #tpu.memory_space<vmem>>
      tpu.enqueue_dma source(%dma_start3A_163 : memref<2048xf32, #tpu.memory_space<vmem>>) target(%dma_start3A_161 : memref<2048xf32, #tpu.memory_space<hbm>>) target_semaphore(%arg16 : memref<!tpu.dma_semaphore, #tpu.memory_space<semaphore_mem>>)
      %add3A_164 = arith.constant 10485760 : i32
      %add3A_165 = arith.addi %add3A_164, %multiple_of3A_73 : i32
      %multiple_of3A_166 = tpu.assume_multiple %add3A_165, 2048 : i32
      %dma_start3A_167 = arith.constant 20480 : i32
      %dma_start3A_168 = tpu.memref_slice %arg11[%dma_start3A_167] : memref<32768xf32, #tpu.memory_space<vmem>> -> memref<2048xf32, #tpu.memory_space<vmem>>
      %dma_start3A_169 = tpu.memref_slice %arg4[%multiple_of3A_166] : memref<15728640xf32, #tpu.memory_space<hbm>> -> memref<2048xf32, #tpu.memory_space<hbm>>
      %dma_start3A_170 = tpu.memref_slice %arg4[%multiple_of3A_166] : memref<15728640xf32, #tpu.memory_space<hbm>> -> memref<2048xf32, #tpu.memory_space<hbm>>
      %dma_start3A_171 = arith.constant 20480 : i32
      %dma_start3A_172 = tpu.memref_slice %arg11[%dma_start3A_171] : memref<32768xf32, #tpu.memory_space<vmem>> -> memref<2048xf32, #tpu.memory_space<vmem>>
      tpu.enqueue_dma source(%dma_start3A_172 : memref<2048xf32, #tpu.memory_space<vmem>>) target(%dma_start3A_170 : memref<2048xf32, #tpu.memory_space<hbm>>) target_semaphore(%arg16 : memref<!tpu.dma_semaphore, #tpu.memory_space<semaphore_mem>>)
      %add3A_173 = arith.constant 11534336 : i32
      %add3A_174 = arith.addi %add3A_173, %multiple_of3A_73 : i32
      %multiple_of3A_175 = tpu.assume_multiple %add3A_174, 2048 : i32
      %dma_start3A_176 = arith.constant 22528 : i32
      %dma_start3A_177 = tpu.memref_slice %arg11[%dma_start3A_176] : memref<32768xf32, #tpu.memory_space<vmem>> -> memref<2048xf32, #tpu.memory_space<vmem>>
      %dma_start3A_178 = tpu.memref_slice %arg4[%multiple_of3A_175] : memref<15728640xf32, #tpu.memory_space<hbm>> -> memref<2048xf32, #tpu.memory_space<hbm>>
      %dma_start3A_179 = tpu.memref_slice %arg4[%multiple_of3A_175] : memref<15728640xf32, #tpu.memory_space<hbm>> -> memref<2048xf32, #tpu.memory_space<hbm>>
      %dma_start3A_180 = arith.constant 22528 : i32
      %dma_start3A_181 = tpu.memref_slice %arg11[%dma_start3A_180] : memref<32768xf32, #tpu.memory_space<vmem>> -> memref<2048xf32, #tpu.memory_space<vmem>>
      tpu.enqueue_dma source(%dma_start3A_181 : memref<2048xf32, #tpu.memory_space<vmem>>) target(%dma_start3A_179 : memref<2048xf32, #tpu.memory_space<hbm>>) target_semaphore(%arg16 : memref<!tpu.dma_semaphore, #tpu.memory_space<semaphore_mem>>)
      %add3A_182 = arith.constant 12582912 : i32
      %add3A_183 = arith.addi %add3A_182, %multiple_of3A_73 : i32
      %multiple_of3A_184 = tpu.assume_multiple %add3A_183, 2048 : i32
      %dma_start3A_185 = arith.constant 24576 : i32
      %dma_start3A_186 = tpu.memref_slice %arg11[%dma_start3A_185] : memref<32768xf32, #tpu.memory_space<vmem>> -> memref<2048xf32, #tpu.memory_space<vmem>>
      %dma_start3A_187 = tpu.memref_slice %arg4[%multiple_of3A_184] : memref<15728640xf32, #tpu.memory_space<hbm>> -> memref<2048xf32, #tpu.memory_space<hbm>>
      %dma_start3A_188 = tpu.memref_slice %arg4[%multiple_of3A_184] : memref<15728640xf32, #tpu.memory_space<hbm>> -> memref<2048xf32, #tpu.memory_space<hbm>>
      %dma_start3A_189 = arith.constant 24576 : i32
      %dma_start3A_190 = tpu.memref_slice %arg11[%dma_start3A_189] : memref<32768xf32, #tpu.memory_space<vmem>> -> memref<2048xf32, #tpu.memory_space<vmem>>
      tpu.enqueue_dma source(%dma_start3A_190 : memref<2048xf32, #tpu.memory_space<vmem>>) target(%dma_start3A_188 : memref<2048xf32, #tpu.memory_space<hbm>>) target_semaphore(%arg16 : memref<!tpu.dma_semaphore, #tpu.memory_space<semaphore_mem>>)
      %add3A_191 = arith.constant 13631488 : i32
      %add3A_192 = arith.addi %add3A_191, %multiple_of3A_73 : i32
      %multiple_of3A_193 = tpu.assume_multiple %add3A_192, 2048 : i32
      %dma_start3A_194 = arith.constant 26624 : i32
      %dma_start3A_195 = tpu.memref_slice %arg11[%dma_start3A_194] : memref<32768xf32, #tpu.memory_space<vmem>> -> memref<2048xf32, #tpu.memory_space<vmem>>
      %dma_start3A_196 = tpu.memref_slice %arg4[%multiple_of3A_193] : memref<15728640xf32, #tpu.memory_space<hbm>> -> memref<2048xf32, #tpu.memory_space<hbm>>
      %dma_start3A_197 = tpu.memref_slice %arg4[%multiple_of3A_193] : memref<15728640xf32, #tpu.memory_space<hbm>> -> memref<2048xf32, #tpu.memory_space<hbm>>
      %dma_start3A_198 = arith.constant 26624 : i32
      %dma_start3A_199 = tpu.memref_slice %arg11[%dma_start3A_198] : memref<32768xf32, #tpu.memory_space<vmem>> -> memref<2048xf32, #tpu.memory_space<vmem>>
      tpu.enqueue_dma source(%dma_start3A_199 : memref<2048xf32, #tpu.memory_space<vmem>>) target(%dma_start3A_197 : memref<2048xf32, #tpu.memory_space<hbm>>) target_semaphore(%arg16 : memref<!tpu.dma_semaphore, #tpu.memory_space<semaphore_mem>>)
      %add3A_200 = arith.constant 14680064 : i32
      %add3A_201 = arith.addi %add3A_200, %multiple_of3A_73 : i32
      %multiple_of3A_202 = tpu.assume_multiple %add3A_201, 2048 : i32
      %dma_start3A_203 = arith.constant 28672 : i32
      %dma_start3A_204 = tpu.memref_slice %arg11[%dma_start3A_203] : memref<32768xf32, #tpu.memory_space<vmem>> -> memref<2048xf32, #tpu.memory_space<vmem>>
      %dma_start3A_205 = tpu.memref_slice %arg4[%multiple_of3A_202] : memref<15728640xf32, #tpu.memory_space<hbm>> -> memref<2048xf32, #tpu.memory_space<hbm>>
      %dma_start3A_206 = tpu.memref_slice %arg4[%multiple_of3A_202] : memref<15728640xf32, #tpu.memory_space<hbm>> -> memref<2048xf32, #tpu.memory_space<hbm>>
      %dma_start3A_207 = arith.constant 28672 : i32
      %dma_start3A_208 = tpu.memref_slice %arg11[%dma_start3A_207] : memref<32768xf32, #tpu.memory_space<vmem>> -> memref<2048xf32, #tpu.memory_space<vmem>>
      tpu.enqueue_dma source(%dma_start3A_208 : memref<2048xf32, #tpu.memory_space<vmem>>) target(%dma_start3A_206 : memref<2048xf32, #tpu.memory_space<hbm>>) target_semaphore(%arg16 : memref<!tpu.dma_semaphore, #tpu.memory_space<semaphore_mem>>)
      %add3A_209 = arith.constant 2 : i32
      %add3A_210 = arith.addi %mul3A_38, %add3A_209 : i32
      %lt3A = arith.constant 16 : i32
      %lt3A_211 = arith.cmpi slt, %add3A_210, %lt3A : i32
      %convert_element_type3A = arith.extui %lt3A_211 : i1 to i32
      %cond3A = arith.constant 0 : i32
      %cond3A_212 = arith.cmpi ne, %convert_element_type3A, %cond3A : i32
      scf.if %cond3A_212 {
        %add3A_655 = arith.constant 2 : i32
        %add3A_656 = arith.addi %mul3A_38, %add3A_655 : i32
        %mul3A_657 = arith.constant 2048 : i32
        %mul3A_658 = arith.muli %add3A_656, %mul3A_657 : i32
        %add3A_659 = arith.addi %mul3A_2, %mul3A_658 : i32
        %multiple_of3A_660 = tpu.assume_multiple %add3A_659, 2048 : i32
        %mul3A_661 = arith.constant 3 : i32
        %mul3A_662 = arith.muli %multiple_of3A_660, %mul3A_661 : i32
        "tpu.region"() ({
          %run_scoped3A = tpu.sem_alloc : memref<!tpu.dma_semaphore, #tpu.memory_space<semaphore_mem>>
          %dma_start3A_669 = tpu.memref_slice %arg3[%mul3A_662] : memref<3145728xi32, #tpu.memory_space<hbm>> -> memref<6144xi32, #tpu.memory_space<hbm>>
          %dma_start3A_670 = tpu.memref_slice %arg3[%mul3A_662] : memref<3145728xi32, #tpu.memory_space<hbm>> -> memref<6144xi32, #tpu.memory_space<hbm>>
          tpu.enqueue_dma source(%dma_start3A_670 : memref<6144xi32, #tpu.memory_space<hbm>>) target(%arg6 : memref<6144xi32, #tpu.memory_space<vmem>>) target_semaphore(%run_scoped3A : memref<!tpu.dma_semaphore, #tpu.memory_space<semaphore_mem>>)
          %dma_wait3A_671 = tpu.memref_slice %arg3[%mul3A_662] : memref<3145728xi32, #tpu.memory_space<hbm>> -> memref<6144xi32, #tpu.memory_space<hbm>>
          %dma_wait3A_672 = tpu.memref_slice %arg3[%mul3A_662] : memref<3145728xi32, #tpu.memory_space<hbm>> -> memref<6144xi32, #tpu.memory_space<hbm>>
          tpu.wait_dma2 semaphore(%run_scoped3A : memref<!tpu.dma_semaphore, #tpu.memory_space<semaphore_mem>>) src(%dma_wait3A_672 : memref<6144xi32, #tpu.memory_space<hbm>>) dst(%arg6 : memref<6144xi32, #tpu.memory_space<vmem>>)
          tpu.yield
        }) : () -> ()
        %parallel_loop3A_663 = arith.constant 0 : i32
        %parallel_loop3A_664 = arith.constant 2048 : i32
        %parallel_loop3A_665 = arith.constant 16 : i32
        scf.for %parallel_loop3A_669 = %parallel_loop3A_663 to %parallel_loop3A_664 step %parallel_loop3A_665  : i32 {
          %parallel_loop3A_670 = arith.constant 3 : i32
          %parallel_loop3A_671 = arith.muli %parallel_loop3A_669, %parallel_loop3A_670 : i32
          %parallel_loop3A_672 = arith.constant 3 : i32
          %parallel_loop3A_673 = vector.broadcast %parallel_loop3A_672 : i32 to vector<16xi32>
          %parallel_loop3A_674 = arith.muli %iota3A, %parallel_loop3A_673 : vector<16xi32>
          %parallel_loop3A_675 = vector.broadcast %parallel_loop3A_671 : i32 to vector<16xi32>
          %parallel_loop3A_676 = arith.addi %parallel_loop3A_675, %parallel_loop3A_674 : vector<16xi32>
          %parallel_loop3A_677 = tpu.vector_load_idx %arg6[%parallel_loop3A_676] : memref<6144xi32, #tpu.memory_space<vmem>>[vector<16xi32>], vector<16xi32>,
          %parallel_loop3A_678 = arith.constant 1 : i32
          %parallel_loop3A_679 = vector.broadcast %parallel_loop3A_678 : i32 to vector<16xi32>
          %parallel_loop3A_680 = arith.addi %parallel_loop3A_676, %parallel_loop3A_679 : vector<16xi32>
          %parallel_loop3A_681 = tpu.vector_load_idx %arg6[%parallel_loop3A_680] : memref<6144xi32, #tpu.memory_space<vmem>>[vector<16xi32>], vector<16xi32>,
          %parallel_loop3A_682 = arith.constant 2 : i32
          %parallel_loop3A_683 = vector.broadcast %parallel_loop3A_682 : i32 to vector<16xi32>
          %parallel_loop3A_684 = arith.addi %parallel_loop3A_676, %parallel_loop3A_683 : vector<16xi32>
          %parallel_loop3A_685 = tpu.vector_load_idx %arg6[%parallel_loop3A_684] : memref<6144xi32, #tpu.memory_space<vmem>>[vector<16xi32>], vector<16xi32>,
          %parallel_loop3A_686 = arith.constant -1640531535 : i32
          %parallel_loop3A_687 = vector.broadcast %parallel_loop3A_686 : i32 to vector<16xi32>
          %parallel_loop3A_688 = arith.muli %parallel_loop3A_681, %parallel_loop3A_687 : vector<16xi32>
          %parallel_loop3A_689 = arith.xori %parallel_loop3A_677, %parallel_loop3A_688 : vector<16xi32>
          %parallel_loop3A_690 = arith.constant 805459861 : i32
          %parallel_loop3A_691 = vector.broadcast %parallel_loop3A_690 : i32 to vector<16xi32>
          %parallel_loop3A_692 = arith.muli %parallel_loop3A_685, %parallel_loop3A_691 : vector<16xi32>
          %parallel_loop3A_693 = arith.xori %parallel_loop3A_689, %parallel_loop3A_692 : vector<16xi32>
          %parallel_loop3A_694 = arith.constant 2097151 : i32
          %parallel_loop3A_695 = vector.broadcast %parallel_loop3A_694 : i32 to vector<16xi32>
          %parallel_loop3A_696 = arith.andi %parallel_loop3A_693, %parallel_loop3A_695 : vector<16xi32>
          %parallel_loop3A_697 = arith.index_cast %parallel_loop3A_669 : i32 to index
          %parallel_loop3A_698 = tpu.vector_load %arg7[%parallel_loop3A_697] {strides = array<i32>} : memref<2048xi32, #tpu.memory_space<vmem>>, vector<16xi32>,
          tpu.vector_store %arg7[%parallel_loop3A_697], %parallel_loop3A_696 {strides = array<i32>} : memref<2048xi32, #tpu.memory_space<vmem>>, vector<16xi32>,
        } {sc.loop_unroll_factor = 4 : i64, sc.parallel_access}
        %dma_start3A_666 = arith.constant 0 : i32
        %dma_start3A_667 = arith.constant 0 : i32
        %dma_start3A_668 = tpu.memref_slice %arg2[%dma_start3A_666, %dma_start3A_667] : memref<2097152x16xf32, #tpu.memory_space<hbm>> -> memref<2097152x16xf32, #tpu.memory_space<hbm>>
        tpu.enqueue_indirect_dma source(%dma_start3A_668 : memref<2097152x16xf32, #tpu.memory_space<hbm>>) target(%arg9 : memref<2048x16xf32, #tpu.memory_space<vmem>>) offsets(%arg7 : memref<2048xi32, #tpu.memory_space<vmem>>) semaphore(%arg14 : memref<!tpu.dma_semaphore, #tpu.memory_space<semaphore_mem>>)
      } else {
      }
      %dma_wait3A_213 = arith.constant 0 : i32
      %dma_wait3A_214 = arith.constant 0 : i32
      %dma_wait3A_215 = tpu.memref_slice %arg2[%dma_wait3A_213, %dma_wait3A_214] : memref<2097152x16xf32, #tpu.memory_space<hbm>> -> memref<2097152x16xf32, #tpu.memory_space<hbm>>
      tpu.wait_indirect_dma semaphore(%arg15 : memref<!tpu.dma_semaphore, #tpu.memory_space<semaphore_mem>>) src(%dma_wait3A_215 : memref<2097152x16xf32, #tpu.memory_space<hbm>>) dst(%arg10 : memref<2048x16xf32, #tpu.memory_space<vmem>>)
      %mul3A_216 = arith.constant 2048 : i32
      %mul3A_217 = arith.muli %mul3A_38, %mul3A_216 : i32
      %add3A_218 = arith.addi %mul3A_2, %mul3A_217 : i32
      %multiple_of3A_219 = tpu.assume_multiple %add3A_218, 2048 : i32
      %add3A_220 = arith.constant 0 : i32
      %add3A_221 = arith.addi %add3A_220, %multiple_of3A_219 : i32
      %multiple_of3A_222 = tpu.assume_multiple %add3A_221, 2048 : i32
      %dma_wait3A_223 = arith.constant 0 : i32
      %dma_wait3A_224 = tpu.memref_slice %arg11[%dma_wait3A_223] : memref<32768xf32, #tpu.memory_space<vmem>> -> memref<2048xf32, #tpu.memory_space<vmem>>
      %dma_wait3A_225 = tpu.memref_slice %arg4[%multiple_of3A_222] : memref<15728640xf32, #tpu.memory_space<hbm>> -> memref<2048xf32, #tpu.memory_space<hbm>>
      %dma_wait3A_226 = tpu.memref_slice %arg4[%multiple_of3A_222] : memref<15728640xf32, #tpu.memory_space<hbm>> -> memref<2048xf32, #tpu.memory_space<hbm>>
      %dma_wait3A_227 = arith.constant 0 : i32
      %dma_wait3A_228 = tpu.memref_slice %arg11[%dma_wait3A_227] : memref<32768xf32, #tpu.memory_space<vmem>> -> memref<2048xf32, #tpu.memory_space<vmem>>
      tpu.wait_dma2 semaphore(%arg16 : memref<!tpu.dma_semaphore, #tpu.memory_space<semaphore_mem>>) src(%dma_wait3A_228 : memref<2048xf32, #tpu.memory_space<vmem>>) dst(%dma_wait3A_226 : memref<2048xf32, #tpu.memory_space<hbm>>)
      %add3A_229 = arith.constant 1048576 : i32
      %add3A_230 = arith.addi %add3A_229, %multiple_of3A_219 : i32
      %multiple_of3A_231 = tpu.assume_multiple %add3A_230, 2048 : i32
      %dma_wait3A_232 = arith.constant 2048 : i32
      %dma_wait3A_233 = tpu.memref_slice %arg11[%dma_wait3A_232] : memref<32768xf32, #tpu.memory_space<vmem>> -> memref<2048xf32, #tpu.memory_space<vmem>>
      %dma_wait3A_234 = tpu.memref_slice %arg4[%multiple_of3A_231] : memref<15728640xf32, #tpu.memory_space<hbm>> -> memref<2048xf32, #tpu.memory_space<hbm>>
      %dma_wait3A_235 = tpu.memref_slice %arg4[%multiple_of3A_231] : memref<15728640xf32, #tpu.memory_space<hbm>> -> memref<2048xf32, #tpu.memory_space<hbm>>
      %dma_wait3A_236 = arith.constant 2048 : i32
      %dma_wait3A_237 = tpu.memref_slice %arg11[%dma_wait3A_236] : memref<32768xf32, #tpu.memory_space<vmem>> -> memref<2048xf32, #tpu.memory_space<vmem>>
      tpu.wait_dma2 semaphore(%arg16 : memref<!tpu.dma_semaphore, #tpu.memory_space<semaphore_mem>>) src(%dma_wait3A_237 : memref<2048xf32, #tpu.memory_space<vmem>>) dst(%dma_wait3A_235 : memref<2048xf32, #tpu.memory_space<hbm>>)
      %add3A_238 = arith.constant 2097152 : i32
      %add3A_239 = arith.addi %add3A_238, %multiple_of3A_219 : i32
      %multiple_of3A_240 = tpu.assume_multiple %add3A_239, 2048 : i32
      %dma_wait3A_241 = arith.constant 4096 : i32
      %dma_wait3A_242 = tpu.memref_slice %arg11[%dma_wait3A_241] : memref<32768xf32, #tpu.memory_space<vmem>> -> memref<2048xf32, #tpu.memory_space<vmem>>
      %dma_wait3A_243 = tpu.memref_slice %arg4[%multiple_of3A_240] : memref<15728640xf32, #tpu.memory_space<hbm>> -> memref<2048xf32, #tpu.memory_space<hbm>>
      %dma_wait3A_244 = tpu.memref_slice %arg4[%multiple_of3A_240] : memref<15728640xf32, #tpu.memory_space<hbm>> -> memref<2048xf32, #tpu.memory_space<hbm>>
      %dma_wait3A_245 = arith.constant 4096 : i32
      %dma_wait3A_246 = tpu.memref_slice %arg11[%dma_wait3A_245] : memref<32768xf32, #tpu.memory_space<vmem>> -> memref<2048xf32, #tpu.memory_space<vmem>>
      tpu.wait_dma2 semaphore(%arg16 : memref<!tpu.dma_semaphore, #tpu.memory_space<semaphore_mem>>) src(%dma_wait3A_246 : memref<2048xf32, #tpu.memory_space<vmem>>) dst(%dma_wait3A_244 : memref<2048xf32, #tpu.memory_space<hbm>>)
      %add3A_247 = arith.constant 3145728 : i32
      %add3A_248 = arith.addi %add3A_247, %multiple_of3A_219 : i32
      %multiple_of3A_249 = tpu.assume_multiple %add3A_248, 2048 : i32
      %dma_wait3A_250 = arith.constant 6144 : i32
      %dma_wait3A_251 = tpu.memref_slice %arg11[%dma_wait3A_250] : memref<32768xf32, #tpu.memory_space<vmem>> -> memref<2048xf32, #tpu.memory_space<vmem>>
      %dma_wait3A_252 = tpu.memref_slice %arg4[%multiple_of3A_249] : memref<15728640xf32, #tpu.memory_space<hbm>> -> memref<2048xf32, #tpu.memory_space<hbm>>
      %dma_wait3A_253 = tpu.memref_slice %arg4[%multiple_of3A_249] : memref<15728640xf32, #tpu.memory_space<hbm>> -> memref<2048xf32, #tpu.memory_space<hbm>>
      %dma_wait3A_254 = arith.constant 6144 : i32
      %dma_wait3A_255 = tpu.memref_slice %arg11[%dma_wait3A_254] : memref<32768xf32, #tpu.memory_space<vmem>> -> memref<2048xf32, #tpu.memory_space<vmem>>
      tpu.wait_dma2 semaphore(%arg16 : memref<!tpu.dma_semaphore, #tpu.memory_space<semaphore_mem>>) src(%dma_wait3A_255 : memref<2048xf32, #tpu.memory_space<vmem>>) dst(%dma_wait3A_253 : memref<2048xf32, #tpu.memory_space<hbm>>)
      %add3A_256 = arith.constant 4194304 : i32
      %add3A_257 = arith.addi %add3A_256, %multiple_of3A_219 : i32
      %multiple_of3A_258 = tpu.assume_multiple %add3A_257, 2048 : i32
      %dma_wait3A_259 = arith.constant 8192 : i32
      %dma_wait3A_260 = tpu.memref_slice %arg11[%dma_wait3A_259] : memref<32768xf32, #tpu.memory_space<vmem>> -> memref<2048xf32, #tpu.memory_space<vmem>>
      %dma_wait3A_261 = tpu.memref_slice %arg4[%multiple_of3A_258] : memref<15728640xf32, #tpu.memory_space<hbm>> -> memref<2048xf32, #tpu.memory_space<hbm>>
      %dma_wait3A_262 = tpu.memref_slice %arg4[%multiple_of3A_258] : memref<15728640xf32, #tpu.memory_space<hbm>> -> memref<2048xf32, #tpu.memory_space<hbm>>
      %dma_wait3A_263 = arith.constant 8192 : i32
      %dma_wait3A_264 = tpu.memref_slice %arg11[%dma_wait3A_263] : memref<32768xf32, #tpu.memory_space<vmem>> -> memref<2048xf32, #tpu.memory_space<vmem>>
      tpu.wait_dma2 semaphore(%arg16 : memref<!tpu.dma_semaphore, #tpu.memory_space<semaphore_mem>>) src(%dma_wait3A_264 : memref<2048xf32, #tpu.memory_space<vmem>>) dst(%dma_wait3A_262 : memref<2048xf32, #tpu.memory_space<hbm>>)
      %add3A_265 = arith.constant 5242880 : i32
      %add3A_266 = arith.addi %add3A_265, %multiple_of3A_219 : i32
      %multiple_of3A_267 = tpu.assume_multiple %add3A_266, 2048 : i32
      %dma_wait3A_268 = arith.constant 10240 : i32
      %dma_wait3A_269 = tpu.memref_slice %arg11[%dma_wait3A_268] : memref<32768xf32, #tpu.memory_space<vmem>> -> memref<2048xf32, #tpu.memory_space<vmem>>
      %dma_wait3A_270 = tpu.memref_slice %arg4[%multiple_of3A_267] : memref<15728640xf32, #tpu.memory_space<hbm>> -> memref<2048xf32, #tpu.memory_space<hbm>>
      %dma_wait3A_271 = tpu.memref_slice %arg4[%multiple_of3A_267] : memref<15728640xf32, #tpu.memory_space<hbm>> -> memref<2048xf32, #tpu.memory_space<hbm>>
      %dma_wait3A_272 = arith.constant 10240 : i32
      %dma_wait3A_273 = tpu.memref_slice %arg11[%dma_wait3A_272] : memref<32768xf32, #tpu.memory_space<vmem>> -> memref<2048xf32, #tpu.memory_space<vmem>>
      tpu.wait_dma2 semaphore(%arg16 : memref<!tpu.dma_semaphore, #tpu.memory_space<semaphore_mem>>) src(%dma_wait3A_273 : memref<2048xf32, #tpu.memory_space<vmem>>) dst(%dma_wait3A_271 : memref<2048xf32, #tpu.memory_space<hbm>>)
      %add3A_274 = arith.constant 6291456 : i32
      %add3A_275 = arith.addi %add3A_274, %multiple_of3A_219 : i32
      %multiple_of3A_276 = tpu.assume_multiple %add3A_275, 2048 : i32
      %dma_wait3A_277 = arith.constant 12288 : i32
      %dma_wait3A_278 = tpu.memref_slice %arg11[%dma_wait3A_277] : memref<32768xf32, #tpu.memory_space<vmem>> -> memref<2048xf32, #tpu.memory_space<vmem>>
      %dma_wait3A_279 = tpu.memref_slice %arg4[%multiple_of3A_276] : memref<15728640xf32, #tpu.memory_space<hbm>> -> memref<2048xf32, #tpu.memory_space<hbm>>
      %dma_wait3A_280 = tpu.memref_slice %arg4[%multiple_of3A_276] : memref<15728640xf32, #tpu.memory_space<hbm>> -> memref<2048xf32, #tpu.memory_space<hbm>>
      %dma_wait3A_281 = arith.constant 12288 : i32
      %dma_wait3A_282 = tpu.memref_slice %arg11[%dma_wait3A_281] : memref<32768xf32, #tpu.memory_space<vmem>> -> memref<2048xf32, #tpu.memory_space<vmem>>
      tpu.wait_dma2 semaphore(%arg16 : memref<!tpu.dma_semaphore, #tpu.memory_space<semaphore_mem>>) src(%dma_wait3A_282 : memref<2048xf32, #tpu.memory_space<vmem>>) dst(%dma_wait3A_280 : memref<2048xf32, #tpu.memory_space<hbm>>)
      %add3A_283 = arith.constant 7340032 : i32
      %add3A_284 = arith.addi %add3A_283, %multiple_of3A_219 : i32
      %multiple_of3A_285 = tpu.assume_multiple %add3A_284, 2048 : i32
      %dma_wait3A_286 = arith.constant 14336 : i32
      %dma_wait3A_287 = tpu.memref_slice %arg11[%dma_wait3A_286] : memref<32768xf32, #tpu.memory_space<vmem>> -> memref<2048xf32, #tpu.memory_space<vmem>>
      %dma_wait3A_288 = tpu.memref_slice %arg4[%multiple_of3A_285] : memref<15728640xf32, #tpu.memory_space<hbm>> -> memref<2048xf32, #tpu.memory_space<hbm>>
      %dma_wait3A_289 = tpu.memref_slice %arg4[%multiple_of3A_285] : memref<15728640xf32, #tpu.memory_space<hbm>> -> memref<2048xf32, #tpu.memory_space<hbm>>
      %dma_wait3A_290 = arith.constant 14336 : i32
      %dma_wait3A_291 = tpu.memref_slice %arg11[%dma_wait3A_290] : memref<32768xf32, #tpu.memory_space<vmem>> -> memref<2048xf32, #tpu.memory_space<vmem>>
      tpu.wait_dma2 semaphore(%arg16 : memref<!tpu.dma_semaphore, #tpu.memory_space<semaphore_mem>>) src(%dma_wait3A_291 : memref<2048xf32, #tpu.memory_space<vmem>>) dst(%dma_wait3A_289 : memref<2048xf32, #tpu.memory_space<hbm>>)
      %add3A_292 = arith.constant 8388608 : i32
      %add3A_293 = arith.addi %add3A_292, %multiple_of3A_219 : i32
      %multiple_of3A_294 = tpu.assume_multiple %add3A_293, 2048 : i32
      %dma_wait3A_295 = arith.constant 16384 : i32
      %dma_wait3A_296 = tpu.memref_slice %arg11[%dma_wait3A_295] : memref<32768xf32, #tpu.memory_space<vmem>> -> memref<2048xf32, #tpu.memory_space<vmem>>
      %dma_wait3A_297 = tpu.memref_slice %arg4[%multiple_of3A_294] : memref<15728640xf32, #tpu.memory_space<hbm>> -> memref<2048xf32, #tpu.memory_space<hbm>>
      %dma_wait3A_298 = tpu.memref_slice %arg4[%multiple_of3A_294] : memref<15728640xf32, #tpu.memory_space<hbm>> -> memref<2048xf32, #tpu.memory_space<hbm>>
      %dma_wait3A_299 = arith.constant 16384 : i32
      %dma_wait3A_300 = tpu.memref_slice %arg11[%dma_wait3A_299] : memref<32768xf32, #tpu.memory_space<vmem>> -> memref<2048xf32, #tpu.memory_space<vmem>>
      tpu.wait_dma2 semaphore(%arg16 : memref<!tpu.dma_semaphore, #tpu.memory_space<semaphore_mem>>) src(%dma_wait3A_300 : memref<2048xf32, #tpu.memory_space<vmem>>) dst(%dma_wait3A_298 : memref<2048xf32, #tpu.memory_space<hbm>>)
      %add3A_301 = arith.constant 9437184 : i32
      %add3A_302 = arith.addi %add3A_301, %multiple_of3A_219 : i32
      %multiple_of3A_303 = tpu.assume_multiple %add3A_302, 2048 : i32
      %dma_wait3A_304 = arith.constant 18432 : i32
      %dma_wait3A_305 = tpu.memref_slice %arg11[%dma_wait3A_304] : memref<32768xf32, #tpu.memory_space<vmem>> -> memref<2048xf32, #tpu.memory_space<vmem>>
      %dma_wait3A_306 = tpu.memref_slice %arg4[%multiple_of3A_303] : memref<15728640xf32, #tpu.memory_space<hbm>> -> memref<2048xf32, #tpu.memory_space<hbm>>
      %dma_wait3A_307 = tpu.memref_slice %arg4[%multiple_of3A_303] : memref<15728640xf32, #tpu.memory_space<hbm>> -> memref<2048xf32, #tpu.memory_space<hbm>>
      %dma_wait3A_308 = arith.constant 18432 : i32
      %dma_wait3A_309 = tpu.memref_slice %arg11[%dma_wait3A_308] : memref<32768xf32, #tpu.memory_space<vmem>> -> memref<2048xf32, #tpu.memory_space<vmem>>
      tpu.wait_dma2 semaphore(%arg16 : memref<!tpu.dma_semaphore, #tpu.memory_space<semaphore_mem>>) src(%dma_wait3A_309 : memref<2048xf32, #tpu.memory_space<vmem>>) dst(%dma_wait3A_307 : memref<2048xf32, #tpu.memory_space<hbm>>)
      %add3A_310 = arith.constant 10485760 : i32
      %add3A_311 = arith.addi %add3A_310, %multiple_of3A_219 : i32
      %multiple_of3A_312 = tpu.assume_multiple %add3A_311, 2048 : i32
      %dma_wait3A_313 = arith.constant 20480 : i32
      %dma_wait3A_314 = tpu.memref_slice %arg11[%dma_wait3A_313] : memref<32768xf32, #tpu.memory_space<vmem>> -> memref<2048xf32, #tpu.memory_space<vmem>>
      %dma_wait3A_315 = tpu.memref_slice %arg4[%multiple_of3A_312] : memref<15728640xf32, #tpu.memory_space<hbm>> -> memref<2048xf32, #tpu.memory_space<hbm>>
      %dma_wait3A_316 = tpu.memref_slice %arg4[%multiple_of3A_312] : memref<15728640xf32, #tpu.memory_space<hbm>> -> memref<2048xf32, #tpu.memory_space<hbm>>
      %dma_wait3A_317 = arith.constant 20480 : i32
      %dma_wait3A_318 = tpu.memref_slice %arg11[%dma_wait3A_317] : memref<32768xf32, #tpu.memory_space<vmem>> -> memref<2048xf32, #tpu.memory_space<vmem>>
      tpu.wait_dma2 semaphore(%arg16 : memref<!tpu.dma_semaphore, #tpu.memory_space<semaphore_mem>>) src(%dma_wait3A_318 : memref<2048xf32, #tpu.memory_space<vmem>>) dst(%dma_wait3A_316 : memref<2048xf32, #tpu.memory_space<hbm>>)
      %add3A_319 = arith.constant 11534336 : i32
      %add3A_320 = arith.addi %add3A_319, %multiple_of3A_219 : i32
      %multiple_of3A_321 = tpu.assume_multiple %add3A_320, 2048 : i32
      %dma_wait3A_322 = arith.constant 22528 : i32
      %dma_wait3A_323 = tpu.memref_slice %arg11[%dma_wait3A_322] : memref<32768xf32, #tpu.memory_space<vmem>> -> memref<2048xf32, #tpu.memory_space<vmem>>
      %dma_wait3A_324 = tpu.memref_slice %arg4[%multiple_of3A_321] : memref<15728640xf32, #tpu.memory_space<hbm>> -> memref<2048xf32, #tpu.memory_space<hbm>>
      %dma_wait3A_325 = tpu.memref_slice %arg4[%multiple_of3A_321] : memref<15728640xf32, #tpu.memory_space<hbm>> -> memref<2048xf32, #tpu.memory_space<hbm>>
      %dma_wait3A_326 = arith.constant 22528 : i32
      %dma_wait3A_327 = tpu.memref_slice %arg11[%dma_wait3A_326] : memref<32768xf32, #tpu.memory_space<vmem>> -> memref<2048xf32, #tpu.memory_space<vmem>>
      tpu.wait_dma2 semaphore(%arg16 : memref<!tpu.dma_semaphore, #tpu.memory_space<semaphore_mem>>) src(%dma_wait3A_327 : memref<2048xf32, #tpu.memory_space<vmem>>) dst(%dma_wait3A_325 : memref<2048xf32, #tpu.memory_space<hbm>>)
      %add3A_328 = arith.constant 12582912 : i32
      %add3A_329 = arith.addi %add3A_328, %multiple_of3A_219 : i32
      %multiple_of3A_330 = tpu.assume_multiple %add3A_329, 2048 : i32
      %dma_wait3A_331 = arith.constant 24576 : i32
      %dma_wait3A_332 = tpu.memref_slice %arg11[%dma_wait3A_331] : memref<32768xf32, #tpu.memory_space<vmem>> -> memref<2048xf32, #tpu.memory_space<vmem>>
      %dma_wait3A_333 = tpu.memref_slice %arg4[%multiple_of3A_330] : memref<15728640xf32, #tpu.memory_space<hbm>> -> memref<2048xf32, #tpu.memory_space<hbm>>
      %dma_wait3A_334 = tpu.memref_slice %arg4[%multiple_of3A_330] : memref<15728640xf32, #tpu.memory_space<hbm>> -> memref<2048xf32, #tpu.memory_space<hbm>>
      %dma_wait3A_335 = arith.constant 24576 : i32
      %dma_wait3A_336 = tpu.memref_slice %arg11[%dma_wait3A_335] : memref<32768xf32, #tpu.memory_space<vmem>> -> memref<2048xf32, #tpu.memory_space<vmem>>
      tpu.wait_dma2 semaphore(%arg16 : memref<!tpu.dma_semaphore, #tpu.memory_space<semaphore_mem>>) src(%dma_wait3A_336 : memref<2048xf32, #tpu.memory_space<vmem>>) dst(%dma_wait3A_334 : memref<2048xf32, #tpu.memory_space<hbm>>)
      %add3A_337 = arith.constant 13631488 : i32
      %add3A_338 = arith.addi %add3A_337, %multiple_of3A_219 : i32
      %multiple_of3A_339 = tpu.assume_multiple %add3A_338, 2048 : i32
      %dma_wait3A_340 = arith.constant 26624 : i32
      %dma_wait3A_341 = tpu.memref_slice %arg11[%dma_wait3A_340] : memref<32768xf32, #tpu.memory_space<vmem>> -> memref<2048xf32, #tpu.memory_space<vmem>>
      %dma_wait3A_342 = tpu.memref_slice %arg4[%multiple_of3A_339] : memref<15728640xf32, #tpu.memory_space<hbm>> -> memref<2048xf32, #tpu.memory_space<hbm>>
      %dma_wait3A_343 = tpu.memref_slice %arg4[%multiple_of3A_339] : memref<15728640xf32, #tpu.memory_space<hbm>> -> memref<2048xf32, #tpu.memory_space<hbm>>
      %dma_wait3A_344 = arith.constant 26624 : i32
      %dma_wait3A_345 = tpu.memref_slice %arg11[%dma_wait3A_344] : memref<32768xf32, #tpu.memory_space<vmem>> -> memref<2048xf32, #tpu.memory_space<vmem>>
      tpu.wait_dma2 semaphore(%arg16 : memref<!tpu.dma_semaphore, #tpu.memory_space<semaphore_mem>>) src(%dma_wait3A_345 : memref<2048xf32, #tpu.memory_space<vmem>>) dst(%dma_wait3A_343 : memref<2048xf32, #tpu.memory_space<hbm>>)
      %add3A_346 = arith.constant 14680064 : i32
      %add3A_347 = arith.addi %add3A_346, %multiple_of3A_219 : i32
      %multiple_of3A_348 = tpu.assume_multiple %add3A_347, 2048 : i32
      %dma_wait3A_349 = arith.constant 28672 : i32
      %dma_wait3A_350 = tpu.memref_slice %arg11[%dma_wait3A_349] : memref<32768xf32, #tpu.memory_space<vmem>> -> memref<2048xf32, #tpu.memory_space<vmem>>
      %dma_wait3A_351 = tpu.memref_slice %arg4[%multiple_of3A_348] : memref<15728640xf32, #tpu.memory_space<hbm>> -> memref<2048xf32, #tpu.memory_space<hbm>>
      %dma_wait3A_352 = tpu.memref_slice %arg4[%multiple_of3A_348] : memref<15728640xf32, #tpu.memory_space<hbm>> -> memref<2048xf32, #tpu.memory_space<hbm>>
      %dma_wait3A_353 = arith.constant 28672 : i32
      %dma_wait3A_354 = tpu.memref_slice %arg11[%dma_wait3A_353] : memref<32768xf32, #tpu.memory_space<vmem>> -> memref<2048xf32, #tpu.memory_space<vmem>>
      tpu.wait_dma2 semaphore(%arg16 : memref<!tpu.dma_semaphore, #tpu.memory_space<semaphore_mem>>) src(%dma_wait3A_354 : memref<2048xf32, #tpu.memory_space<vmem>>) dst(%dma_wait3A_352 : memref<2048xf32, #tpu.memory_space<hbm>>)
      %add3A_355 = arith.constant 1 : i32
      %add3A_356 = arith.addi %mul3A_38, %add3A_355 : i32
      %mul3A_357 = arith.constant 2048 : i32
      %mul3A_358 = arith.muli %add3A_356, %mul3A_357 : i32
      %add3A_359 = arith.addi %mul3A_2, %mul3A_358 : i32
      %multiple_of3A_360 = tpu.assume_multiple %add3A_359, 2048 : i32
      %get3A_361 = arith.constant 0 : index
      %get3A_362 = tpu.vector_load %arg12[%get3A_361] {strides = array<i32>} : memref<16xf32, #tpu.memory_space<vmem>>, vector<16xf32>,
      %get3A_363 = arith.constant 0 : index
      %get3A_364 = tpu.vector_load %arg13[%get3A_363] {strides = array<i32>} : memref<16xf32, #tpu.memory_space<vmem>>, vector<16xf32>,
      %parallel_loop3A_365 = arith.constant 0 : i32
      %parallel_loop3A_366 = arith.constant 2048 : i32
      %parallel_loop3A_367 = arith.constant 1 : i32
      %parallel_loop3A_368:2 = scf.for %parallel_loop3A_655 = %parallel_loop3A_365 to %parallel_loop3A_366 step %parallel_loop3A_367 iter_args(%parallel_loop3A_656 = %get3A_362, %parallel_loop3A_657 = %get3A_364) -> (vector<16xf32>, vector<16xf32>)  : i32 {
        %parallel_loop3A_658 = arith.index_cast %parallel_loop3A_655 : i32 to index
        %parallel_loop3A_659 = arith.constant 0 : index
        %parallel_loop3A_660 = tpu.vector_load %arg10[%parallel_loop3A_658, %parallel_loop3A_659] {strides = array<i32>} : memref<2048x16xf32, #tpu.memory_space<vmem>>, vector<16xf32>,
        %parallel_loop3A_661 = arith.addi %multiple_of3A_360, %parallel_loop3A_655 : i32
        %parallel_loop3A_662 = arith.constant 1000000 : i32
        %parallel_loop3A_663 = arith.cmpi slt, %parallel_loop3A_661, %parallel_loop3A_662 : i32
        %parallel_loop3A_664 = arith.constant 1.000000e+00 : f32
        %parallel_loop3A_665 = arith.constant 0.000000e+00 : f32
        %parallel_loop3A_666 = arith.select %parallel_loop3A_663, %parallel_loop3A_664, %parallel_loop3A_665 : f32
        %parallel_loop3A_667 = vector.broadcast %parallel_loop3A_655 : i32 to vector<16xi32>
        %parallel_loop3A_668 = arith.addi %mul3A_11, %parallel_loop3A_667 : vector<16xi32>
        tpu.vector_store_idx %arg11[%parallel_loop3A_668], %parallel_loop3A_660 : memref<32768xf32, #tpu.memory_space<vmem>>[vector<16xi32>], vector<16xf32>,
        %parallel_loop3A_669 = vector.broadcast %parallel_loop3A_666 : f32 to vector<16xf32>
        %parallel_loop3A_670 = arith.mulf %parallel_loop3A_660, %parallel_loop3A_669 : vector<16xf32>
        %parallel_loop3A_671 = arith.addf %parallel_loop3A_656, %parallel_loop3A_670 : vector<16xf32>
        %parallel_loop3A_672 = arith.mulf %parallel_loop3A_660, %parallel_loop3A_660 : vector<16xf32>
        %parallel_loop3A_673 = vector.broadcast %parallel_loop3A_666 : f32 to vector<16xf32>
        %parallel_loop3A_674 = arith.mulf %parallel_loop3A_672, %parallel_loop3A_673 : vector<16xf32>
        %parallel_loop3A_675 = arith.addf %parallel_loop3A_657, %parallel_loop3A_674 : vector<16xf32>
        scf.yield %parallel_loop3A_671, %parallel_loop3A_675 : vector<16xf32>, vector<16xf32>
      } {sc.loop_unroll_factor = 8 : i64, sc.parallel_access}
      %swap3A_369 = arith.constant 0 : index
      %swap3A_370 = tpu.vector_load %arg12[%swap3A_369] {strides = array<i32>} : memref<16xf32, #tpu.memory_space<vmem>>, vector<16xf32>,
      tpu.vector_store %arg12[%swap3A_369], %parallel_loop3A_368#0 {strides = array<i32>} : memref<16xf32, #tpu.memory_space<vmem>>, vector<16xf32>,
      %swap3A_371 = arith.constant 0 : index
      %swap3A_372 = tpu.vector_load %arg13[%swap3A_371] {strides = array<i32>} : memref<16xf32, #tpu.memory_space<vmem>>, vector<16xf32>,
      tpu.vector_store %arg13[%swap3A_371], %parallel_loop3A_368#1 {strides = array<i32>} : memref<16xf32, #tpu.memory_space<vmem>>, vector<16xf32>,
      %add3A_373 = arith.constant 1 : i32
      %add3A_374 = arith.addi %mul3A_38, %add3A_373 : i32
      %mul3A_375 = arith.constant 2048 : i32
      %mul3A_376 = arith.muli %add3A_374, %mul3A_375 : i32
      %add3A_377 = arith.addi %mul3A_2, %mul3A_376 : i32
      %multiple_of3A_378 = tpu.assume_multiple %add3A_377, 2048 : i32
      %add3A_379 = arith.constant 0 : i32
      %add3A_380 = arith.addi %add3A_379, %multiple_of3A_378 : i32
      %multiple_of3A_381 = tpu.assume_multiple %add3A_380, 2048 : i32
      %dma_start3A_382 = arith.constant 0 : i32
      %dma_start3A_383 = tpu.memref_slice %arg11[%dma_start3A_382] : memref<32768xf32, #tpu.memory_space<vmem>> -> memref<2048xf32, #tpu.memory_space<vmem>>
      %dma_start3A_384 = tpu.memref_slice %arg4[%multiple_of3A_381] : memref<15728640xf32, #tpu.memory_space<hbm>> -> memref<2048xf32, #tpu.memory_space<hbm>>
      %dma_start3A_385 = tpu.memref_slice %arg4[%multiple_of3A_381] : memref<15728640xf32, #tpu.memory_space<hbm>> -> memref<2048xf32, #tpu.memory_space<hbm>>
      %dma_start3A_386 = arith.constant 0 : i32
      %dma_start3A_387 = tpu.memref_slice %arg11[%dma_start3A_386] : memref<32768xf32, #tpu.memory_space<vmem>> -> memref<2048xf32, #tpu.memory_space<vmem>>
      tpu.enqueue_dma source(%dma_start3A_387 : memref<2048xf32, #tpu.memory_space<vmem>>) target(%dma_start3A_385 : memref<2048xf32, #tpu.memory_space<hbm>>) target_semaphore(%arg16 : memref<!tpu.dma_semaphore, #tpu.memory_space<semaphore_mem>>)
      %add3A_388 = arith.constant 1048576 : i32
      %add3A_389 = arith.addi %add3A_388, %multiple_of3A_378 : i32
      %multiple_of3A_390 = tpu.assume_multiple %add3A_389, 2048 : i32
      %dma_start3A_391 = arith.constant 2048 : i32
      %dma_start3A_392 = tpu.memref_slice %arg11[%dma_start3A_391] : memref<32768xf32, #tpu.memory_space<vmem>> -> memref<2048xf32, #tpu.memory_space<vmem>>
      %dma_start3A_393 = tpu.memref_slice %arg4[%multiple_of3A_390] : memref<15728640xf32, #tpu.memory_space<hbm>> -> memref<2048xf32, #tpu.memory_space<hbm>>
      %dma_start3A_394 = tpu.memref_slice %arg4[%multiple_of3A_390] : memref<15728640xf32, #tpu.memory_space<hbm>> -> memref<2048xf32, #tpu.memory_space<hbm>>
      %dma_start3A_395 = arith.constant 2048 : i32
      %dma_start3A_396 = tpu.memref_slice %arg11[%dma_start3A_395] : memref<32768xf32, #tpu.memory_space<vmem>> -> memref<2048xf32, #tpu.memory_space<vmem>>
      tpu.enqueue_dma source(%dma_start3A_396 : memref<2048xf32, #tpu.memory_space<vmem>>) target(%dma_start3A_394 : memref<2048xf32, #tpu.memory_space<hbm>>) target_semaphore(%arg16 : memref<!tpu.dma_semaphore, #tpu.memory_space<semaphore_mem>>)
      %add3A_397 = arith.constant 2097152 : i32
      %add3A_398 = arith.addi %add3A_397, %multiple_of3A_378 : i32
      %multiple_of3A_399 = tpu.assume_multiple %add3A_398, 2048 : i32
      %dma_start3A_400 = arith.constant 4096 : i32
      %dma_start3A_401 = tpu.memref_slice %arg11[%dma_start3A_400] : memref<32768xf32, #tpu.memory_space<vmem>> -> memref<2048xf32, #tpu.memory_space<vmem>>
      %dma_start3A_402 = tpu.memref_slice %arg4[%multiple_of3A_399] : memref<15728640xf32, #tpu.memory_space<hbm>> -> memref<2048xf32, #tpu.memory_space<hbm>>
      %dma_start3A_403 = tpu.memref_slice %arg4[%multiple_of3A_399] : memref<15728640xf32, #tpu.memory_space<hbm>> -> memref<2048xf32, #tpu.memory_space<hbm>>
      %dma_start3A_404 = arith.constant 4096 : i32
      %dma_start3A_405 = tpu.memref_slice %arg11[%dma_start3A_404] : memref<32768xf32, #tpu.memory_space<vmem>> -> memref<2048xf32, #tpu.memory_space<vmem>>
      tpu.enqueue_dma source(%dma_start3A_405 : memref<2048xf32, #tpu.memory_space<vmem>>) target(%dma_start3A_403 : memref<2048xf32, #tpu.memory_space<hbm>>) target_semaphore(%arg16 : memref<!tpu.dma_semaphore, #tpu.memory_space<semaphore_mem>>)
      %add3A_406 = arith.constant 3145728 : i32
      %add3A_407 = arith.addi %add3A_406, %multiple_of3A_378 : i32
      %multiple_of3A_408 = tpu.assume_multiple %add3A_407, 2048 : i32
      %dma_start3A_409 = arith.constant 6144 : i32
      %dma_start3A_410 = tpu.memref_slice %arg11[%dma_start3A_409] : memref<32768xf32, #tpu.memory_space<vmem>> -> memref<2048xf32, #tpu.memory_space<vmem>>
      %dma_start3A_411 = tpu.memref_slice %arg4[%multiple_of3A_408] : memref<15728640xf32, #tpu.memory_space<hbm>> -> memref<2048xf32, #tpu.memory_space<hbm>>
      %dma_start3A_412 = tpu.memref_slice %arg4[%multiple_of3A_408] : memref<15728640xf32, #tpu.memory_space<hbm>> -> memref<2048xf32, #tpu.memory_space<hbm>>
      %dma_start3A_413 = arith.constant 6144 : i32
      %dma_start3A_414 = tpu.memref_slice %arg11[%dma_start3A_413] : memref<32768xf32, #tpu.memory_space<vmem>> -> memref<2048xf32, #tpu.memory_space<vmem>>
      tpu.enqueue_dma source(%dma_start3A_414 : memref<2048xf32, #tpu.memory_space<vmem>>) target(%dma_start3A_412 : memref<2048xf32, #tpu.memory_space<hbm>>) target_semaphore(%arg16 : memref<!tpu.dma_semaphore, #tpu.memory_space<semaphore_mem>>)
      %add3A_415 = arith.constant 4194304 : i32
      %add3A_416 = arith.addi %add3A_415, %multiple_of3A_378 : i32
      %multiple_of3A_417 = tpu.assume_multiple %add3A_416, 2048 : i32
      %dma_start3A_418 = arith.constant 8192 : i32
      %dma_start3A_419 = tpu.memref_slice %arg11[%dma_start3A_418] : memref<32768xf32, #tpu.memory_space<vmem>> -> memref<2048xf32, #tpu.memory_space<vmem>>
      %dma_start3A_420 = tpu.memref_slice %arg4[%multiple_of3A_417] : memref<15728640xf32, #tpu.memory_space<hbm>> -> memref<2048xf32, #tpu.memory_space<hbm>>
      %dma_start3A_421 = tpu.memref_slice %arg4[%multiple_of3A_417] : memref<15728640xf32, #tpu.memory_space<hbm>> -> memref<2048xf32, #tpu.memory_space<hbm>>
      %dma_start3A_422 = arith.constant 8192 : i32
      %dma_start3A_423 = tpu.memref_slice %arg11[%dma_start3A_422] : memref<32768xf32, #tpu.memory_space<vmem>> -> memref<2048xf32, #tpu.memory_space<vmem>>
      tpu.enqueue_dma source(%dma_start3A_423 : memref<2048xf32, #tpu.memory_space<vmem>>) target(%dma_start3A_421 : memref<2048xf32, #tpu.memory_space<hbm>>) target_semaphore(%arg16 : memref<!tpu.dma_semaphore, #tpu.memory_space<semaphore_mem>>)
      %add3A_424 = arith.constant 5242880 : i32
      %add3A_425 = arith.addi %add3A_424, %multiple_of3A_378 : i32
      %multiple_of3A_426 = tpu.assume_multiple %add3A_425, 2048 : i32
      %dma_start3A_427 = arith.constant 10240 : i32
      %dma_start3A_428 = tpu.memref_slice %arg11[%dma_start3A_427] : memref<32768xf32, #tpu.memory_space<vmem>> -> memref<2048xf32, #tpu.memory_space<vmem>>
      %dma_start3A_429 = tpu.memref_slice %arg4[%multiple_of3A_426] : memref<15728640xf32, #tpu.memory_space<hbm>> -> memref<2048xf32, #tpu.memory_space<hbm>>
      %dma_start3A_430 = tpu.memref_slice %arg4[%multiple_of3A_426] : memref<15728640xf32, #tpu.memory_space<hbm>> -> memref<2048xf32, #tpu.memory_space<hbm>>
      %dma_start3A_431 = arith.constant 10240 : i32
      %dma_start3A_432 = tpu.memref_slice %arg11[%dma_start3A_431] : memref<32768xf32, #tpu.memory_space<vmem>> -> memref<2048xf32, #tpu.memory_space<vmem>>
      tpu.enqueue_dma source(%dma_start3A_432 : memref<2048xf32, #tpu.memory_space<vmem>>) target(%dma_start3A_430 : memref<2048xf32, #tpu.memory_space<hbm>>) target_semaphore(%arg16 : memref<!tpu.dma_semaphore, #tpu.memory_space<semaphore_mem>>)
      %add3A_433 = arith.constant 6291456 : i32
      %add3A_434 = arith.addi %add3A_433, %multiple_of3A_378 : i32
      %multiple_of3A_435 = tpu.assume_multiple %add3A_434, 2048 : i32
      %dma_start3A_436 = arith.constant 12288 : i32
      %dma_start3A_437 = tpu.memref_slice %arg11[%dma_start3A_436] : memref<32768xf32, #tpu.memory_space<vmem>> -> memref<2048xf32, #tpu.memory_space<vmem>>
      %dma_start3A_438 = tpu.memref_slice %arg4[%multiple_of3A_435] : memref<15728640xf32, #tpu.memory_space<hbm>> -> memref<2048xf32, #tpu.memory_space<hbm>>
      %dma_start3A_439 = tpu.memref_slice %arg4[%multiple_of3A_435] : memref<15728640xf32, #tpu.memory_space<hbm>> -> memref<2048xf32, #tpu.memory_space<hbm>>
      %dma_start3A_440 = arith.constant 12288 : i32
      %dma_start3A_441 = tpu.memref_slice %arg11[%dma_start3A_440] : memref<32768xf32, #tpu.memory_space<vmem>> -> memref<2048xf32, #tpu.memory_space<vmem>>
      tpu.enqueue_dma source(%dma_start3A_441 : memref<2048xf32, #tpu.memory_space<vmem>>) target(%dma_start3A_439 : memref<2048xf32, #tpu.memory_space<hbm>>) target_semaphore(%arg16 : memref<!tpu.dma_semaphore, #tpu.memory_space<semaphore_mem>>)
      %add3A_442 = arith.constant 7340032 : i32
      %add3A_443 = arith.addi %add3A_442, %multiple_of3A_378 : i32
      %multiple_of3A_444 = tpu.assume_multiple %add3A_443, 2048 : i32
      %dma_start3A_445 = arith.constant 14336 : i32
      %dma_start3A_446 = tpu.memref_slice %arg11[%dma_start3A_445] : memref<32768xf32, #tpu.memory_space<vmem>> -> memref<2048xf32, #tpu.memory_space<vmem>>
      %dma_start3A_447 = tpu.memref_slice %arg4[%multiple_of3A_444] : memref<15728640xf32, #tpu.memory_space<hbm>> -> memref<2048xf32, #tpu.memory_space<hbm>>
      %dma_start3A_448 = tpu.memref_slice %arg4[%multiple_of3A_444] : memref<15728640xf32, #tpu.memory_space<hbm>> -> memref<2048xf32, #tpu.memory_space<hbm>>
      %dma_start3A_449 = arith.constant 14336 : i32
      %dma_start3A_450 = tpu.memref_slice %arg11[%dma_start3A_449] : memref<32768xf32, #tpu.memory_space<vmem>> -> memref<2048xf32, #tpu.memory_space<vmem>>
      tpu.enqueue_dma source(%dma_start3A_450 : memref<2048xf32, #tpu.memory_space<vmem>>) target(%dma_start3A_448 : memref<2048xf32, #tpu.memory_space<hbm>>) target_semaphore(%arg16 : memref<!tpu.dma_semaphore, #tpu.memory_space<semaphore_mem>>)
      %add3A_451 = arith.constant 8388608 : i32
      %add3A_452 = arith.addi %add3A_451, %multiple_of3A_378 : i32
      %multiple_of3A_453 = tpu.assume_multiple %add3A_452, 2048 : i32
      %dma_start3A_454 = arith.constant 16384 : i32
      %dma_start3A_455 = tpu.memref_slice %arg11[%dma_start3A_454] : memref<32768xf32, #tpu.memory_space<vmem>> -> memref<2048xf32, #tpu.memory_space<vmem>>
      %dma_start3A_456 = tpu.memref_slice %arg4[%multiple_of3A_453] : memref<15728640xf32, #tpu.memory_space<hbm>> -> memref<2048xf32, #tpu.memory_space<hbm>>
      %dma_start3A_457 = tpu.memref_slice %arg4[%multiple_of3A_453] : memref<15728640xf32, #tpu.memory_space<hbm>> -> memref<2048xf32, #tpu.memory_space<hbm>>
      %dma_start3A_458 = arith.constant 16384 : i32
      %dma_start3A_459 = tpu.memref_slice %arg11[%dma_start3A_458] : memref<32768xf32, #tpu.memory_space<vmem>> -> memref<2048xf32, #tpu.memory_space<vmem>>
      tpu.enqueue_dma source(%dma_start3A_459 : memref<2048xf32, #tpu.memory_space<vmem>>) target(%dma_start3A_457 : memref<2048xf32, #tpu.memory_space<hbm>>) target_semaphore(%arg16 : memref<!tpu.dma_semaphore, #tpu.memory_space<semaphore_mem>>)
      %add3A_460 = arith.constant 9437184 : i32
      %add3A_461 = arith.addi %add3A_460, %multiple_of3A_378 : i32
      %multiple_of3A_462 = tpu.assume_multiple %add3A_461, 2048 : i32
      %dma_start3A_463 = arith.constant 18432 : i32
      %dma_start3A_464 = tpu.memref_slice %arg11[%dma_start3A_463] : memref<32768xf32, #tpu.memory_space<vmem>> -> memref<2048xf32, #tpu.memory_space<vmem>>
      %dma_start3A_465 = tpu.memref_slice %arg4[%multiple_of3A_462] : memref<15728640xf32, #tpu.memory_space<hbm>> -> memref<2048xf32, #tpu.memory_space<hbm>>
      %dma_start3A_466 = tpu.memref_slice %arg4[%multiple_of3A_462] : memref<15728640xf32, #tpu.memory_space<hbm>> -> memref<2048xf32, #tpu.memory_space<hbm>>
      %dma_start3A_467 = arith.constant 18432 : i32
      %dma_start3A_468 = tpu.memref_slice %arg11[%dma_start3A_467] : memref<32768xf32, #tpu.memory_space<vmem>> -> memref<2048xf32, #tpu.memory_space<vmem>>
      tpu.enqueue_dma source(%dma_start3A_468 : memref<2048xf32, #tpu.memory_space<vmem>>) target(%dma_start3A_466 : memref<2048xf32, #tpu.memory_space<hbm>>) target_semaphore(%arg16 : memref<!tpu.dma_semaphore, #tpu.memory_space<semaphore_mem>>)
      %add3A_469 = arith.constant 10485760 : i32
      %add3A_470 = arith.addi %add3A_469, %multiple_of3A_378 : i32
      %multiple_of3A_471 = tpu.assume_multiple %add3A_470, 2048 : i32
      %dma_start3A_472 = arith.constant 20480 : i32
      %dma_start3A_473 = tpu.memref_slice %arg11[%dma_start3A_472] : memref<32768xf32, #tpu.memory_space<vmem>> -> memref<2048xf32, #tpu.memory_space<vmem>>
      %dma_start3A_474 = tpu.memref_slice %arg4[%multiple_of3A_471] : memref<15728640xf32, #tpu.memory_space<hbm>> -> memref<2048xf32, #tpu.memory_space<hbm>>
      %dma_start3A_475 = tpu.memref_slice %arg4[%multiple_of3A_471] : memref<15728640xf32, #tpu.memory_space<hbm>> -> memref<2048xf32, #tpu.memory_space<hbm>>
      %dma_start3A_476 = arith.constant 20480 : i32
      %dma_start3A_477 = tpu.memref_slice %arg11[%dma_start3A_476] : memref<32768xf32, #tpu.memory_space<vmem>> -> memref<2048xf32, #tpu.memory_space<vmem>>
      tpu.enqueue_dma source(%dma_start3A_477 : memref<2048xf32, #tpu.memory_space<vmem>>) target(%dma_start3A_475 : memref<2048xf32, #tpu.memory_space<hbm>>) target_semaphore(%arg16 : memref<!tpu.dma_semaphore, #tpu.memory_space<semaphore_mem>>)
      %add3A_478 = arith.constant 11534336 : i32
      %add3A_479 = arith.addi %add3A_478, %multiple_of3A_378 : i32
      %multiple_of3A_480 = tpu.assume_multiple %add3A_479, 2048 : i32
      %dma_start3A_481 = arith.constant 22528 : i32
      %dma_start3A_482 = tpu.memref_slice %arg11[%dma_start3A_481] : memref<32768xf32, #tpu.memory_space<vmem>> -> memref<2048xf32, #tpu.memory_space<vmem>>
      %dma_start3A_483 = tpu.memref_slice %arg4[%multiple_of3A_480] : memref<15728640xf32, #tpu.memory_space<hbm>> -> memref<2048xf32, #tpu.memory_space<hbm>>
      %dma_start3A_484 = tpu.memref_slice %arg4[%multiple_of3A_480] : memref<15728640xf32, #tpu.memory_space<hbm>> -> memref<2048xf32, #tpu.memory_space<hbm>>
      %dma_start3A_485 = arith.constant 22528 : i32
      %dma_start3A_486 = tpu.memref_slice %arg11[%dma_start3A_485] : memref<32768xf32, #tpu.memory_space<vmem>> -> memref<2048xf32, #tpu.memory_space<vmem>>
      tpu.enqueue_dma source(%dma_start3A_486 : memref<2048xf32, #tpu.memory_space<vmem>>) target(%dma_start3A_484 : memref<2048xf32, #tpu.memory_space<hbm>>) target_semaphore(%arg16 : memref<!tpu.dma_semaphore, #tpu.memory_space<semaphore_mem>>)
      %add3A_487 = arith.constant 12582912 : i32
      %add3A_488 = arith.addi %add3A_487, %multiple_of3A_378 : i32
      %multiple_of3A_489 = tpu.assume_multiple %add3A_488, 2048 : i32
      %dma_start3A_490 = arith.constant 24576 : i32
      %dma_start3A_491 = tpu.memref_slice %arg11[%dma_start3A_490] : memref<32768xf32, #tpu.memory_space<vmem>> -> memref<2048xf32, #tpu.memory_space<vmem>>
      %dma_start3A_492 = tpu.memref_slice %arg4[%multiple_of3A_489] : memref<15728640xf32, #tpu.memory_space<hbm>> -> memref<2048xf32, #tpu.memory_space<hbm>>
      %dma_start3A_493 = tpu.memref_slice %arg4[%multiple_of3A_489] : memref<15728640xf32, #tpu.memory_space<hbm>> -> memref<2048xf32, #tpu.memory_space<hbm>>
      %dma_start3A_494 = arith.constant 24576 : i32
      %dma_start3A_495 = tpu.memref_slice %arg11[%dma_start3A_494] : memref<32768xf32, #tpu.memory_space<vmem>> -> memref<2048xf32, #tpu.memory_space<vmem>>
      tpu.enqueue_dma source(%dma_start3A_495 : memref<2048xf32, #tpu.memory_space<vmem>>) target(%dma_start3A_493 : memref<2048xf32, #tpu.memory_space<hbm>>) target_semaphore(%arg16 : memref<!tpu.dma_semaphore, #tpu.memory_space<semaphore_mem>>)
      %add3A_496 = arith.constant 13631488 : i32
      %add3A_497 = arith.addi %add3A_496, %multiple_of3A_378 : i32
      %multiple_of3A_498 = tpu.assume_multiple %add3A_497, 2048 : i32
      %dma_start3A_499 = arith.constant 26624 : i32
      %dma_start3A_500 = tpu.memref_slice %arg11[%dma_start3A_499] : memref<32768xf32, #tpu.memory_space<vmem>> -> memref<2048xf32, #tpu.memory_space<vmem>>
      %dma_start3A_501 = tpu.memref_slice %arg4[%multiple_of3A_498] : memref<15728640xf32, #tpu.memory_space<hbm>> -> memref<2048xf32, #tpu.memory_space<hbm>>
      %dma_start3A_502 = tpu.memref_slice %arg4[%multiple_of3A_498] : memref<15728640xf32, #tpu.memory_space<hbm>> -> memref<2048xf32, #tpu.memory_space<hbm>>
      %dma_start3A_503 = arith.constant 26624 : i32
      %dma_start3A_504 = tpu.memref_slice %arg11[%dma_start3A_503] : memref<32768xf32, #tpu.memory_space<vmem>> -> memref<2048xf32, #tpu.memory_space<vmem>>
      tpu.enqueue_dma source(%dma_start3A_504 : memref<2048xf32, #tpu.memory_space<vmem>>) target(%dma_start3A_502 : memref<2048xf32, #tpu.memory_space<hbm>>) target_semaphore(%arg16 : memref<!tpu.dma_semaphore, #tpu.memory_space<semaphore_mem>>)
      %add3A_505 = arith.constant 14680064 : i32
      %add3A_506 = arith.addi %add3A_505, %multiple_of3A_378 : i32
      %multiple_of3A_507 = tpu.assume_multiple %add3A_506, 2048 : i32
      %dma_start3A_508 = arith.constant 28672 : i32
      %dma_start3A_509 = tpu.memref_slice %arg11[%dma_start3A_508] : memref<32768xf32, #tpu.memory_space<vmem>> -> memref<2048xf32, #tpu.memory_space<vmem>>
      %dma_start3A_510 = tpu.memref_slice %arg4[%multiple_of3A_507] : memref<15728640xf32, #tpu.memory_space<hbm>> -> memref<2048xf32, #tpu.memory_space<hbm>>
      %dma_start3A_511 = tpu.memref_slice %arg4[%multiple_of3A_507] : memref<15728640xf32, #tpu.memory_space<hbm>> -> memref<2048xf32, #tpu.memory_space<hbm>>
      %dma_start3A_512 = arith.constant 28672 : i32
      %dma_start3A_513 = tpu.memref_slice %arg11[%dma_start3A_512] : memref<32768xf32, #tpu.memory_space<vmem>> -> memref<2048xf32, #tpu.memory_space<vmem>>
      tpu.enqueue_dma source(%dma_start3A_513 : memref<2048xf32, #tpu.memory_space<vmem>>) target(%dma_start3A_511 : memref<2048xf32, #tpu.memory_space<hbm>>) target_semaphore(%arg16 : memref<!tpu.dma_semaphore, #tpu.memory_space<semaphore_mem>>)
      %add3A_514 = arith.constant 1 : i32
      %add3A_515 = arith.addi %mul3A_38, %add3A_514 : i32
      %mul3A_516 = arith.constant 2048 : i32
      %mul3A_517 = arith.muli %add3A_515, %mul3A_516 : i32
      %add3A_518 = arith.addi %mul3A_2, %mul3A_517 : i32
      %multiple_of3A_519 = tpu.assume_multiple %add3A_518, 2048 : i32
      %add3A_520 = arith.constant 0 : i32
      %add3A_521 = arith.addi %add3A_520, %multiple_of3A_519 : i32
      %multiple_of3A_522 = tpu.assume_multiple %add3A_521, 2048 : i32
      %dma_wait3A_523 = arith.constant 0 : i32
      %dma_wait3A_524 = tpu.memref_slice %arg11[%dma_wait3A_523] : memref<32768xf32, #tpu.memory_space<vmem>> -> memref<2048xf32, #tpu.memory_space<vmem>>
      %dma_wait3A_525 = tpu.memref_slice %arg4[%multiple_of3A_522] : memref<15728640xf32, #tpu.memory_space<hbm>> -> memref<2048xf32, #tpu.memory_space<hbm>>
      %dma_wait3A_526 = tpu.memref_slice %arg4[%multiple_of3A_522] : memref<15728640xf32, #tpu.memory_space<hbm>> -> memref<2048xf32, #tpu.memory_space<hbm>>
      %dma_wait3A_527 = arith.constant 0 : i32
      %dma_wait3A_528 = tpu.memref_slice %arg11[%dma_wait3A_527] : memref<32768xf32, #tpu.memory_space<vmem>> -> memref<2048xf32, #tpu.memory_space<vmem>>
      tpu.wait_dma2 semaphore(%arg16 : memref<!tpu.dma_semaphore, #tpu.memory_space<semaphore_mem>>) src(%dma_wait3A_528 : memref<2048xf32, #tpu.memory_space<vmem>>) dst(%dma_wait3A_526 : memref<2048xf32, #tpu.memory_space<hbm>>)
      %add3A_529 = arith.constant 1048576 : i32
      %add3A_530 = arith.addi %add3A_529, %multiple_of3A_519 : i32
      %multiple_of3A_531 = tpu.assume_multiple %add3A_530, 2048 : i32
      %dma_wait3A_532 = arith.constant 2048 : i32
      %dma_wait3A_533 = tpu.memref_slice %arg11[%dma_wait3A_532] : memref<32768xf32, #tpu.memory_space<vmem>> -> memref<2048xf32, #tpu.memory_space<vmem>>
      %dma_wait3A_534 = tpu.memref_slice %arg4[%multiple_of3A_531] : memref<15728640xf32, #tpu.memory_space<hbm>> -> memref<2048xf32, #tpu.memory_space<hbm>>
      %dma_wait3A_535 = tpu.memref_slice %arg4[%multiple_of3A_531] : memref<15728640xf32, #tpu.memory_space<hbm>> -> memref<2048xf32, #tpu.memory_space<hbm>>
      %dma_wait3A_536 = arith.constant 2048 : i32
      %dma_wait3A_537 = tpu.memref_slice %arg11[%dma_wait3A_536] : memref<32768xf32, #tpu.memory_space<vmem>> -> memref<2048xf32, #tpu.memory_space<vmem>>
      tpu.wait_dma2 semaphore(%arg16 : memref<!tpu.dma_semaphore, #tpu.memory_space<semaphore_mem>>) src(%dma_wait3A_537 : memref<2048xf32, #tpu.memory_space<vmem>>) dst(%dma_wait3A_535 : memref<2048xf32, #tpu.memory_space<hbm>>)
      %add3A_538 = arith.constant 2097152 : i32
      %add3A_539 = arith.addi %add3A_538, %multiple_of3A_519 : i32
      %multiple_of3A_540 = tpu.assume_multiple %add3A_539, 2048 : i32
      %dma_wait3A_541 = arith.constant 4096 : i32
      %dma_wait3A_542 = tpu.memref_slice %arg11[%dma_wait3A_541] : memref<32768xf32, #tpu.memory_space<vmem>> -> memref<2048xf32, #tpu.memory_space<vmem>>
      %dma_wait3A_543 = tpu.memref_slice %arg4[%multiple_of3A_540] : memref<15728640xf32, #tpu.memory_space<hbm>> -> memref<2048xf32, #tpu.memory_space<hbm>>
      %dma_wait3A_544 = tpu.memref_slice %arg4[%multiple_of3A_540] : memref<15728640xf32, #tpu.memory_space<hbm>> -> memref<2048xf32, #tpu.memory_space<hbm>>
      %dma_wait3A_545 = arith.constant 4096 : i32
      %dma_wait3A_546 = tpu.memref_slice %arg11[%dma_wait3A_545] : memref<32768xf32, #tpu.memory_space<vmem>> -> memref<2048xf32, #tpu.memory_space<vmem>>
      tpu.wait_dma2 semaphore(%arg16 : memref<!tpu.dma_semaphore, #tpu.memory_space<semaphore_mem>>) src(%dma_wait3A_546 : memref<2048xf32, #tpu.memory_space<vmem>>) dst(%dma_wait3A_544 : memref<2048xf32, #tpu.memory_space<hbm>>)
      %add3A_547 = arith.constant 3145728 : i32
      %add3A_548 = arith.addi %add3A_547, %multiple_of3A_519 : i32
      %multiple_of3A_549 = tpu.assume_multiple %add3A_548, 2048 : i32
      %dma_wait3A_550 = arith.constant 6144 : i32
      %dma_wait3A_551 = tpu.memref_slice %arg11[%dma_wait3A_550] : memref<32768xf32, #tpu.memory_space<vmem>> -> memref<2048xf32, #tpu.memory_space<vmem>>
      %dma_wait3A_552 = tpu.memref_slice %arg4[%multiple_of3A_549] : memref<15728640xf32, #tpu.memory_space<hbm>> -> memref<2048xf32, #tpu.memory_space<hbm>>
      %dma_wait3A_553 = tpu.memref_slice %arg4[%multiple_of3A_549] : memref<15728640xf32, #tpu.memory_space<hbm>> -> memref<2048xf32, #tpu.memory_space<hbm>>
      %dma_wait3A_554 = arith.constant 6144 : i32
      %dma_wait3A_555 = tpu.memref_slice %arg11[%dma_wait3A_554] : memref<32768xf32, #tpu.memory_space<vmem>> -> memref<2048xf32, #tpu.memory_space<vmem>>
      tpu.wait_dma2 semaphore(%arg16 : memref<!tpu.dma_semaphore, #tpu.memory_space<semaphore_mem>>) src(%dma_wait3A_555 : memref<2048xf32, #tpu.memory_space<vmem>>) dst(%dma_wait3A_553 : memref<2048xf32, #tpu.memory_space<hbm>>)
      %add3A_556 = arith.constant 4194304 : i32
      %add3A_557 = arith.addi %add3A_556, %multiple_of3A_519 : i32
      %multiple_of3A_558 = tpu.assume_multiple %add3A_557, 2048 : i32
      %dma_wait3A_559 = arith.constant 8192 : i32
      %dma_wait3A_560 = tpu.memref_slice %arg11[%dma_wait3A_559] : memref<32768xf32, #tpu.memory_space<vmem>> -> memref<2048xf32, #tpu.memory_space<vmem>>
      %dma_wait3A_561 = tpu.memref_slice %arg4[%multiple_of3A_558] : memref<15728640xf32, #tpu.memory_space<hbm>> -> memref<2048xf32, #tpu.memory_space<hbm>>
      %dma_wait3A_562 = tpu.memref_slice %arg4[%multiple_of3A_558] : memref<15728640xf32, #tpu.memory_space<hbm>> -> memref<2048xf32, #tpu.memory_space<hbm>>
      %dma_wait3A_563 = arith.constant 8192 : i32
      %dma_wait3A_564 = tpu.memref_slice %arg11[%dma_wait3A_563] : memref<32768xf32, #tpu.memory_space<vmem>> -> memref<2048xf32, #tpu.memory_space<vmem>>
      tpu.wait_dma2 semaphore(%arg16 : memref<!tpu.dma_semaphore, #tpu.memory_space<semaphore_mem>>) src(%dma_wait3A_564 : memref<2048xf32, #tpu.memory_space<vmem>>) dst(%dma_wait3A_562 : memref<2048xf32, #tpu.memory_space<hbm>>)
      %add3A_565 = arith.constant 5242880 : i32
      %add3A_566 = arith.addi %add3A_565, %multiple_of3A_519 : i32
      %multiple_of3A_567 = tpu.assume_multiple %add3A_566, 2048 : i32
      %dma_wait3A_568 = arith.constant 10240 : i32
      %dma_wait3A_569 = tpu.memref_slice %arg11[%dma_wait3A_568] : memref<32768xf32, #tpu.memory_space<vmem>> -> memref<2048xf32, #tpu.memory_space<vmem>>
      %dma_wait3A_570 = tpu.memref_slice %arg4[%multiple_of3A_567] : memref<15728640xf32, #tpu.memory_space<hbm>> -> memref<2048xf32, #tpu.memory_space<hbm>>
      %dma_wait3A_571 = tpu.memref_slice %arg4[%multiple_of3A_567] : memref<15728640xf32, #tpu.memory_space<hbm>> -> memref<2048xf32, #tpu.memory_space<hbm>>
      %dma_wait3A_572 = arith.constant 10240 : i32
      %dma_wait3A_573 = tpu.memref_slice %arg11[%dma_wait3A_572] : memref<32768xf32, #tpu.memory_space<vmem>> -> memref<2048xf32, #tpu.memory_space<vmem>>
      tpu.wait_dma2 semaphore(%arg16 : memref<!tpu.dma_semaphore, #tpu.memory_space<semaphore_mem>>) src(%dma_wait3A_573 : memref<2048xf32, #tpu.memory_space<vmem>>) dst(%dma_wait3A_571 : memref<2048xf32, #tpu.memory_space<hbm>>)
      %add3A_574 = arith.constant 6291456 : i32
      %add3A_575 = arith.addi %add3A_574, %multiple_of3A_519 : i32
      %multiple_of3A_576 = tpu.assume_multiple %add3A_575, 2048 : i32
      %dma_wait3A_577 = arith.constant 12288 : i32
      %dma_wait3A_578 = tpu.memref_slice %arg11[%dma_wait3A_577] : memref<32768xf32, #tpu.memory_space<vmem>> -> memref<2048xf32, #tpu.memory_space<vmem>>
      %dma_wait3A_579 = tpu.memref_slice %arg4[%multiple_of3A_576] : memref<15728640xf32, #tpu.memory_space<hbm>> -> memref<2048xf32, #tpu.memory_space<hbm>>
      %dma_wait3A_580 = tpu.memref_slice %arg4[%multiple_of3A_576] : memref<15728640xf32, #tpu.memory_space<hbm>> -> memref<2048xf32, #tpu.memory_space<hbm>>
      %dma_wait3A_581 = arith.constant 12288 : i32
      %dma_wait3A_582 = tpu.memref_slice %arg11[%dma_wait3A_581] : memref<32768xf32, #tpu.memory_space<vmem>> -> memref<2048xf32, #tpu.memory_space<vmem>>
      tpu.wait_dma2 semaphore(%arg16 : memref<!tpu.dma_semaphore, #tpu.memory_space<semaphore_mem>>) src(%dma_wait3A_582 : memref<2048xf32, #tpu.memory_space<vmem>>) dst(%dma_wait3A_580 : memref<2048xf32, #tpu.memory_space<hbm>>)
      %add3A_583 = arith.constant 7340032 : i32
      %add3A_584 = arith.addi %add3A_583, %multiple_of3A_519 : i32
      %multiple_of3A_585 = tpu.assume_multiple %add3A_584, 2048 : i32
      %dma_wait3A_586 = arith.constant 14336 : i32
      %dma_wait3A_587 = tpu.memref_slice %arg11[%dma_wait3A_586] : memref<32768xf32, #tpu.memory_space<vmem>> -> memref<2048xf32, #tpu.memory_space<vmem>>
      %dma_wait3A_588 = tpu.memref_slice %arg4[%multiple_of3A_585] : memref<15728640xf32, #tpu.memory_space<hbm>> -> memref<2048xf32, #tpu.memory_space<hbm>>
      %dma_wait3A_589 = tpu.memref_slice %arg4[%multiple_of3A_585] : memref<15728640xf32, #tpu.memory_space<hbm>> -> memref<2048xf32, #tpu.memory_space<hbm>>
      %dma_wait3A_590 = arith.constant 14336 : i32
      %dma_wait3A_591 = tpu.memref_slice %arg11[%dma_wait3A_590] : memref<32768xf32, #tpu.memory_space<vmem>> -> memref<2048xf32, #tpu.memory_space<vmem>>
      tpu.wait_dma2 semaphore(%arg16 : memref<!tpu.dma_semaphore, #tpu.memory_space<semaphore_mem>>) src(%dma_wait3A_591 : memref<2048xf32, #tpu.memory_space<vmem>>) dst(%dma_wait3A_589 : memref<2048xf32, #tpu.memory_space<hbm>>)
      %add3A_592 = arith.constant 8388608 : i32
      %add3A_593 = arith.addi %add3A_592, %multiple_of3A_519 : i32
      %multiple_of3A_594 = tpu.assume_multiple %add3A_593, 2048 : i32
      %dma_wait3A_595 = arith.constant 16384 : i32
      %dma_wait3A_596 = tpu.memref_slice %arg11[%dma_wait3A_595] : memref<32768xf32, #tpu.memory_space<vmem>> -> memref<2048xf32, #tpu.memory_space<vmem>>
      %dma_wait3A_597 = tpu.memref_slice %arg4[%multiple_of3A_594] : memref<15728640xf32, #tpu.memory_space<hbm>> -> memref<2048xf32, #tpu.memory_space<hbm>>
      %dma_wait3A_598 = tpu.memref_slice %arg4[%multiple_of3A_594] : memref<15728640xf32, #tpu.memory_space<hbm>> -> memref<2048xf32, #tpu.memory_space<hbm>>
      %dma_wait3A_599 = arith.constant 16384 : i32
      %dma_wait3A_600 = tpu.memref_slice %arg11[%dma_wait3A_599] : memref<32768xf32, #tpu.memory_space<vmem>> -> memref<2048xf32, #tpu.memory_space<vmem>>
      tpu.wait_dma2 semaphore(%arg16 : memref<!tpu.dma_semaphore, #tpu.memory_space<semaphore_mem>>) src(%dma_wait3A_600 : memref<2048xf32, #tpu.memory_space<vmem>>) dst(%dma_wait3A_598 : memref<2048xf32, #tpu.memory_space<hbm>>)
      %add3A_601 = arith.constant 9437184 : i32
      %add3A_602 = arith.addi %add3A_601, %multiple_of3A_519 : i32
      %multiple_of3A_603 = tpu.assume_multiple %add3A_602, 2048 : i32
      %dma_wait3A_604 = arith.constant 18432 : i32
      %dma_wait3A_605 = tpu.memref_slice %arg11[%dma_wait3A_604] : memref<32768xf32, #tpu.memory_space<vmem>> -> memref<2048xf32, #tpu.memory_space<vmem>>
      %dma_wait3A_606 = tpu.memref_slice %arg4[%multiple_of3A_603] : memref<15728640xf32, #tpu.memory_space<hbm>> -> memref<2048xf32, #tpu.memory_space<hbm>>
      %dma_wait3A_607 = tpu.memref_slice %arg4[%multiple_of3A_603] : memref<15728640xf32, #tpu.memory_space<hbm>> -> memref<2048xf32, #tpu.memory_space<hbm>>
      %dma_wait3A_608 = arith.constant 18432 : i32
      %dma_wait3A_609 = tpu.memref_slice %arg11[%dma_wait3A_608] : memref<32768xf32, #tpu.memory_space<vmem>> -> memref<2048xf32, #tpu.memory_space<vmem>>
      tpu.wait_dma2 semaphore(%arg16 : memref<!tpu.dma_semaphore, #tpu.memory_space<semaphore_mem>>) src(%dma_wait3A_609 : memref<2048xf32, #tpu.memory_space<vmem>>) dst(%dma_wait3A_607 : memref<2048xf32, #tpu.memory_space<hbm>>)
      %add3A_610 = arith.constant 10485760 : i32
      %add3A_611 = arith.addi %add3A_610, %multiple_of3A_519 : i32
      %multiple_of3A_612 = tpu.assume_multiple %add3A_611, 2048 : i32
      %dma_wait3A_613 = arith.constant 20480 : i32
      %dma_wait3A_614 = tpu.memref_slice %arg11[%dma_wait3A_613] : memref<32768xf32, #tpu.memory_space<vmem>> -> memref<2048xf32, #tpu.memory_space<vmem>>
      %dma_wait3A_615 = tpu.memref_slice %arg4[%multiple_of3A_612] : memref<15728640xf32, #tpu.memory_space<hbm>> -> memref<2048xf32, #tpu.memory_space<hbm>>
      %dma_wait3A_616 = tpu.memref_slice %arg4[%multiple_of3A_612] : memref<15728640xf32, #tpu.memory_space<hbm>> -> memref<2048xf32, #tpu.memory_space<hbm>>
      %dma_wait3A_617 = arith.constant 20480 : i32
      %dma_wait3A_618 = tpu.memref_slice %arg11[%dma_wait3A_617] : memref<32768xf32, #tpu.memory_space<vmem>> -> memref<2048xf32, #tpu.memory_space<vmem>>
      tpu.wait_dma2 semaphore(%arg16 : memref<!tpu.dma_semaphore, #tpu.memory_space<semaphore_mem>>) src(%dma_wait3A_618 : memref<2048xf32, #tpu.memory_space<vmem>>) dst(%dma_wait3A_616 : memref<2048xf32, #tpu.memory_space<hbm>>)
      %add3A_619 = arith.constant 11534336 : i32
      %add3A_620 = arith.addi %add3A_619, %multiple_of3A_519 : i32
      %multiple_of3A_621 = tpu.assume_multiple %add3A_620, 2048 : i32
      %dma_wait3A_622 = arith.constant 22528 : i32
      %dma_wait3A_623 = tpu.memref_slice %arg11[%dma_wait3A_622] : memref<32768xf32, #tpu.memory_space<vmem>> -> memref<2048xf32, #tpu.memory_space<vmem>>
      %dma_wait3A_624 = tpu.memref_slice %arg4[%multiple_of3A_621] : memref<15728640xf32, #tpu.memory_space<hbm>> -> memref<2048xf32, #tpu.memory_space<hbm>>
      %dma_wait3A_625 = tpu.memref_slice %arg4[%multiple_of3A_621] : memref<15728640xf32, #tpu.memory_space<hbm>> -> memref<2048xf32, #tpu.memory_space<hbm>>
      %dma_wait3A_626 = arith.constant 22528 : i32
      %dma_wait3A_627 = tpu.memref_slice %arg11[%dma_wait3A_626] : memref<32768xf32, #tpu.memory_space<vmem>> -> memref<2048xf32, #tpu.memory_space<vmem>>
      tpu.wait_dma2 semaphore(%arg16 : memref<!tpu.dma_semaphore, #tpu.memory_space<semaphore_mem>>) src(%dma_wait3A_627 : memref<2048xf32, #tpu.memory_space<vmem>>) dst(%dma_wait3A_625 : memref<2048xf32, #tpu.memory_space<hbm>>)
      %add3A_628 = arith.constant 12582912 : i32
      %add3A_629 = arith.addi %add3A_628, %multiple_of3A_519 : i32
      %multiple_of3A_630 = tpu.assume_multiple %add3A_629, 2048 : i32
      %dma_wait3A_631 = arith.constant 24576 : i32
      %dma_wait3A_632 = tpu.memref_slice %arg11[%dma_wait3A_631] : memref<32768xf32, #tpu.memory_space<vmem>> -> memref<2048xf32, #tpu.memory_space<vmem>>
      %dma_wait3A_633 = tpu.memref_slice %arg4[%multiple_of3A_630] : memref<15728640xf32, #tpu.memory_space<hbm>> -> memref<2048xf32, #tpu.memory_space<hbm>>
      %dma_wait3A_634 = tpu.memref_slice %arg4[%multiple_of3A_630] : memref<15728640xf32, #tpu.memory_space<hbm>> -> memref<2048xf32, #tpu.memory_space<hbm>>
      %dma_wait3A_635 = arith.constant 24576 : i32
      %dma_wait3A_636 = tpu.memref_slice %arg11[%dma_wait3A_635] : memref<32768xf32, #tpu.memory_space<vmem>> -> memref<2048xf32, #tpu.memory_space<vmem>>
      tpu.wait_dma2 semaphore(%arg16 : memref<!tpu.dma_semaphore, #tpu.memory_space<semaphore_mem>>) src(%dma_wait3A_636 : memref<2048xf32, #tpu.memory_space<vmem>>) dst(%dma_wait3A_634 : memref<2048xf32, #tpu.memory_space<hbm>>)
      %add3A_637 = arith.constant 13631488 : i32
      %add3A_638 = arith.addi %add3A_637, %multiple_of3A_519 : i32
      %multiple_of3A_639 = tpu.assume_multiple %add3A_638, 2048 : i32
      %dma_wait3A_640 = arith.constant 26624 : i32
      %dma_wait3A_641 = tpu.memref_slice %arg11[%dma_wait3A_640] : memref<32768xf32, #tpu.memory_space<vmem>> -> memref<2048xf32, #tpu.memory_space<vmem>>
      %dma_wait3A_642 = tpu.memref_slice %arg4[%multiple_of3A_639] : memref<15728640xf32, #tpu.memory_space<hbm>> -> memref<2048xf32, #tpu.memory_space<hbm>>
      %dma_wait3A_643 = tpu.memref_slice %arg4[%multiple_of3A_639] : memref<15728640xf32, #tpu.memory_space<hbm>> -> memref<2048xf32, #tpu.memory_space<hbm>>
      %dma_wait3A_644 = arith.constant 26624 : i32
      %dma_wait3A_645 = tpu.memref_slice %arg11[%dma_wait3A_644] : memref<32768xf32, #tpu.memory_space<vmem>> -> memref<2048xf32, #tpu.memory_space<vmem>>
      tpu.wait_dma2 semaphore(%arg16 : memref<!tpu.dma_semaphore, #tpu.memory_space<semaphore_mem>>) src(%dma_wait3A_645 : memref<2048xf32, #tpu.memory_space<vmem>>) dst(%dma_wait3A_643 : memref<2048xf32, #tpu.memory_space<hbm>>)
      %add3A_646 = arith.constant 14680064 : i32
      %add3A_647 = arith.addi %add3A_646, %multiple_of3A_519 : i32
      %multiple_of3A_648 = tpu.assume_multiple %add3A_647, 2048 : i32
      %dma_wait3A_649 = arith.constant 28672 : i32
      %dma_wait3A_650 = tpu.memref_slice %arg11[%dma_wait3A_649] : memref<32768xf32, #tpu.memory_space<vmem>> -> memref<2048xf32, #tpu.memory_space<vmem>>
      %dma_wait3A_651 = tpu.memref_slice %arg4[%multiple_of3A_648] : memref<15728640xf32, #tpu.memory_space<hbm>> -> memref<2048xf32, #tpu.memory_space<hbm>>
      %dma_wait3A_652 = tpu.memref_slice %arg4[%multiple_of3A_648] : memref<15728640xf32, #tpu.memory_space<hbm>> -> memref<2048xf32, #tpu.memory_space<hbm>>
      %dma_wait3A_653 = arith.constant 28672 : i32
      %dma_wait3A_654 = tpu.memref_slice %arg11[%dma_wait3A_653] : memref<32768xf32, #tpu.memory_space<vmem>> -> memref<2048xf32, #tpu.memory_space<vmem>>
      tpu.wait_dma2 semaphore(%arg16 : memref<!tpu.dma_semaphore, #tpu.memory_space<semaphore_mem>>) src(%dma_wait3A_654 : memref<2048xf32, #tpu.memory_space<vmem>>) dst(%dma_wait3A_652 : memref<2048xf32, #tpu.memory_space<hbm>>)
    }
    %scan3A_23 = arith.constant 8 : i32
    %mul3A_24 = arith.constant 32 : i32
    %mul3A_25 = arith.muli %add3A, %mul3A_24 : i32
    %multiple_of3A_26 = tpu.assume_multiple %mul3A_25, 16 : i32
    "tpu.region"() ({
      %run_scoped3A = tpu.sem_alloc : memref<!tpu.dma_semaphore, #tpu.memory_space<semaphore_mem>>
      %dma_start3A_32 = tpu.memref_slice %arg5[%multiple_of3A_26] : memref<1024xf32, #tpu.memory_space<hbm>> -> memref<16xf32, #tpu.memory_space<hbm>>
      %dma_start3A_33 = tpu.memref_slice %arg5[%multiple_of3A_26] : memref<1024xf32, #tpu.memory_space<hbm>> -> memref<16xf32, #tpu.memory_space<hbm>>
      tpu.enqueue_dma source(%arg12 : memref<16xf32, #tpu.memory_space<vmem>>) target(%dma_start3A_33 : memref<16xf32, #tpu.memory_space<hbm>>) target_semaphore(%run_scoped3A : memref<!tpu.dma_semaphore, #tpu.memory_space<semaphore_mem>>)
      %dma_wait3A = tpu.memref_slice %arg5[%multiple_of3A_26] : memref<1024xf32, #tpu.memory_space<hbm>> -> memref<16xf32, #tpu.memory_space<hbm>>
      %dma_wait3A_34 = tpu.memref_slice %arg5[%multiple_of3A_26] : memref<1024xf32, #tpu.memory_space<hbm>> -> memref<16xf32, #tpu.memory_space<hbm>>
      tpu.wait_dma2 semaphore(%run_scoped3A : memref<!tpu.dma_semaphore, #tpu.memory_space<semaphore_mem>>) src(%arg12 : memref<16xf32, #tpu.memory_space<vmem>>) dst(%dma_wait3A_34 : memref<16xf32, #tpu.memory_space<hbm>>)
      tpu.yield
    }) : () -> ()
    %mul3A_27 = arith.constant 32 : i32
    %mul3A_28 = arith.muli %add3A, %mul3A_27 : i32
    %add3A_29 = arith.constant 16 : i32
    %add3A_30 = arith.addi %mul3A_28, %add3A_29 : i32
    %multiple_of3A_31 = tpu.assume_multiple %add3A_30, 16 : i32
    "tpu.region"() ({
      %run_scoped3A = tpu.sem_alloc : memref<!tpu.dma_semaphore, #tpu.memory_space<semaphore_mem>>
      %dma_start3A_32 = tpu.memref_slice %arg5[%multiple_of3A_31] : memref<1024xf32, #tpu.memory_space<hbm>> -> memref<16xf32, #tpu.memory_space<hbm>>
      %dma_start3A_33 = tpu.memref_slice %arg5[%multiple_of3A_31] : memref<1024xf32, #tpu.memory_space<hbm>> -> memref<16xf32, #tpu.memory_space<hbm>>
      tpu.enqueue_dma source(%arg13 : memref<16xf32, #tpu.memory_space<vmem>>) target(%dma_start3A_33 : memref<16xf32, #tpu.memory_space<hbm>>) target_semaphore(%run_scoped3A : memref<!tpu.dma_semaphore, #tpu.memory_space<semaphore_mem>>)
      %dma_wait3A = tpu.memref_slice %arg5[%multiple_of3A_31] : memref<1024xf32, #tpu.memory_space<hbm>> -> memref<16xf32, #tpu.memory_space<hbm>>
      %dma_wait3A_34 = tpu.memref_slice %arg5[%multiple_of3A_31] : memref<1024xf32, #tpu.memory_space<hbm>> -> memref<16xf32, #tpu.memory_space<hbm>>
      tpu.wait_dma2 semaphore(%run_scoped3A : memref<!tpu.dma_semaphore, #tpu.memory_space<semaphore_mem>>) src(%arg13 : memref<16xf32, #tpu.memory_space<vmem>>) dst(%dma_wait3A_34 : memref<16xf32, #tpu.memory_space<hbm>>)
      tpu.yield
    }) : () -> ()
    return
  }
}

#map = affine_map<(d0, d1) -> (0)>
module attributes {stable_mosaic.version = 14 : i64} {
  func.func @k(%arg0: i32, %arg1: i32, %arg2: memref<2097152xf32, #tpu.memory_space<hbm>>, %arg3: memref<2097152xf32, #tpu.memory_space<hbm>>, %arg4: memref<2097152xf32, #tpu.memory_space<hbm>>, %arg5: memref<2097152xf32, #tpu.memory_space<hbm>>, %arg6: memref<2097152xf32, #tpu.memory_space<hbm>>, %arg7: memref<2097152xf32, #tpu.memory_space<hbm>>, %arg8: memref<2097152xf32, #tpu.memory_space<hbm>>, %arg9: memref<2097152xf32, #tpu.memory_space<hbm>>, %arg10: memref<2097152xf32, #tpu.memory_space<hbm>>, %arg11: memref<2097152xf32, #tpu.memory_space<hbm>>, %arg12: memref<2097152xf32, #tpu.memory_space<hbm>>, %arg13: memref<2097152xf32, #tpu.memory_space<hbm>>, %arg14: memref<2097152xf32, #tpu.memory_space<hbm>>, %arg15: memref<2097152xf32, #tpu.memory_space<hbm>>, %arg16: memref<2097152xf32, #tpu.memory_space<hbm>>, %arg17: memref<33554432xf32, #tpu.memory_space<hbm>>, %arg18: memref<32768xf32, #tpu.memory_space<vmem>>, %arg19: memref<32768xf32, #tpu.memory_space<vmem>>, %arg20: memref<!tpu.dma_semaphore, #tpu.memory_space<semaphore_mem>>) attributes {dimension_semantics = [#tpu.dimension_semantics<core_parallel>, #tpu.dimension_semantics<subcore_parallel>], iteration_bounds = array<i64: 2, 16>, scalar_prefetch = 0 : i64, scratch_operands = 3 : i64, tpu.core_type = #tpu.core_type<sc_vector_subcore>, window_params = [{transform_indices = #map}, {transform_indices = #map}, {transform_indices = #map}, {transform_indices = #map}, {transform_indices = #map}, {transform_indices = #map}, {transform_indices = #map}, {transform_indices = #map}, {transform_indices = #map}, {transform_indices = #map}, {transform_indices = #map}, {transform_indices = #map}, {transform_indices = #map}, {transform_indices = #map}, {transform_indices = #map}, {transform_indices = #map}]} {
    %mul3A = arith.constant 2 : i32
    %mul3A_0 = arith.muli %arg1, %mul3A : i32
    %add3A = arith.addi %mul3A_0, %arg0 : i32
    %mul3A_1 = arith.constant 65536 : i32
    %mul3A_2 = arith.muli %add3A, %mul3A_1 : i32
    %iota3A = tpu.iota {dimensions = array<i32: 0>} : vector<16xi32>
    %min3A = arith.constant 14 : i32
    %min3A_3 = vector.broadcast %min3A : i32 to vector<16xi32>
    %min3A_4 = arith.minsi %iota3A, %min3A_3 : vector<16xi32>
    %mul3A_5 = arith.constant 2048 : i32
    %mul3A_6 = vector.broadcast %mul3A_5 : i32 to vector<16xi32>
    %mul3A_7 = arith.muli %min3A_4, %mul3A_6 : vector<16xi32>
    %scan3A = arith.constant 0 : i32
    %scan3A_8 = arith.constant 32 : i32
    %scan3A_9 = arith.addi %scan3A, %scan3A_8 : i32
    %scan3A_10 = arith.constant 1 : i32
    scf.for %scan3A_12 = %scan3A to %scan3A_9 step %scan3A_10  : i32 {
      %mul3A_13 = arith.constant 1 : i32
      %mul3A_14 = arith.muli %scan3A_12, %mul3A_13 : i32
      %add3A_15 = arith.constant 0 : i32
      %add3A_16 = arith.addi %add3A_15, %mul3A_14 : i32
      %mul3A_17 = arith.constant 2048 : i32
      %mul3A_18 = arith.muli %add3A_16, %mul3A_17 : i32
      %add3A_19 = arith.addi %mul3A_2, %mul3A_18 : i32
      %multiple_of3A = tpu.assume_multiple %add3A_19, 2048 : i32
      %dma_start3A = arith.constant 0 : i32
      %dma_start3A_20 = tpu.memref_slice %arg18[%dma_start3A] : memref<32768xf32, #tpu.memory_space<vmem>> -> memref<2048xf32, #tpu.memory_space<vmem>>
      %dma_start3A_21 = tpu.memref_slice %arg2[%multiple_of3A] : memref<2097152xf32, #tpu.memory_space<hbm>> -> memref<2048xf32, #tpu.memory_space<hbm>>
      %dma_start3A_22 = arith.constant 0 : i32
      %dma_start3A_23 = tpu.memref_slice %arg18[%dma_start3A_22] : memref<32768xf32, #tpu.memory_space<vmem>> -> memref<2048xf32, #tpu.memory_space<vmem>>
      %dma_start3A_24 = tpu.memref_slice %arg2[%multiple_of3A] : memref<2097152xf32, #tpu.memory_space<hbm>> -> memref<2048xf32, #tpu.memory_space<hbm>>
      tpu.enqueue_dma source(%dma_start3A_24 : memref<2048xf32, #tpu.memory_space<hbm>>) target(%dma_start3A_23 : memref<2048xf32, #tpu.memory_space<vmem>>) target_semaphore(%arg20 : memref<!tpu.dma_semaphore, #tpu.memory_space<semaphore_mem>>)
      %dma_start3A_25 = arith.constant 2048 : i32
      %dma_start3A_26 = tpu.memref_slice %arg18[%dma_start3A_25] : memref<32768xf32, #tpu.memory_space<vmem>> -> memref<2048xf32, #tpu.memory_space<vmem>>
      %dma_start3A_27 = tpu.memref_slice %arg3[%multiple_of3A] : memref<2097152xf32, #tpu.memory_space<hbm>> -> memref<2048xf32, #tpu.memory_space<hbm>>
      %dma_start3A_28 = arith.constant 2048 : i32
      %dma_start3A_29 = tpu.memref_slice %arg18[%dma_start3A_28] : memref<32768xf32, #tpu.memory_space<vmem>> -> memref<2048xf32, #tpu.memory_space<vmem>>
      %dma_start3A_30 = tpu.memref_slice %arg3[%multiple_of3A] : memref<2097152xf32, #tpu.memory_space<hbm>> -> memref<2048xf32, #tpu.memory_space<hbm>>
      tpu.enqueue_dma source(%dma_start3A_30 : memref<2048xf32, #tpu.memory_space<hbm>>) target(%dma_start3A_29 : memref<2048xf32, #tpu.memory_space<vmem>>) target_semaphore(%arg20 : memref<!tpu.dma_semaphore, #tpu.memory_space<semaphore_mem>>)
      %dma_start3A_31 = arith.constant 4096 : i32
      %dma_start3A_32 = tpu.memref_slice %arg18[%dma_start3A_31] : memref<32768xf32, #tpu.memory_space<vmem>> -> memref<2048xf32, #tpu.memory_space<vmem>>
      %dma_start3A_33 = tpu.memref_slice %arg4[%multiple_of3A] : memref<2097152xf32, #tpu.memory_space<hbm>> -> memref<2048xf32, #tpu.memory_space<hbm>>
      %dma_start3A_34 = arith.constant 4096 : i32
      %dma_start3A_35 = tpu.memref_slice %arg18[%dma_start3A_34] : memref<32768xf32, #tpu.memory_space<vmem>> -> memref<2048xf32, #tpu.memory_space<vmem>>
      %dma_start3A_36 = tpu.memref_slice %arg4[%multiple_of3A] : memref<2097152xf32, #tpu.memory_space<hbm>> -> memref<2048xf32, #tpu.memory_space<hbm>>
      tpu.enqueue_dma source(%dma_start3A_36 : memref<2048xf32, #tpu.memory_space<hbm>>) target(%dma_start3A_35 : memref<2048xf32, #tpu.memory_space<vmem>>) target_semaphore(%arg20 : memref<!tpu.dma_semaphore, #tpu.memory_space<semaphore_mem>>)
      %dma_start3A_37 = arith.constant 6144 : i32
      %dma_start3A_38 = tpu.memref_slice %arg18[%dma_start3A_37] : memref<32768xf32, #tpu.memory_space<vmem>> -> memref<2048xf32, #tpu.memory_space<vmem>>
      %dma_start3A_39 = tpu.memref_slice %arg5[%multiple_of3A] : memref<2097152xf32, #tpu.memory_space<hbm>> -> memref<2048xf32, #tpu.memory_space<hbm>>
      %dma_start3A_40 = arith.constant 6144 : i32
      %dma_start3A_41 = tpu.memref_slice %arg18[%dma_start3A_40] : memref<32768xf32, #tpu.memory_space<vmem>> -> memref<2048xf32, #tpu.memory_space<vmem>>
      %dma_start3A_42 = tpu.memref_slice %arg5[%multiple_of3A] : memref<2097152xf32, #tpu.memory_space<hbm>> -> memref<2048xf32, #tpu.memory_space<hbm>>
      tpu.enqueue_dma source(%dma_start3A_42 : memref<2048xf32, #tpu.memory_space<hbm>>) target(%dma_start3A_41 : memref<2048xf32, #tpu.memory_space<vmem>>) target_semaphore(%arg20 : memref<!tpu.dma_semaphore, #tpu.memory_space<semaphore_mem>>)
      %dma_start3A_43 = arith.constant 8192 : i32
      %dma_start3A_44 = tpu.memref_slice %arg18[%dma_start3A_43] : memref<32768xf32, #tpu.memory_space<vmem>> -> memref<2048xf32, #tpu.memory_space<vmem>>
      %dma_start3A_45 = tpu.memref_slice %arg6[%multiple_of3A] : memref<2097152xf32, #tpu.memory_space<hbm>> -> memref<2048xf32, #tpu.memory_space<hbm>>
      %dma_start3A_46 = arith.constant 8192 : i32
      %dma_start3A_47 = tpu.memref_slice %arg18[%dma_start3A_46] : memref<32768xf32, #tpu.memory_space<vmem>> -> memref<2048xf32, #tpu.memory_space<vmem>>
      %dma_start3A_48 = tpu.memref_slice %arg6[%multiple_of3A] : memref<2097152xf32, #tpu.memory_space<hbm>> -> memref<2048xf32, #tpu.memory_space<hbm>>
      tpu.enqueue_dma source(%dma_start3A_48 : memref<2048xf32, #tpu.memory_space<hbm>>) target(%dma_start3A_47 : memref<2048xf32, #tpu.memory_space<vmem>>) target_semaphore(%arg20 : memref<!tpu.dma_semaphore, #tpu.memory_space<semaphore_mem>>)
      %dma_start3A_49 = arith.constant 10240 : i32
      %dma_start3A_50 = tpu.memref_slice %arg18[%dma_start3A_49] : memref<32768xf32, #tpu.memory_space<vmem>> -> memref<2048xf32, #tpu.memory_space<vmem>>
      %dma_start3A_51 = tpu.memref_slice %arg7[%multiple_of3A] : memref<2097152xf32, #tpu.memory_space<hbm>> -> memref<2048xf32, #tpu.memory_space<hbm>>
      %dma_start3A_52 = arith.constant 10240 : i32
      %dma_start3A_53 = tpu.memref_slice %arg18[%dma_start3A_52] : memref<32768xf32, #tpu.memory_space<vmem>> -> memref<2048xf32, #tpu.memory_space<vmem>>
      %dma_start3A_54 = tpu.memref_slice %arg7[%multiple_of3A] : memref<2097152xf32, #tpu.memory_space<hbm>> -> memref<2048xf32, #tpu.memory_space<hbm>>
      tpu.enqueue_dma source(%dma_start3A_54 : memref<2048xf32, #tpu.memory_space<hbm>>) target(%dma_start3A_53 : memref<2048xf32, #tpu.memory_space<vmem>>) target_semaphore(%arg20 : memref<!tpu.dma_semaphore, #tpu.memory_space<semaphore_mem>>)
      %dma_start3A_55 = arith.constant 12288 : i32
      %dma_start3A_56 = tpu.memref_slice %arg18[%dma_start3A_55] : memref<32768xf32, #tpu.memory_space<vmem>> -> memref<2048xf32, #tpu.memory_space<vmem>>
      %dma_start3A_57 = tpu.memref_slice %arg8[%multiple_of3A] : memref<2097152xf32, #tpu.memory_space<hbm>> -> memref<2048xf32, #tpu.memory_space<hbm>>
      %dma_start3A_58 = arith.constant 12288 : i32
      %dma_start3A_59 = tpu.memref_slice %arg18[%dma_start3A_58] : memref<32768xf32, #tpu.memory_space<vmem>> -> memref<2048xf32, #tpu.memory_space<vmem>>
      %dma_start3A_60 = tpu.memref_slice %arg8[%multiple_of3A] : memref<2097152xf32, #tpu.memory_space<hbm>> -> memref<2048xf32, #tpu.memory_space<hbm>>
      tpu.enqueue_dma source(%dma_start3A_60 : memref<2048xf32, #tpu.memory_space<hbm>>) target(%dma_start3A_59 : memref<2048xf32, #tpu.memory_space<vmem>>) target_semaphore(%arg20 : memref<!tpu.dma_semaphore, #tpu.memory_space<semaphore_mem>>)
      %dma_start3A_61 = arith.constant 14336 : i32
      %dma_start3A_62 = tpu.memref_slice %arg18[%dma_start3A_61] : memref<32768xf32, #tpu.memory_space<vmem>> -> memref<2048xf32, #tpu.memory_space<vmem>>
      %dma_start3A_63 = tpu.memref_slice %arg9[%multiple_of3A] : memref<2097152xf32, #tpu.memory_space<hbm>> -> memref<2048xf32, #tpu.memory_space<hbm>>
      %dma_start3A_64 = arith.constant 14336 : i32
      %dma_start3A_65 = tpu.memref_slice %arg18[%dma_start3A_64] : memref<32768xf32, #tpu.memory_space<vmem>> -> memref<2048xf32, #tpu.memory_space<vmem>>
      %dma_start3A_66 = tpu.memref_slice %arg9[%multiple_of3A] : memref<2097152xf32, #tpu.memory_space<hbm>> -> memref<2048xf32, #tpu.memory_space<hbm>>
      tpu.enqueue_dma source(%dma_start3A_66 : memref<2048xf32, #tpu.memory_space<hbm>>) target(%dma_start3A_65 : memref<2048xf32, #tpu.memory_space<vmem>>) target_semaphore(%arg20 : memref<!tpu.dma_semaphore, #tpu.memory_space<semaphore_mem>>)
      %dma_start3A_67 = arith.constant 16384 : i32
      %dma_start3A_68 = tpu.memref_slice %arg18[%dma_start3A_67] : memref<32768xf32, #tpu.memory_space<vmem>> -> memref<2048xf32, #tpu.memory_space<vmem>>
      %dma_start3A_69 = tpu.memref_slice %arg10[%multiple_of3A] : memref<2097152xf32, #tpu.memory_space<hbm>> -> memref<2048xf32, #tpu.memory_space<hbm>>
      %dma_start3A_70 = arith.constant 16384 : i32
      %dma_start3A_71 = tpu.memref_slice %arg18[%dma_start3A_70] : memref<32768xf32, #tpu.memory_space<vmem>> -> memref<2048xf32, #tpu.memory_space<vmem>>
      %dma_start3A_72 = tpu.memref_slice %arg10[%multiple_of3A] : memref<2097152xf32, #tpu.memory_space<hbm>> -> memref<2048xf32, #tpu.memory_space<hbm>>
      tpu.enqueue_dma source(%dma_start3A_72 : memref<2048xf32, #tpu.memory_space<hbm>>) target(%dma_start3A_71 : memref<2048xf32, #tpu.memory_space<vmem>>) target_semaphore(%arg20 : memref<!tpu.dma_semaphore, #tpu.memory_space<semaphore_mem>>)
      %dma_start3A_73 = arith.constant 18432 : i32
      %dma_start3A_74 = tpu.memref_slice %arg18[%dma_start3A_73] : memref<32768xf32, #tpu.memory_space<vmem>> -> memref<2048xf32, #tpu.memory_space<vmem>>
      %dma_start3A_75 = tpu.memref_slice %arg11[%multiple_of3A] : memref<2097152xf32, #tpu.memory_space<hbm>> -> memref<2048xf32, #tpu.memory_space<hbm>>
      %dma_start3A_76 = arith.constant 18432 : i32
      %dma_start3A_77 = tpu.memref_slice %arg18[%dma_start3A_76] : memref<32768xf32, #tpu.memory_space<vmem>> -> memref<2048xf32, #tpu.memory_space<vmem>>
      %dma_start3A_78 = tpu.memref_slice %arg11[%multiple_of3A] : memref<2097152xf32, #tpu.memory_space<hbm>> -> memref<2048xf32, #tpu.memory_space<hbm>>
      tpu.enqueue_dma source(%dma_start3A_78 : memref<2048xf32, #tpu.memory_space<hbm>>) target(%dma_start3A_77 : memref<2048xf32, #tpu.memory_space<vmem>>) target_semaphore(%arg20 : memref<!tpu.dma_semaphore, #tpu.memory_space<semaphore_mem>>)
      %dma_start3A_79 = arith.constant 20480 : i32
      %dma_start3A_80 = tpu.memref_slice %arg18[%dma_start3A_79] : memref<32768xf32, #tpu.memory_space<vmem>> -> memref<2048xf32, #tpu.memory_space<vmem>>
      %dma_start3A_81 = tpu.memref_slice %arg12[%multiple_of3A] : memref<2097152xf32, #tpu.memory_space<hbm>> -> memref<2048xf32, #tpu.memory_space<hbm>>
      %dma_start3A_82 = arith.constant 20480 : i32
      %dma_start3A_83 = tpu.memref_slice %arg18[%dma_start3A_82] : memref<32768xf32, #tpu.memory_space<vmem>> -> memref<2048xf32, #tpu.memory_space<vmem>>
      %dma_start3A_84 = tpu.memref_slice %arg12[%multiple_of3A] : memref<2097152xf32, #tpu.memory_space<hbm>> -> memref<2048xf32, #tpu.memory_space<hbm>>
      tpu.enqueue_dma source(%dma_start3A_84 : memref<2048xf32, #tpu.memory_space<hbm>>) target(%dma_start3A_83 : memref<2048xf32, #tpu.memory_space<vmem>>) target_semaphore(%arg20 : memref<!tpu.dma_semaphore, #tpu.memory_space<semaphore_mem>>)
      %dma_start3A_85 = arith.constant 22528 : i32
      %dma_start3A_86 = tpu.memref_slice %arg18[%dma_start3A_85] : memref<32768xf32, #tpu.memory_space<vmem>> -> memref<2048xf32, #tpu.memory_space<vmem>>
      %dma_start3A_87 = tpu.memref_slice %arg13[%multiple_of3A] : memref<2097152xf32, #tpu.memory_space<hbm>> -> memref<2048xf32, #tpu.memory_space<hbm>>
      %dma_start3A_88 = arith.constant 22528 : i32
      %dma_start3A_89 = tpu.memref_slice %arg18[%dma_start3A_88] : memref<32768xf32, #tpu.memory_space<vmem>> -> memref<2048xf32, #tpu.memory_space<vmem>>
      %dma_start3A_90 = tpu.memref_slice %arg13[%multiple_of3A] : memref<2097152xf32, #tpu.memory_space<hbm>> -> memref<2048xf32, #tpu.memory_space<hbm>>
      tpu.enqueue_dma source(%dma_start3A_90 : memref<2048xf32, #tpu.memory_space<hbm>>) target(%dma_start3A_89 : memref<2048xf32, #tpu.memory_space<vmem>>) target_semaphore(%arg20 : memref<!tpu.dma_semaphore, #tpu.memory_space<semaphore_mem>>)
      %dma_start3A_91 = arith.constant 24576 : i32
      %dma_start3A_92 = tpu.memref_slice %arg18[%dma_start3A_91] : memref<32768xf32, #tpu.memory_space<vmem>> -> memref<2048xf32, #tpu.memory_space<vmem>>
      %dma_start3A_93 = tpu.memref_slice %arg14[%multiple_of3A] : memref<2097152xf32, #tpu.memory_space<hbm>> -> memref<2048xf32, #tpu.memory_space<hbm>>
      %dma_start3A_94 = arith.constant 24576 : i32
      %dma_start3A_95 = tpu.memref_slice %arg18[%dma_start3A_94] : memref<32768xf32, #tpu.memory_space<vmem>> -> memref<2048xf32, #tpu.memory_space<vmem>>
      %dma_start3A_96 = tpu.memref_slice %arg14[%multiple_of3A] : memref<2097152xf32, #tpu.memory_space<hbm>> -> memref<2048xf32, #tpu.memory_space<hbm>>
      tpu.enqueue_dma source(%dma_start3A_96 : memref<2048xf32, #tpu.memory_space<hbm>>) target(%dma_start3A_95 : memref<2048xf32, #tpu.memory_space<vmem>>) target_semaphore(%arg20 : memref<!tpu.dma_semaphore, #tpu.memory_space<semaphore_mem>>)
      %dma_start3A_97 = arith.constant 26624 : i32
      %dma_start3A_98 = tpu.memref_slice %arg18[%dma_start3A_97] : memref<32768xf32, #tpu.memory_space<vmem>> -> memref<2048xf32, #tpu.memory_space<vmem>>
      %dma_start3A_99 = tpu.memref_slice %arg15[%multiple_of3A] : memref<2097152xf32, #tpu.memory_space<hbm>> -> memref<2048xf32, #tpu.memory_space<hbm>>
      %dma_start3A_100 = arith.constant 26624 : i32
      %dma_start3A_101 = tpu.memref_slice %arg18[%dma_start3A_100] : memref<32768xf32, #tpu.memory_space<vmem>> -> memref<2048xf32, #tpu.memory_space<vmem>>
      %dma_start3A_102 = tpu.memref_slice %arg15[%multiple_of3A] : memref<2097152xf32, #tpu.memory_space<hbm>> -> memref<2048xf32, #tpu.memory_space<hbm>>
      tpu.enqueue_dma source(%dma_start3A_102 : memref<2048xf32, #tpu.memory_space<hbm>>) target(%dma_start3A_101 : memref<2048xf32, #tpu.memory_space<vmem>>) target_semaphore(%arg20 : memref<!tpu.dma_semaphore, #tpu.memory_space<semaphore_mem>>)
      %dma_start3A_103 = arith.constant 28672 : i32
      %dma_start3A_104 = tpu.memref_slice %arg18[%dma_start3A_103] : memref<32768xf32, #tpu.memory_space<vmem>> -> memref<2048xf32, #tpu.memory_space<vmem>>
      %dma_start3A_105 = tpu.memref_slice %arg16[%multiple_of3A] : memref<2097152xf32, #tpu.memory_space<hbm>> -> memref<2048xf32, #tpu.memory_space<hbm>>
      %dma_start3A_106 = arith.constant 28672 : i32
      %dma_start3A_107 = tpu.memref_slice %arg18[%dma_start3A_106] : memref<32768xf32, #tpu.memory_space<vmem>> -> memref<2048xf32, #tpu.memory_space<vmem>>
      %dma_start3A_108 = tpu.memref_slice %arg16[%multiple_of3A] : memref<2097152xf32, #tpu.memory_space<hbm>> -> memref<2048xf32, #tpu.memory_space<hbm>>
      tpu.enqueue_dma source(%dma_start3A_108 : memref<2048xf32, #tpu.memory_space<hbm>>) target(%dma_start3A_107 : memref<2048xf32, #tpu.memory_space<vmem>>) target_semaphore(%arg20 : memref<!tpu.dma_semaphore, #tpu.memory_space<semaphore_mem>>)
      %dma_wait3A = arith.constant 0 : i32
      %dma_wait3A_109 = tpu.memref_slice %arg18[%dma_wait3A] : memref<32768xf32, #tpu.memory_space<vmem>> -> memref<2048xf32, #tpu.memory_space<vmem>>
      %dma_wait3A_110 = tpu.memref_slice %arg2[%multiple_of3A] : memref<2097152xf32, #tpu.memory_space<hbm>> -> memref<2048xf32, #tpu.memory_space<hbm>>
      %dma_wait3A_111 = arith.constant 0 : i32
      %dma_wait3A_112 = tpu.memref_slice %arg18[%dma_wait3A_111] : memref<32768xf32, #tpu.memory_space<vmem>> -> memref<2048xf32, #tpu.memory_space<vmem>>
      %dma_wait3A_113 = tpu.memref_slice %arg2[%multiple_of3A] : memref<2097152xf32, #tpu.memory_space<hbm>> -> memref<2048xf32, #tpu.memory_space<hbm>>
      tpu.wait_dma2 semaphore(%arg20 : memref<!tpu.dma_semaphore, #tpu.memory_space<semaphore_mem>>) src(%dma_wait3A_113 : memref<2048xf32, #tpu.memory_space<hbm>>) dst(%dma_wait3A_112 : memref<2048xf32, #tpu.memory_space<vmem>>)
      %dma_wait3A_114 = arith.constant 2048 : i32
      %dma_wait3A_115 = tpu.memref_slice %arg18[%dma_wait3A_114] : memref<32768xf32, #tpu.memory_space<vmem>> -> memref<2048xf32, #tpu.memory_space<vmem>>
      %dma_wait3A_116 = tpu.memref_slice %arg3[%multiple_of3A] : memref<2097152xf32, #tpu.memory_space<hbm>> -> memref<2048xf32, #tpu.memory_space<hbm>>
      %dma_wait3A_117 = arith.constant 2048 : i32
      %dma_wait3A_118 = tpu.memref_slice %arg18[%dma_wait3A_117] : memref<32768xf32, #tpu.memory_space<vmem>> -> memref<2048xf32, #tpu.memory_space<vmem>>
      %dma_wait3A_119 = tpu.memref_slice %arg3[%multiple_of3A] : memref<2097152xf32, #tpu.memory_space<hbm>> -> memref<2048xf32, #tpu.memory_space<hbm>>
      tpu.wait_dma2 semaphore(%arg20 : memref<!tpu.dma_semaphore, #tpu.memory_space<semaphore_mem>>) src(%dma_wait3A_119 : memref<2048xf32, #tpu.memory_space<hbm>>) dst(%dma_wait3A_118 : memref<2048xf32, #tpu.memory_space<vmem>>)
      %dma_wait3A_120 = arith.constant 4096 : i32
      %dma_wait3A_121 = tpu.memref_slice %arg18[%dma_wait3A_120] : memref<32768xf32, #tpu.memory_space<vmem>> -> memref<2048xf32, #tpu.memory_space<vmem>>
      %dma_wait3A_122 = tpu.memref_slice %arg4[%multiple_of3A] : memref<2097152xf32, #tpu.memory_space<hbm>> -> memref<2048xf32, #tpu.memory_space<hbm>>
      %dma_wait3A_123 = arith.constant 4096 : i32
      %dma_wait3A_124 = tpu.memref_slice %arg18[%dma_wait3A_123] : memref<32768xf32, #tpu.memory_space<vmem>> -> memref<2048xf32, #tpu.memory_space<vmem>>
      %dma_wait3A_125 = tpu.memref_slice %arg4[%multiple_of3A] : memref<2097152xf32, #tpu.memory_space<hbm>> -> memref<2048xf32, #tpu.memory_space<hbm>>
      tpu.wait_dma2 semaphore(%arg20 : memref<!tpu.dma_semaphore, #tpu.memory_space<semaphore_mem>>) src(%dma_wait3A_125 : memref<2048xf32, #tpu.memory_space<hbm>>) dst(%dma_wait3A_124 : memref<2048xf32, #tpu.memory_space<vmem>>)
      %dma_wait3A_126 = arith.constant 6144 : i32
      %dma_wait3A_127 = tpu.memref_slice %arg18[%dma_wait3A_126] : memref<32768xf32, #tpu.memory_space<vmem>> -> memref<2048xf32, #tpu.memory_space<vmem>>
      %dma_wait3A_128 = tpu.memref_slice %arg5[%multiple_of3A] : memref<2097152xf32, #tpu.memory_space<hbm>> -> memref<2048xf32, #tpu.memory_space<hbm>>
      %dma_wait3A_129 = arith.constant 6144 : i32
      %dma_wait3A_130 = tpu.memref_slice %arg18[%dma_wait3A_129] : memref<32768xf32, #tpu.memory_space<vmem>> -> memref<2048xf32, #tpu.memory_space<vmem>>
      %dma_wait3A_131 = tpu.memref_slice %arg5[%multiple_of3A] : memref<2097152xf32, #tpu.memory_space<hbm>> -> memref<2048xf32, #tpu.memory_space<hbm>>
      tpu.wait_dma2 semaphore(%arg20 : memref<!tpu.dma_semaphore, #tpu.memory_space<semaphore_mem>>) src(%dma_wait3A_131 : memref<2048xf32, #tpu.memory_space<hbm>>) dst(%dma_wait3A_130 : memref<2048xf32, #tpu.memory_space<vmem>>)
      %dma_wait3A_132 = arith.constant 8192 : i32
      %dma_wait3A_133 = tpu.memref_slice %arg18[%dma_wait3A_132] : memref<32768xf32, #tpu.memory_space<vmem>> -> memref<2048xf32, #tpu.memory_space<vmem>>
      %dma_wait3A_134 = tpu.memref_slice %arg6[%multiple_of3A] : memref<2097152xf32, #tpu.memory_space<hbm>> -> memref<2048xf32, #tpu.memory_space<hbm>>
      %dma_wait3A_135 = arith.constant 8192 : i32
      %dma_wait3A_136 = tpu.memref_slice %arg18[%dma_wait3A_135] : memref<32768xf32, #tpu.memory_space<vmem>> -> memref<2048xf32, #tpu.memory_space<vmem>>
      %dma_wait3A_137 = tpu.memref_slice %arg6[%multiple_of3A] : memref<2097152xf32, #tpu.memory_space<hbm>> -> memref<2048xf32, #tpu.memory_space<hbm>>
      tpu.wait_dma2 semaphore(%arg20 : memref<!tpu.dma_semaphore, #tpu.memory_space<semaphore_mem>>) src(%dma_wait3A_137 : memref<2048xf32, #tpu.memory_space<hbm>>) dst(%dma_wait3A_136 : memref<2048xf32, #tpu.memory_space<vmem>>)
      %dma_wait3A_138 = arith.constant 10240 : i32
      %dma_wait3A_139 = tpu.memref_slice %arg18[%dma_wait3A_138] : memref<32768xf32, #tpu.memory_space<vmem>> -> memref<2048xf32, #tpu.memory_space<vmem>>
      %dma_wait3A_140 = tpu.memref_slice %arg7[%multiple_of3A] : memref<2097152xf32, #tpu.memory_space<hbm>> -> memref<2048xf32, #tpu.memory_space<hbm>>
      %dma_wait3A_141 = arith.constant 10240 : i32
      %dma_wait3A_142 = tpu.memref_slice %arg18[%dma_wait3A_141] : memref<32768xf32, #tpu.memory_space<vmem>> -> memref<2048xf32, #tpu.memory_space<vmem>>
      %dma_wait3A_143 = tpu.memref_slice %arg7[%multiple_of3A] : memref<2097152xf32, #tpu.memory_space<hbm>> -> memref<2048xf32, #tpu.memory_space<hbm>>
      tpu.wait_dma2 semaphore(%arg20 : memref<!tpu.dma_semaphore, #tpu.memory_space<semaphore_mem>>) src(%dma_wait3A_143 : memref<2048xf32, #tpu.memory_space<hbm>>) dst(%dma_wait3A_142 : memref<2048xf32, #tpu.memory_space<vmem>>)
      %dma_wait3A_144 = arith.constant 12288 : i32
      %dma_wait3A_145 = tpu.memref_slice %arg18[%dma_wait3A_144] : memref<32768xf32, #tpu.memory_space<vmem>> -> memref<2048xf32, #tpu.memory_space<vmem>>
      %dma_wait3A_146 = tpu.memref_slice %arg8[%multiple_of3A] : memref<2097152xf32, #tpu.memory_space<hbm>> -> memref<2048xf32, #tpu.memory_space<hbm>>
      %dma_wait3A_147 = arith.constant 12288 : i32
      %dma_wait3A_148 = tpu.memref_slice %arg18[%dma_wait3A_147] : memref<32768xf32, #tpu.memory_space<vmem>> -> memref<2048xf32, #tpu.memory_space<vmem>>
      %dma_wait3A_149 = tpu.memref_slice %arg8[%multiple_of3A] : memref<2097152xf32, #tpu.memory_space<hbm>> -> memref<2048xf32, #tpu.memory_space<hbm>>
      tpu.wait_dma2 semaphore(%arg20 : memref<!tpu.dma_semaphore, #tpu.memory_space<semaphore_mem>>) src(%dma_wait3A_149 : memref<2048xf32, #tpu.memory_space<hbm>>) dst(%dma_wait3A_148 : memref<2048xf32, #tpu.memory_space<vmem>>)
      %dma_wait3A_150 = arith.constant 14336 : i32
      %dma_wait3A_151 = tpu.memref_slice %arg18[%dma_wait3A_150] : memref<32768xf32, #tpu.memory_space<vmem>> -> memref<2048xf32, #tpu.memory_space<vmem>>
      %dma_wait3A_152 = tpu.memref_slice %arg9[%multiple_of3A] : memref<2097152xf32, #tpu.memory_space<hbm>> -> memref<2048xf32, #tpu.memory_space<hbm>>
      %dma_wait3A_153 = arith.constant 14336 : i32
      %dma_wait3A_154 = tpu.memref_slice %arg18[%dma_wait3A_153] : memref<32768xf32, #tpu.memory_space<vmem>> -> memref<2048xf32, #tpu.memory_space<vmem>>
      %dma_wait3A_155 = tpu.memref_slice %arg9[%multiple_of3A] : memref<2097152xf32, #tpu.memory_space<hbm>> -> memref<2048xf32, #tpu.memory_space<hbm>>
      tpu.wait_dma2 semaphore(%arg20 : memref<!tpu.dma_semaphore, #tpu.memory_space<semaphore_mem>>) src(%dma_wait3A_155 : memref<2048xf32, #tpu.memory_space<hbm>>) dst(%dma_wait3A_154 : memref<2048xf32, #tpu.memory_space<vmem>>)
      %dma_wait3A_156 = arith.constant 16384 : i32
      %dma_wait3A_157 = tpu.memref_slice %arg18[%dma_wait3A_156] : memref<32768xf32, #tpu.memory_space<vmem>> -> memref<2048xf32, #tpu.memory_space<vmem>>
      %dma_wait3A_158 = tpu.memref_slice %arg10[%multiple_of3A] : memref<2097152xf32, #tpu.memory_space<hbm>> -> memref<2048xf32, #tpu.memory_space<hbm>>
      %dma_wait3A_159 = arith.constant 16384 : i32
      %dma_wait3A_160 = tpu.memref_slice %arg18[%dma_wait3A_159] : memref<32768xf32, #tpu.memory_space<vmem>> -> memref<2048xf32, #tpu.memory_space<vmem>>
      %dma_wait3A_161 = tpu.memref_slice %arg10[%multiple_of3A] : memref<2097152xf32, #tpu.memory_space<hbm>> -> memref<2048xf32, #tpu.memory_space<hbm>>
      tpu.wait_dma2 semaphore(%arg20 : memref<!tpu.dma_semaphore, #tpu.memory_space<semaphore_mem>>) src(%dma_wait3A_161 : memref<2048xf32, #tpu.memory_space<hbm>>) dst(%dma_wait3A_160 : memref<2048xf32, #tpu.memory_space<vmem>>)
      %dma_wait3A_162 = arith.constant 18432 : i32
      %dma_wait3A_163 = tpu.memref_slice %arg18[%dma_wait3A_162] : memref<32768xf32, #tpu.memory_space<vmem>> -> memref<2048xf32, #tpu.memory_space<vmem>>
      %dma_wait3A_164 = tpu.memref_slice %arg11[%multiple_of3A] : memref<2097152xf32, #tpu.memory_space<hbm>> -> memref<2048xf32, #tpu.memory_space<hbm>>
      %dma_wait3A_165 = arith.constant 18432 : i32
      %dma_wait3A_166 = tpu.memref_slice %arg18[%dma_wait3A_165] : memref<32768xf32, #tpu.memory_space<vmem>> -> memref<2048xf32, #tpu.memory_space<vmem>>
      %dma_wait3A_167 = tpu.memref_slice %arg11[%multiple_of3A] : memref<2097152xf32, #tpu.memory_space<hbm>> -> memref<2048xf32, #tpu.memory_space<hbm>>
      tpu.wait_dma2 semaphore(%arg20 : memref<!tpu.dma_semaphore, #tpu.memory_space<semaphore_mem>>) src(%dma_wait3A_167 : memref<2048xf32, #tpu.memory_space<hbm>>) dst(%dma_wait3A_166 : memref<2048xf32, #tpu.memory_space<vmem>>)
      %dma_wait3A_168 = arith.constant 20480 : i32
      %dma_wait3A_169 = tpu.memref_slice %arg18[%dma_wait3A_168] : memref<32768xf32, #tpu.memory_space<vmem>> -> memref<2048xf32, #tpu.memory_space<vmem>>
      %dma_wait3A_170 = tpu.memref_slice %arg12[%multiple_of3A] : memref<2097152xf32, #tpu.memory_space<hbm>> -> memref<2048xf32, #tpu.memory_space<hbm>>
      %dma_wait3A_171 = arith.constant 20480 : i32
      %dma_wait3A_172 = tpu.memref_slice %arg18[%dma_wait3A_171] : memref<32768xf32, #tpu.memory_space<vmem>> -> memref<2048xf32, #tpu.memory_space<vmem>>
      %dma_wait3A_173 = tpu.memref_slice %arg12[%multiple_of3A] : memref<2097152xf32, #tpu.memory_space<hbm>> -> memref<2048xf32, #tpu.memory_space<hbm>>
      tpu.wait_dma2 semaphore(%arg20 : memref<!tpu.dma_semaphore, #tpu.memory_space<semaphore_mem>>) src(%dma_wait3A_173 : memref<2048xf32, #tpu.memory_space<hbm>>) dst(%dma_wait3A_172 : memref<2048xf32, #tpu.memory_space<vmem>>)
      %dma_wait3A_174 = arith.constant 22528 : i32
      %dma_wait3A_175 = tpu.memref_slice %arg18[%dma_wait3A_174] : memref<32768xf32, #tpu.memory_space<vmem>> -> memref<2048xf32, #tpu.memory_space<vmem>>
      %dma_wait3A_176 = tpu.memref_slice %arg13[%multiple_of3A] : memref<2097152xf32, #tpu.memory_space<hbm>> -> memref<2048xf32, #tpu.memory_space<hbm>>
      %dma_wait3A_177 = arith.constant 22528 : i32
      %dma_wait3A_178 = tpu.memref_slice %arg18[%dma_wait3A_177] : memref<32768xf32, #tpu.memory_space<vmem>> -> memref<2048xf32, #tpu.memory_space<vmem>>
      %dma_wait3A_179 = tpu.memref_slice %arg13[%multiple_of3A] : memref<2097152xf32, #tpu.memory_space<hbm>> -> memref<2048xf32, #tpu.memory_space<hbm>>
      tpu.wait_dma2 semaphore(%arg20 : memref<!tpu.dma_semaphore, #tpu.memory_space<semaphore_mem>>) src(%dma_wait3A_179 : memref<2048xf32, #tpu.memory_space<hbm>>) dst(%dma_wait3A_178 : memref<2048xf32, #tpu.memory_space<vmem>>)
      %dma_wait3A_180 = arith.constant 24576 : i32
      %dma_wait3A_181 = tpu.memref_slice %arg18[%dma_wait3A_180] : memref<32768xf32, #tpu.memory_space<vmem>> -> memref<2048xf32, #tpu.memory_space<vmem>>
      %dma_wait3A_182 = tpu.memref_slice %arg14[%multiple_of3A] : memref<2097152xf32, #tpu.memory_space<hbm>> -> memref<2048xf32, #tpu.memory_space<hbm>>
      %dma_wait3A_183 = arith.constant 24576 : i32
      %dma_wait3A_184 = tpu.memref_slice %arg18[%dma_wait3A_183] : memref<32768xf32, #tpu.memory_space<vmem>> -> memref<2048xf32, #tpu.memory_space<vmem>>
      %dma_wait3A_185 = tpu.memref_slice %arg14[%multiple_of3A] : memref<2097152xf32, #tpu.memory_space<hbm>> -> memref<2048xf32, #tpu.memory_space<hbm>>
      tpu.wait_dma2 semaphore(%arg20 : memref<!tpu.dma_semaphore, #tpu.memory_space<semaphore_mem>>) src(%dma_wait3A_185 : memref<2048xf32, #tpu.memory_space<hbm>>) dst(%dma_wait3A_184 : memref<2048xf32, #tpu.memory_space<vmem>>)
      %dma_wait3A_186 = arith.constant 26624 : i32
      %dma_wait3A_187 = tpu.memref_slice %arg18[%dma_wait3A_186] : memref<32768xf32, #tpu.memory_space<vmem>> -> memref<2048xf32, #tpu.memory_space<vmem>>
      %dma_wait3A_188 = tpu.memref_slice %arg15[%multiple_of3A] : memref<2097152xf32, #tpu.memory_space<hbm>> -> memref<2048xf32, #tpu.memory_space<hbm>>
      %dma_wait3A_189 = arith.constant 26624 : i32
      %dma_wait3A_190 = tpu.memref_slice %arg18[%dma_wait3A_189] : memref<32768xf32, #tpu.memory_space<vmem>> -> memref<2048xf32, #tpu.memory_space<vmem>>
      %dma_wait3A_191 = tpu.memref_slice %arg15[%multiple_of3A] : memref<2097152xf32, #tpu.memory_space<hbm>> -> memref<2048xf32, #tpu.memory_space<hbm>>
      tpu.wait_dma2 semaphore(%arg20 : memref<!tpu.dma_semaphore, #tpu.memory_space<semaphore_mem>>) src(%dma_wait3A_191 : memref<2048xf32, #tpu.memory_space<hbm>>) dst(%dma_wait3A_190 : memref<2048xf32, #tpu.memory_space<vmem>>)
      %dma_wait3A_192 = arith.constant 28672 : i32
      %dma_wait3A_193 = tpu.memref_slice %arg18[%dma_wait3A_192] : memref<32768xf32, #tpu.memory_space<vmem>> -> memref<2048xf32, #tpu.memory_space<vmem>>
      %dma_wait3A_194 = tpu.memref_slice %arg16[%multiple_of3A] : memref<2097152xf32, #tpu.memory_space<hbm>> -> memref<2048xf32, #tpu.memory_space<hbm>>
      %dma_wait3A_195 = arith.constant 28672 : i32
      %dma_wait3A_196 = tpu.memref_slice %arg18[%dma_wait3A_195] : memref<32768xf32, #tpu.memory_space<vmem>> -> memref<2048xf32, #tpu.memory_space<vmem>>
      %dma_wait3A_197 = tpu.memref_slice %arg16[%multiple_of3A] : memref<2097152xf32, #tpu.memory_space<hbm>> -> memref<2048xf32, #tpu.memory_space<hbm>>
      tpu.wait_dma2 semaphore(%arg20 : memref<!tpu.dma_semaphore, #tpu.memory_space<semaphore_mem>>) src(%dma_wait3A_197 : memref<2048xf32, #tpu.memory_space<hbm>>) dst(%dma_wait3A_196 : memref<2048xf32, #tpu.memory_space<vmem>>)
      %parallel_loop3A = arith.constant 0 : i32
      %parallel_loop3A_198 = arith.constant 2048 : i32
      %parallel_loop3A_199 = arith.constant 1 : i32
      scf.for %parallel_loop3A_202 = %parallel_loop3A to %parallel_loop3A_198 step %parallel_loop3A_199  : i32 {
        %parallel_loop3A_203 = vector.broadcast %parallel_loop3A_202 : i32 to vector<16xi32>
        %parallel_loop3A_204 = arith.addi %mul3A_7, %parallel_loop3A_203 : vector<16xi32>
        %parallel_loop3A_205 = tpu.vector_load_idx %arg18[%parallel_loop3A_204] : memref<32768xf32, #tpu.memory_space<vmem>>[vector<16xi32>], vector<16xf32>,
        %parallel_loop3A_206 = arith.constant 16 : i32
        %parallel_loop3A_207 = arith.muli %parallel_loop3A_202, %parallel_loop3A_206 : i32
        %parallel_loop3A_208 = arith.index_cast %parallel_loop3A_207 : i32 to index
        %parallel_loop3A_209 = tpu.vector_load %arg19[%parallel_loop3A_208] {strides = array<i32>} : memref<32768xf32, #tpu.memory_space<vmem>>, vector<16xf32>,
        tpu.vector_store %arg19[%parallel_loop3A_208], %parallel_loop3A_205 {strides = array<i32>} : memref<32768xf32, #tpu.memory_space<vmem>>, vector<16xf32>,
      } {sc.loop_unroll_factor = 8 : i64, sc.parallel_access}
      %mul3A_200 = arith.constant 16 : i32
      %mul3A_201 = arith.muli %multiple_of3A, %mul3A_200 : i32
      "tpu.region"() ({
        %run_scoped3A = tpu.sem_alloc : memref<!tpu.dma_semaphore, #tpu.memory_space<semaphore_mem>>
        %dma_start3A_202 = tpu.memref_slice %arg17[%mul3A_201] : memref<33554432xf32, #tpu.memory_space<hbm>> -> memref<32768xf32, #tpu.memory_space<hbm>>
        %dma_start3A_203 = tpu.memref_slice %arg17[%mul3A_201] : memref<33554432xf32, #tpu.memory_space<hbm>> -> memref<32768xf32, #tpu.memory_space<hbm>>
        tpu.enqueue_dma source(%arg19 : memref<32768xf32, #tpu.memory_space<vmem>>) target(%dma_start3A_203 : memref<32768xf32, #tpu.memory_space<hbm>>) target_semaphore(%run_scoped3A : memref<!tpu.dma_semaphore, #tpu.memory_space<semaphore_mem>>)
        %dma_wait3A_204 = tpu.memref_slice %arg17[%mul3A_201] : memref<33554432xf32, #tpu.memory_space<hbm>> -> memref<32768xf32, #tpu.memory_space<hbm>>
        %dma_wait3A_205 = tpu.memref_slice %arg17[%mul3A_201] : memref<33554432xf32, #tpu.memory_space<hbm>> -> memref<32768xf32, #tpu.memory_space<hbm>>
        tpu.wait_dma2 semaphore(%run_scoped3A : memref<!tpu.dma_semaphore, #tpu.memory_space<semaphore_mem>>) src(%arg19 : memref<32768xf32, #tpu.memory_space<vmem>>) dst(%dma_wait3A_205 : memref<32768xf32, #tpu.memory_space<hbm>>)
        tpu.yield
      }) : () -> ()
    }
    %scan3A_11 = arith.constant 32 : i32
    return
  }
}

module attributes {stable_mosaic.version = 14 : i64} {
  func.func @_tc_flatten_body(%arg0: i32, %arg1: memref<16x32768xf32, #tpu.memory_space<vmem>>, %arg2: memref<32768xf32, #tpu.memory_space<vmem>>, %arg3: memref<32768xf32, #tpu.memory_space<vmem>>, %arg4: memref<32768xf32, #tpu.memory_space<vmem>>, %arg5: memref<32768xf32, #tpu.memory_space<vmem>>, %arg6: memref<32768xf32, #tpu.memory_space<vmem>>, %arg7: memref<32768xf32, #tpu.memory_space<vmem>>, %arg8: memref<32768xf32, #tpu.memory_space<vmem>>, %arg9: memref<32768xf32, #tpu.memory_space<vmem>>, %arg10: memref<32768xf32, #tpu.memory_space<vmem>>, %arg11: memref<32768xf32, #tpu.memory_space<vmem>>, %arg12: memref<32768xf32, #tpu.memory_space<vmem>>, %arg13: memref<32768xf32, #tpu.memory_space<vmem>>, %arg14: memref<32768xf32, #tpu.memory_space<vmem>>, %arg15: memref<32768xf32, #tpu.memory_space<vmem>>, %arg16: memref<32768xf32, #tpu.memory_space<vmem>>) attributes {dimension_semantics = [#tpu.dimension_semantics<arbitrary>], iteration_bounds = array<i64: 64>, scalar_prefetch = 0 : i64, scratch_operands = 0 : i64, tpu.core_type = #tpu.core_type<tc>, window_params = [{transform_indices = @transform_0, window_bounds = array<i64: 16, 32768>}, {transform_indices = @transform_1, window_bounds = array<i64: 32768>}, {transform_indices = @transform_2, window_bounds = array<i64: 32768>}, {transform_indices = @transform_3, window_bounds = array<i64: 32768>}, {transform_indices = @transform_4, window_bounds = array<i64: 32768>}, {transform_indices = @transform_5, window_bounds = array<i64: 32768>}, {transform_indices = @transform_6, window_bounds = array<i64: 32768>}, {transform_indices = @transform_7, window_bounds = array<i64: 32768>}, {transform_indices = @transform_8, window_bounds = array<i64: 32768>}, {transform_indices = @transform_9, window_bounds = array<i64: 32768>}, {transform_indices = @transform_10, window_bounds = array<i64: 32768>}, {transform_indices = @transform_11, window_bounds = array<i64: 32768>}, {transform_indices = @transform_12, window_bounds = array<i64: 32768>}, {transform_indices = @transform_13, window_bounds = array<i64: 32768>}, {transform_indices = @transform_14, window_bounds = array<i64: 32768>}, {transform_indices = @transform_15, window_bounds = array<i64: 32768>}]} {
    %get3A = arith.constant 0 : index
    %get3A_0 = arith.constant 0 : index
    %get3A_1 = vector.load %arg1[%get3A, %get3A_0] : memref<16x32768xf32, #tpu.memory_space<vmem>>, vector<16x32768xf32>
    %slice3A = vector.extract_strided_slice %get3A_1 {offsets = [0, 0], sizes = [1, 32768], strides = [1, 1]} : vector<16x32768xf32> to vector<1x32768xf32>
    %squeeze3A = vector.shape_cast %slice3A : vector<1x32768xf32> to vector<32768xf32>
    %swap3A = arith.constant 0 : index
    %swap3A_2 = vector.load %arg2[%swap3A] : memref<32768xf32, #tpu.memory_space<vmem>>, vector<32768xf32>
    tpu.vector_store %arg2[%swap3A], %squeeze3A {strides = array<i32>} : memref<32768xf32, #tpu.memory_space<vmem>>, vector<32768xf32>,
    %slice3A_3 = vector.extract_strided_slice %get3A_1 {offsets = [1, 0], sizes = [1, 32768], strides = [1, 1]} : vector<16x32768xf32> to vector<1x32768xf32>
    %squeeze3A_4 = vector.shape_cast %slice3A_3 : vector<1x32768xf32> to vector<32768xf32>
    %swap3A_5 = arith.constant 0 : index
    %swap3A_6 = vector.load %arg3[%swap3A_5] : memref<32768xf32, #tpu.memory_space<vmem>>, vector<32768xf32>
    tpu.vector_store %arg3[%swap3A_5], %squeeze3A_4 {strides = array<i32>} : memref<32768xf32, #tpu.memory_space<vmem>>, vector<32768xf32>,
    %slice3A_7 = vector.extract_strided_slice %get3A_1 {offsets = [2, 0], sizes = [1, 32768], strides = [1, 1]} : vector<16x32768xf32> to vector<1x32768xf32>
    %squeeze3A_8 = vector.shape_cast %slice3A_7 : vector<1x32768xf32> to vector<32768xf32>
    %swap3A_9 = arith.constant 0 : index
    %swap3A_10 = vector.load %arg4[%swap3A_9] : memref<32768xf32, #tpu.memory_space<vmem>>, vector<32768xf32>
    tpu.vector_store %arg4[%swap3A_9], %squeeze3A_8 {strides = array<i32>} : memref<32768xf32, #tpu.memory_space<vmem>>, vector<32768xf32>,
    %slice3A_11 = vector.extract_strided_slice %get3A_1 {offsets = [3, 0], sizes = [1, 32768], strides = [1, 1]} : vector<16x32768xf32> to vector<1x32768xf32>
    %squeeze3A_12 = vector.shape_cast %slice3A_11 : vector<1x32768xf32> to vector<32768xf32>
    %swap3A_13 = arith.constant 0 : index
    %swap3A_14 = vector.load %arg5[%swap3A_13] : memref<32768xf32, #tpu.memory_space<vmem>>, vector<32768xf32>
    tpu.vector_store %arg5[%swap3A_13], %squeeze3A_12 {strides = array<i32>} : memref<32768xf32, #tpu.memory_space<vmem>>, vector<32768xf32>,
    %slice3A_15 = vector.extract_strided_slice %get3A_1 {offsets = [4, 0], sizes = [1, 32768], strides = [1, 1]} : vector<16x32768xf32> to vector<1x32768xf32>
    %squeeze3A_16 = vector.shape_cast %slice3A_15 : vector<1x32768xf32> to vector<32768xf32>
    %swap3A_17 = arith.constant 0 : index
    %swap3A_18 = vector.load %arg6[%swap3A_17] : memref<32768xf32, #tpu.memory_space<vmem>>, vector<32768xf32>
    tpu.vector_store %arg6[%swap3A_17], %squeeze3A_16 {strides = array<i32>} : memref<32768xf32, #tpu.memory_space<vmem>>, vector<32768xf32>,
    %slice3A_19 = vector.extract_strided_slice %get3A_1 {offsets = [5, 0], sizes = [1, 32768], strides = [1, 1]} : vector<16x32768xf32> to vector<1x32768xf32>
    %squeeze3A_20 = vector.shape_cast %slice3A_19 : vector<1x32768xf32> to vector<32768xf32>
    %swap3A_21 = arith.constant 0 : index
    %swap3A_22 = vector.load %arg7[%swap3A_21] : memref<32768xf32, #tpu.memory_space<vmem>>, vector<32768xf32>
    tpu.vector_store %arg7[%swap3A_21], %squeeze3A_20 {strides = array<i32>} : memref<32768xf32, #tpu.memory_space<vmem>>, vector<32768xf32>,
    %slice3A_23 = vector.extract_strided_slice %get3A_1 {offsets = [6, 0], sizes = [1, 32768], strides = [1, 1]} : vector<16x32768xf32> to vector<1x32768xf32>
    %squeeze3A_24 = vector.shape_cast %slice3A_23 : vector<1x32768xf32> to vector<32768xf32>
    %swap3A_25 = arith.constant 0 : index
    %swap3A_26 = vector.load %arg8[%swap3A_25] : memref<32768xf32, #tpu.memory_space<vmem>>, vector<32768xf32>
    tpu.vector_store %arg8[%swap3A_25], %squeeze3A_24 {strides = array<i32>} : memref<32768xf32, #tpu.memory_space<vmem>>, vector<32768xf32>,
    %slice3A_27 = vector.extract_strided_slice %get3A_1 {offsets = [7, 0], sizes = [1, 32768], strides = [1, 1]} : vector<16x32768xf32> to vector<1x32768xf32>
    %squeeze3A_28 = vector.shape_cast %slice3A_27 : vector<1x32768xf32> to vector<32768xf32>
    %swap3A_29 = arith.constant 0 : index
    %swap3A_30 = vector.load %arg9[%swap3A_29] : memref<32768xf32, #tpu.memory_space<vmem>>, vector<32768xf32>
    tpu.vector_store %arg9[%swap3A_29], %squeeze3A_28 {strides = array<i32>} : memref<32768xf32, #tpu.memory_space<vmem>>, vector<32768xf32>,
    %slice3A_31 = vector.extract_strided_slice %get3A_1 {offsets = [8, 0], sizes = [1, 32768], strides = [1, 1]} : vector<16x32768xf32> to vector<1x32768xf32>
    %squeeze3A_32 = vector.shape_cast %slice3A_31 : vector<1x32768xf32> to vector<32768xf32>
    %swap3A_33 = arith.constant 0 : index
    %swap3A_34 = vector.load %arg10[%swap3A_33] : memref<32768xf32, #tpu.memory_space<vmem>>, vector<32768xf32>
    tpu.vector_store %arg10[%swap3A_33], %squeeze3A_32 {strides = array<i32>} : memref<32768xf32, #tpu.memory_space<vmem>>, vector<32768xf32>,
    %slice3A_35 = vector.extract_strided_slice %get3A_1 {offsets = [9, 0], sizes = [1, 32768], strides = [1, 1]} : vector<16x32768xf32> to vector<1x32768xf32>
    %squeeze3A_36 = vector.shape_cast %slice3A_35 : vector<1x32768xf32> to vector<32768xf32>
    %swap3A_37 = arith.constant 0 : index
    %swap3A_38 = vector.load %arg11[%swap3A_37] : memref<32768xf32, #tpu.memory_space<vmem>>, vector<32768xf32>
    tpu.vector_store %arg11[%swap3A_37], %squeeze3A_36 {strides = array<i32>} : memref<32768xf32, #tpu.memory_space<vmem>>, vector<32768xf32>,
    %slice3A_39 = vector.extract_strided_slice %get3A_1 {offsets = [10, 0], sizes = [1, 32768], strides = [1, 1]} : vector<16x32768xf32> to vector<1x32768xf32>
    %squeeze3A_40 = vector.shape_cast %slice3A_39 : vector<1x32768xf32> to vector<32768xf32>
    %swap3A_41 = arith.constant 0 : index
    %swap3A_42 = vector.load %arg12[%swap3A_41] : memref<32768xf32, #tpu.memory_space<vmem>>, vector<32768xf32>
    tpu.vector_store %arg12[%swap3A_41], %squeeze3A_40 {strides = array<i32>} : memref<32768xf32, #tpu.memory_space<vmem>>, vector<32768xf32>,
    %slice3A_43 = vector.extract_strided_slice %get3A_1 {offsets = [11, 0], sizes = [1, 32768], strides = [1, 1]} : vector<16x32768xf32> to vector<1x32768xf32>
    %squeeze3A_44 = vector.shape_cast %slice3A_43 : vector<1x32768xf32> to vector<32768xf32>
    %swap3A_45 = arith.constant 0 : index
    %swap3A_46 = vector.load %arg13[%swap3A_45] : memref<32768xf32, #tpu.memory_space<vmem>>, vector<32768xf32>
    tpu.vector_store %arg13[%swap3A_45], %squeeze3A_44 {strides = array<i32>} : memref<32768xf32, #tpu.memory_space<vmem>>, vector<32768xf32>,
    %slice3A_47 = vector.extract_strided_slice %get3A_1 {offsets = [12, 0], sizes = [1, 32768], strides = [1, 1]} : vector<16x32768xf32> to vector<1x32768xf32>
    %squeeze3A_48 = vector.shape_cast %slice3A_47 : vector<1x32768xf32> to vector<32768xf32>
    %swap3A_49 = arith.constant 0 : index
    %swap3A_50 = vector.load %arg14[%swap3A_49] : memref<32768xf32, #tpu.memory_space<vmem>>, vector<32768xf32>
    tpu.vector_store %arg14[%swap3A_49], %squeeze3A_48 {strides = array<i32>} : memref<32768xf32, #tpu.memory_space<vmem>>, vector<32768xf32>,
    %slice3A_51 = vector.extract_strided_slice %get3A_1 {offsets = [13, 0], sizes = [1, 32768], strides = [1, 1]} : vector<16x32768xf32> to vector<1x32768xf32>
    %squeeze3A_52 = vector.shape_cast %slice3A_51 : vector<1x32768xf32> to vector<32768xf32>
    %swap3A_53 = arith.constant 0 : index
    %swap3A_54 = vector.load %arg15[%swap3A_53] : memref<32768xf32, #tpu.memory_space<vmem>>, vector<32768xf32>
    tpu.vector_store %arg15[%swap3A_53], %squeeze3A_52 {strides = array<i32>} : memref<32768xf32, #tpu.memory_space<vmem>>, vector<32768xf32>,
    %slice3A_55 = vector.extract_strided_slice %get3A_1 {offsets = [14, 0], sizes = [1, 32768], strides = [1, 1]} : vector<16x32768xf32> to vector<1x32768xf32>
    %squeeze3A_56 = vector.shape_cast %slice3A_55 : vector<1x32768xf32> to vector<32768xf32>
    %swap3A_57 = arith.constant 0 : index
    %swap3A_58 = vector.load %arg16[%swap3A_57] : memref<32768xf32, #tpu.memory_space<vmem>>, vector<32768xf32>
    tpu.vector_store %arg16[%swap3A_57], %squeeze3A_56 {strides = array<i32>} : memref<32768xf32, #tpu.memory_space<vmem>>, vector<32768xf32>,
    return
  }
  func.func @transform_0(%arg0: i32) -> (i32, i32) {
    %c0_i32 = arith.constant 0 : i32
    %c0_i32_0 = arith.constant 0 : i32
    return %c0_i32, %arg0 : i32, i32
  }
  func.func @transform_1(%arg0: i32) -> i32 {
    %c0_i32 = arith.constant 0 : i32
    return %arg0 : i32
  }
  func.func @transform_2(%arg0: i32) -> i32 {
    %c0_i32 = arith.constant 0 : i32
    return %arg0 : i32
  }
  func.func @transform_3(%arg0: i32) -> i32 {
    %c0_i32 = arith.constant 0 : i32
    return %arg0 : i32
  }
  func.func @transform_4(%arg0: i32) -> i32 {
    %c0_i32 = arith.constant 0 : i32
    return %arg0 : i32
  }
  func.func @transform_5(%arg0: i32) -> i32 {
    %c0_i32 = arith.constant 0 : i32
    return %arg0 : i32
  }
  func.func @transform_6(%arg0: i32) -> i32 {
    %c0_i32 = arith.constant 0 : i32
    return %arg0 : i32
  }
  func.func @transform_7(%arg0: i32) -> i32 {
    %c0_i32 = arith.constant 0 : i32
    return %arg0 : i32
  }
  func.func @transform_8(%arg0: i32) -> i32 {
    %c0_i32 = arith.constant 0 : i32
    return %arg0 : i32
  }
  func.func @transform_9(%arg0: i32) -> i32 {
    %c0_i32 = arith.constant 0 : i32
    return %arg0 : i32
  }
  func.func @transform_10(%arg0: i32) -> i32 {
    %c0_i32 = arith.constant 0 : i32
    return %arg0 : i32
  }
  func.func @transform_11(%arg0: i32) -> i32 {
    %c0_i32 = arith.constant 0 : i32
    return %arg0 : i32
  }
  func.func @transform_12(%arg0: i32) -> i32 {
    %c0_i32 = arith.constant 0 : i32
    return %arg0 : i32
  }
  func.func @transform_13(%arg0: i32) -> i32 {
    %c0_i32 = arith.constant 0 : i32
    return %arg0 : i32
  }
  func.func @transform_14(%arg0: i32) -> i32 {
    %c0_i32 = arith.constant 0 : i32
    return %arg0 : i32
  }
  func.func @transform_15(%arg0: i32) -> i32 {
    %c0_i32 = arith.constant 0 : i32
    return %arg0 : i32
  }
}

module attributes {stable_mosaic.version = 14 : i64} {
  func.func @_tc_act_body(%arg0: i32, %arg1: memref<15x8192xf32, #tpu.memory_space<vmem>>, %arg2: memref<8x128xf32, #tpu.memory_space<vmem>>, %arg3: memref<1x2xf32, #tpu.memory_space<vmem>>, %arg4: memref<15x8192xf32, #tpu.memory_space<vmem>>) attributes {dimension_semantics = [#tpu.dimension_semantics<arbitrary>], iteration_bounds = array<i64: 123>, scalar_prefetch = 0 : i64, scratch_operands = 0 : i64, tpu.core_type = #tpu.core_type<tc>, window_params = [{transform_indices = @transform_0, window_bounds = array<i64: 15, 8192>}, {pipeline_mode = #tpu.pipeline_mode<synchronous>, transform_indices = @transform_1, window_bounds = array<i64: 8, 128>}, {pipeline_mode = #tpu.pipeline_mode<synchronous>, transform_indices = @transform_2, window_bounds = array<i64: 1, 2>}, {transform_indices = @transform_3, window_bounds = array<i64: 15, 8192>}]} {
    %get3A = arith.constant 0 : index
    %get3A_0 = arith.constant 0 : index
    %get3A_1 = vector.load %arg2[%get3A, %get3A_0] : memref<8x128xf32, #tpu.memory_space<vmem>>, vector<8x128xf32>
    %iota3A = tpu.iota {dimensions = array<i32: 0>} : vector<8x128xi32>
    %mul3A = arith.constant 128 : i32
    %mul3A_2 = vector.broadcast %mul3A : i32 to vector<8x128xi32>
    %mul3A_3 = arith.muli %iota3A, %mul3A_2 : vector<8x128xi32>
    %iota3A_4 = tpu.iota {dimensions = array<i32: 1>} : vector<8x128xi32>
    %add3A = arith.addi %mul3A_3, %iota3A_4 : vector<8x128xi32>
    %jit3A = arith.constant 16 : i32
    %eq3A = arith.constant 0 : i32
    %eq3A_5 = arith.cmpi eq, %jit3A, %eq3A : i32
    %jit3A_6 = arith.constant 1 : i32
    %select_n3A = arith.select %eq3A_5, %jit3A_6, %jit3A : i32
    %rem3A = vector.broadcast %select_n3A : i32 to vector<8x128xi32>
    %rem3A_7 = arith.remsi %add3A, %rem3A : vector<8x128xi32>
    %ne3A = arith.constant 0 : i32
    %ne3A_8 = vector.broadcast %ne3A : i32 to vector<8x128xi32>
    %ne3A_9 = arith.cmpi ne, %rem3A_7, %ne3A_8 : vector<8x128xi32>
    %lt3A = arith.constant 0 : i32
    %lt3A_10 = vector.broadcast %lt3A : i32 to vector<8x128xi32>
    %lt3A_11 = arith.cmpi slt, %rem3A_7, %lt3A_10 : vector<8x128xi32>
    %lt3A_12 = arith.constant 0 : i32
    %lt3A_13 = arith.cmpi slt, %select_n3A, %lt3A_12 : i32
    %ne3A_14 = vector.broadcast %lt3A_13 : i1 to vector<8x128xi1>
    %ne3A_15 = vector.broadcast %ne3A_14 : vector<8x128xi1> to vector<8x128xi1>
    %ne3A_16 = arith.xori %lt3A_11, %ne3A_15 : vector<8x128xi1>
    %and3A = arith.andi %ne3A_16, %ne3A_9 : vector<8x128xi1>
    %add3A_17 = vector.broadcast %select_n3A : i32 to vector<8x128xi32>
    %add3A_18 = arith.addi %rem3A_7, %add3A_17 : vector<8x128xi32>
    %select_n3A_19 = arith.select %and3A, %add3A_18, %rem3A_7 : vector<8x128xi1>, vector<8x128xi32>
    %lt3A_20 = arith.constant 3 : i32
    %lt3A_21 = vector.broadcast %lt3A_20 : i32 to vector<8x128xi32>
    %lt3A_22 = arith.cmpi slt, %select_n3A_19, %lt3A_21 : vector<8x128xi32>
    %jit3A_23 = arith.constant 32 : i32
    %eq3A_24 = arith.constant 0 : i32
    %eq3A_25 = arith.cmpi eq, %jit3A_23, %eq3A_24 : i32
    %jit3A_26 = arith.constant 1 : i32
    %select_n3A_27 = arith.select %eq3A_25, %jit3A_26, %jit3A_23 : i32
    %rem3A_28 = vector.broadcast %select_n3A_27 : i32 to vector<8x128xi32>
    %rem3A_29 = arith.remsi %add3A, %rem3A_28 : vector<8x128xi32>
    %ne3A_30 = arith.constant 0 : i32
    %ne3A_31 = vector.broadcast %ne3A_30 : i32 to vector<8x128xi32>
    %ne3A_32 = arith.cmpi ne, %rem3A_29, %ne3A_31 : vector<8x128xi32>
    %lt3A_33 = arith.constant 0 : i32
    %lt3A_34 = vector.broadcast %lt3A_33 : i32 to vector<8x128xi32>
    %lt3A_35 = arith.cmpi slt, %rem3A_29, %lt3A_34 : vector<8x128xi32>
    %lt3A_36 = arith.constant 0 : i32
    %lt3A_37 = arith.cmpi slt, %select_n3A_27, %lt3A_36 : i32
    %ne3A_38 = vector.broadcast %lt3A_37 : i1 to vector<8x128xi1>
    %ne3A_39 = vector.broadcast %ne3A_38 : vector<8x128xi1> to vector<8x128xi1>
    %ne3A_40 = arith.xori %lt3A_35, %ne3A_39 : vector<8x128xi1>
    %and3A_41 = arith.andi %ne3A_40, %ne3A_32 : vector<8x128xi1>
    %add3A_42 = vector.broadcast %select_n3A_27 : i32 to vector<8x128xi32>
    %add3A_43 = arith.addi %rem3A_29, %add3A_42 : vector<8x128xi32>
    %select_n3A_44 = arith.select %and3A_41, %add3A_43, %rem3A_29 : vector<8x128xi1>, vector<8x128xi32>
    %lt3A_45 = arith.constant 16 : i32
    %lt3A_46 = vector.broadcast %lt3A_45 : i32 to vector<8x128xi32>
    %lt3A_47 = arith.cmpi slt, %select_n3A_44, %lt3A_46 : vector<8x128xi32>
    %and3A_48 = arith.andi %lt3A_47, %lt3A_22 : vector<8x128xi1>
    %jit3A_49 = arith.constant 32 : i32
    %eq3A_50 = arith.constant 0 : i32
    %eq3A_51 = arith.cmpi eq, %jit3A_49, %eq3A_50 : i32
    %jit3A_52 = arith.constant 1 : i32
    %select_n3A_53 = arith.select %eq3A_51, %jit3A_52, %jit3A_49 : i32
    %rem3A_54 = vector.broadcast %select_n3A_53 : i32 to vector<8x128xi32>
    %rem3A_55 = arith.remsi %add3A, %rem3A_54 : vector<8x128xi32>
    %ne3A_56 = arith.constant 0 : i32
    %ne3A_57 = vector.broadcast %ne3A_56 : i32 to vector<8x128xi32>
    %ne3A_58 = arith.cmpi ne, %rem3A_55, %ne3A_57 : vector<8x128xi32>
    %lt3A_59 = arith.constant 0 : i32
    %lt3A_60 = vector.broadcast %lt3A_59 : i32 to vector<8x128xi32>
    %lt3A_61 = arith.cmpi slt, %rem3A_55, %lt3A_60 : vector<8x128xi32>
    %lt3A_62 = arith.constant 0 : i32
    %lt3A_63 = arith.cmpi slt, %select_n3A_53, %lt3A_62 : i32
    %ne3A_64 = vector.broadcast %lt3A_63 : i1 to vector<8x128xi1>
    %ne3A_65 = vector.broadcast %ne3A_64 : vector<8x128xi1> to vector<8x128xi1>
    %ne3A_66 = arith.xori %lt3A_61, %ne3A_65 : vector<8x128xi1>
    %and3A_67 = arith.andi %ne3A_66, %ne3A_58 : vector<8x128xi1>
    %add3A_68 = vector.broadcast %select_n3A_53 : i32 to vector<8x128xi32>
    %add3A_69 = arith.addi %rem3A_55, %add3A_68 : vector<8x128xi32>
    %select_n3A_70 = arith.select %and3A_67, %add3A_69, %rem3A_55 : vector<8x128xi1>, vector<8x128xi32>
    %ge3A = arith.constant 16 : i32
    %ge3A_71 = vector.broadcast %ge3A : i32 to vector<8x128xi32>
    %ge3A_72 = arith.cmpi sge, %select_n3A_70, %ge3A_71 : vector<8x128xi32>
    %and3A_73 = arith.andi %ge3A_72, %lt3A_22 : vector<8x128xi1>
    %jit3A_74 = arith.constant 0.000000e+00 : f32
    %broadcast_in_dim3A = vector.broadcast %jit3A_74 : f32 to vector<8x128xf32>
    %select_n3A_75 = arith.select %and3A_48, %get3A_1, %broadcast_in_dim3A : vector<8x128xi1>, vector<8x128xf32>
    %reduce_sum3A = vector.shape_cast %select_n3A_75 : vector<8x128xf32> to vector<1x8x128xf32>
    %reduce_sum3A_76 = arith.constant dense<0.000000e+00> : vector<1xf32>
    %reduce_sum3A_77 = vector.multi_reduction <add>, %reduce_sum3A, %reduce_sum3A_76 [1, 2] : vector<1x8x128xf32> to vector<1xf32>
    %reduce_sum3A_78 = vector.shape_cast %reduce_sum3A_77 : vector<1xf32> to vector<1x1x1xf32>
    %reduce_sum3A_79 = vector.extract %reduce_sum3A_78[0, 0, 0] : f32 from vector<1x1x1xf32>
    %jit3A_80 = arith.constant 0.000000e+00 : f32
    %broadcast_in_dim3A_81 = vector.broadcast %jit3A_80 : f32 to vector<8x128xf32>
    %select_n3A_82 = arith.select %and3A_73, %get3A_1, %broadcast_in_dim3A_81 : vector<8x128xi1>, vector<8x128xf32>
    %reduce_sum3A_83 = vector.shape_cast %select_n3A_82 : vector<8x128xf32> to vector<1x8x128xf32>
    %reduce_sum3A_84 = arith.constant dense<0.000000e+00> : vector<1xf32>
    %reduce_sum3A_85 = vector.multi_reduction <add>, %reduce_sum3A_83, %reduce_sum3A_84 [1, 2] : vector<1x8x128xf32> to vector<1xf32>
    %reduce_sum3A_86 = vector.shape_cast %reduce_sum3A_85 : vector<1xf32> to vector<1x1x1xf32>
    %reduce_sum3A_87 = vector.extract %reduce_sum3A_86[0, 0, 0] : f32 from vector<1x1x1xf32>
    %div3A = arith.constant 3.000000e+06 : f32
    %div3A_88 = arith.divf %reduce_sum3A_79, %div3A : f32
    %mul3A_89 = arith.mulf %reduce_sum3A_79, %reduce_sum3A_79 : f32
    %div3A_90 = arith.constant 3.000000e+06 : f32
    %div3A_91 = arith.divf %mul3A_89, %div3A_90 : f32
    %sub3A = arith.subf %reduce_sum3A_87, %div3A_91 : f32
    %sub3A_92 = arith.constant 3.000000e+06 : f32
    %sub3A_93 = arith.constant 1.000000e+00 : f32
    %sub3A_94 = arith.subf %sub3A_92, %sub3A_93 : f32
    %div3A_95 = arith.divf %sub3A, %sub3A_94 : f32
    %rsqrt3A = math.rsqrt %div3A_95 : f32
    %get3A_96 = arith.constant 0 : index
    %get3A_97 = arith.constant 0 : index
    %get3A_98 = vector.load %arg3[%get3A_96, %get3A_97] : memref<1x2xf32, #tpu.memory_space<vmem>>, vector<1x1xf32>
    %get3A_99 = vector.extract %get3A_98[0, 0] : f32 from vector<1x1xf32>
    %get3A_100 = arith.constant 0 : index
    %get3A_101 = arith.constant 1 : index
    %get3A_102 = vector.load %arg3[%get3A_100, %get3A_101] : memref<1x2xf32, #tpu.memory_space<vmem>>, vector<1x1xf32>
    %get3A_103 = vector.extract %get3A_102[0, 0] : f32 from vector<1x1xf32>
    %mul3A_104 = arith.constant 2.000000e+00 : f32
    %mul3A_105 = arith.mulf %mul3A_104, %get3A_99 : f32
    %div3A_106 = arith.divf %mul3A_105, %get3A_103 : f32
    %get3A_107 = arith.constant 0 : index
    %get3A_108 = arith.constant 0 : index
    %get3A_109 = vector.load %arg1[%get3A_107, %get3A_108] : memref<15x8192xf32, #tpu.memory_space<vmem>>, vector<15x8192xf32>
    %iota3A_110 = tpu.iota {dimensions = array<i32: 0>} : vector<15x8192xi32>
    %neg3A = arith.constant 0.000000e+00 : f32
    %neg3A_111 = vector.broadcast %neg3A : f32 to vector<15x8192xf32>
    %neg3A_112 = arith.subf %neg3A_111, %get3A_109 : vector<15x8192xf32>
    %exp3A = math.exp %neg3A_112 : vector<15x8192xf32>
    %add3A_113 = arith.constant 1.000000e+00 : f32
    %add3A_114 = vector.broadcast %add3A_113 : f32 to vector<15x8192xf32>
    %add3A_115 = arith.addf %add3A_114, %exp3A : vector<15x8192xf32>
    %div3A_116 = arith.constant 1.000000e+00 : f32
    %div3A_117 = vector.broadcast %div3A_116 : f32 to vector<15x8192xf32>
    %div3A_118 = arith.divf %div3A_117, %add3A_115 : vector<15x8192xf32>
    %sub3A_119 = arith.constant 4.000000e+00 : f32
    %sub3A_120 = vector.broadcast %sub3A_119 : f32 to vector<15x8192xf32>
    %sub3A_121 = arith.subf %get3A_109, %sub3A_120 : vector<15x8192xf32>
    %neg3A_122 = arith.constant 0.000000e+00 : f32
    %neg3A_123 = vector.broadcast %neg3A_122 : f32 to vector<15x8192xf32>
    %neg3A_124 = arith.subf %neg3A_123, %sub3A_121 : vector<15x8192xf32>
    %exp3A_125 = math.exp %neg3A_124 : vector<15x8192xf32>
    %add3A_126 = arith.constant 1.000000e+00 : f32
    %add3A_127 = vector.broadcast %add3A_126 : f32 to vector<15x8192xf32>
    %add3A_128 = arith.addf %add3A_127, %exp3A_125 : vector<15x8192xf32>
    %div3A_129 = arith.constant 1.000000e+00 : f32
    %div3A_130 = vector.broadcast %div3A_129 : f32 to vector<15x8192xf32>
    %div3A_131 = arith.divf %div3A_130, %add3A_128 : vector<15x8192xf32>
    %sub3A_132 = vector.broadcast %div3A_88 : f32 to vector<15x8192xf32>
    %sub3A_133 = arith.subf %get3A_109, %sub3A_132 : vector<15x8192xf32>
    %mul3A_134 = vector.broadcast %rsqrt3A : f32 to vector<15x8192xf32>
    %mul3A_135 = arith.mulf %sub3A_133, %mul3A_134 : vector<15x8192xf32>
    %div3A_136 = arith.constant 6.000000e+00 : f32
    %div3A_137 = arith.divf %div3A_106, %div3A_136 : f32
    %mul3A_138 = vector.broadcast %div3A_137 : f32 to vector<15x8192xf32>
    %mul3A_139 = arith.mulf %mul3A_135, %mul3A_138 : vector<15x8192xf32>
    %lt3A_140 = arith.constant 3 : i32
    %lt3A_141 = vector.broadcast %lt3A_140 : i32 to vector<15x8192xi32>
    %lt3A_142 = arith.cmpi slt, %iota3A_110, %lt3A_141 : vector<15x8192xi32>
    %lt3A_143 = arith.constant 7 : i32
    %lt3A_144 = vector.broadcast %lt3A_143 : i32 to vector<15x8192xi32>
    %lt3A_145 = arith.cmpi slt, %iota3A_110, %lt3A_144 : vector<15x8192xi32>
    %lt3A_146 = arith.constant 10 : i32
    %lt3A_147 = vector.broadcast %lt3A_146 : i32 to vector<15x8192xi32>
    %lt3A_148 = arith.cmpi slt, %iota3A_110, %lt3A_147 : vector<15x8192xi32>
    %mul3A_149 = vector.broadcast %div3A_106 : f32 to vector<15x8192xf32>
    %mul3A_150 = arith.mulf %div3A_118, %mul3A_149 : vector<15x8192xf32>
    %eq3A_151 = arith.constant 13 : i32
    %eq3A_152 = vector.broadcast %eq3A_151 : i32 to vector<15x8192xi32>
    %eq3A_153 = arith.cmpi eq, %iota3A_110, %eq3A_152 : vector<15x8192xi32>
    %select_n3A_154 = arith.select %eq3A_153, %div3A_131, %div3A_118 : vector<15x8192xi1>, vector<15x8192xf32>
    %select_n3A_155 = arith.select %lt3A_148, %mul3A_150, %select_n3A_154 : vector<15x8192xi1>, vector<15x8192xf32>
    %select_n3A_156 = arith.select %lt3A_145, %get3A_109, %select_n3A_155 : vector<15x8192xi1>, vector<15x8192xf32>
    %select_n3A_157 = arith.select %lt3A_142, %mul3A_139, %select_n3A_156 : vector<15x8192xi1>, vector<15x8192xf32>
    %swap3A = arith.constant 0 : index
    %swap3A_158 = arith.constant 0 : index
    %swap3A_159 = vector.load %arg4[%swap3A, %swap3A_158] : memref<15x8192xf32, #tpu.memory_space<vmem>>, vector<15x8192xf32>
    tpu.vector_store %arg4[%swap3A, %swap3A_158], %select_n3A_157 {strides = array<i32>} : memref<15x8192xf32, #tpu.memory_space<vmem>>, vector<15x8192xf32>,
    return
  }
  func.func @transform_0(%arg0: i32) -> (i32, i32) {
    %c0_i32 = arith.constant 0 : i32
    %c0_i32_0 = arith.constant 0 : i32
    return %c0_i32, %arg0 : i32, i32
  }
  func.func @transform_1(%arg0: i32) -> (i32, i32) {
    %c0_i32 = arith.constant 0 : i32
    %c0_i32_0 = arith.constant 0 : i32
    %c0_i32_1 = arith.constant 0 : i32
    return %c0_i32, %c0_i32_0 : i32, i32
  }
  func.func @transform_2(%arg0: i32) -> (i32, i32) {
    %c0_i32 = arith.constant 0 : i32
    %c0_i32_0 = arith.constant 0 : i32
    %c0_i32_1 = arith.constant 0 : i32
    return %c0_i32, %c0_i32_0 : i32, i32
  }
  func.func @transform_3(%arg0: i32) -> (i32, i32) {
    %c0_i32 = arith.constant 0 : i32
    %c0_i32_0 = arith.constant 0 : i32
    return %c0_i32, %arg0 : i32, i32
  }
}

</mosaic_0001>

<sc_bundles>
// kernel: kernel.6.cloned.1.call-start
scs
__scs_entry_jumppad:
0x0: {  	(pc) =	sbr.rel $0x88, $3  }
0x1: {  	(tag) =	ssettag $0x0;
	lr =	simm.s32 $0x1  }
0x2: {  	[smem:$0x3F9D] =	sst lr;
	_ =	strace $0xD0000000  }
0x3: {  	_ = 	snop  }
0x4: {  	_ = 	snop  }
0x5: {  	_ = 	snop  }
0x6: {  	_ = 	snop  }
0x7: {  	_ = 	snop  }
__scs_overlays_trampoline_lowered:
0x8: {  	[smem:$0x3FAC] =	sst s0  }
0x9: {  	[smem:$0x3FAD] =	sst s1  }
0xa: {  	[smem:$0x3FAE] =	sst s2  }
0xb: {  	[smem:$0x3FAF] =	sst s3  }
0xc: {  	[smem:$0x3FB0] =	sst s4  }
0xd: {  	[smem:$0x3FB1] =	sst s5  }
0xe: {  	[smem:$0x3FB2] =	sst s6  }
0xf: {  	[smem:$0x3FB3] =	sst s7  }
0x10: {  	[smem:$0x3FB4] =	sst s8  }
0x11: {  	[smem:$0x3FB5] =	sst s9;
	s0 =	simm.s32 @!p0 $0x0  }
0x12: {  	s1 =	sld [smem:$0x3F9B];
	s0 =	simm.s32 @p0 $0x1  }
0x13: {  	[smem:$0x3FB6] =	sst s0;
	s0 =	simm.s32 @!p1 $0x0  }
0x14: {  	s2 =	sld [smem:$0x3F9A];
	s0 =	simm.s32 @p1 $0x1  }
0x15: {  	[smem:$0x3FB7] =	sst s0;
	s0 =	simm.s32 @!p2 $0x0  }
0x16: {  	s3 =	sld [smem:$0x3FDB];
	s0 =	simm.s32 @p2 $0x1  }
0x17: {  	s4 =	simm.s32 $0x1BF5;
	[smem:$0x3FB9] =	sst s0  }
0x18: {  	s0 =	sld [smem:$0x3F9C];
	_ =	swait.ge [sflag:s4], $0x0  }
0x19: {  	s7 =	sld [smem:$0x3F9D]  }
0x1a: {  	s8 =	sadd.s32 $0xFFFFE003, lr  }
0x1b: {  	s9 =	sadd.s32 $0xFFFFFEF7, lr;
	s5 =	simm.s32 $0xFFFFFFFF;
	p2 =	slt.u32 s8, $0xFFFFF086  }
0x1c: {  	p1 =	slt.u32 s9, $0xF7A;
	s5 =	simm.s32 @!p2 $0x0  }
0x1d: {  	s5 =	simm.s32 @p1 $0x1;
	p0 =	seq.s32 s7, s2  }
0x1e: {  	s7 =	smul.u32 @!p0 $0xF7A, s2;
	p2 =	seq.s32 @!p0 s5, $0x0  }
0x1f: {  	s9 =	smul.u32 $0xF7A, s1;
	s8 =	simm.s32 @!p0 $0x1BF5;
	p2 =	por !p2, p0  }
0x20: {  	[sflag:s8] =	ssyncset.s32 @!p0 $0xFFFFF086;
	s6 =	sadd.s32 @!p0 s3, s7;
	s7 =	simm.s32 @!p0 $0x108  }
0x21: {  	s3 =	sadd.s32 s3, s9;
	s6 =	sadd.s32 @!p0 $0x88, s6;
	s7 =	simm.s32 @p2 $0x1082  }
0x22: {  	[simem:s7], [sflag:s8] =	dma.local @!p0 [hbm:s6], $0xF7A  }
0x23: {  	s9 =	sor.u32 $0xD0000000, s2;
	s6 =	simm.s32 $0x108;
	_ =	swait.ge @!p0 [sflag:s8], $0x0  }
0x24: {  	s3 =	sadd.s32 $0x88, s3;
	s6 =	simm.s32 @!p1 $0x1082;
	[sflag:s4] =	ssyncset.s32 $0xFFFFF086  }
0x25: {  	[simem:s6], [sflag:s4] =	dma.local [hbm:s3], $0xF7A  }
0x26: {  	[smem:$0x3F9D] =	sst s1;
	(tag) =	ssettag s2;
	_ =	strace s9  }
0x27: {  	s1 =	sld [smem:$0x3FAD]  }
0x28: {  	s2 =	sld [smem:$0x3FAE]  }
0x29: {  	s4 =	sld [smem:$0x3FB0]  }
0x2a: {  	p0 =	seq.s32 s5, $0x0;
	s5 =	sld [smem:$0x3FB1]  }
0x2b: {  	s6 =	sld [smem:$0x3FB2]  }
0x2c: {  	s7 =	sld [smem:$0x3FB3]  }
0x2d: {  	s3 =	simm.s32 $0x108;
	s8 =	sld [smem:$0x3FB4]  }
0x2e: {  	s3 =	simm.s32 @!p0 $0x1082;
	s9 =	sld [smem:$0x3FB5]  }
0x2f: {  	lr =	sadd.s32 s0, s3;
	s0 =	sld [smem:$0x3FAC]  }
0x30: {  	s3 =	sld [smem:$0x3FAF]  }
0x31: {  	[smem:$0x3FB8] =	sst s10  }
0x32: {  	s10 =	sld [smem:$0x3FB6];
	_ =	sdelay $0x3  }
0x33: {  	p0 =	seq.s32 s10, $0x1;
	s10 =	sld [smem:$0x3FB8];
	_ =	sdelay $0x3  }
0x34: {  	[smem:$0x3FB8] =	sst s10  }
0x35: {  	s10 =	sld [smem:$0x3FB7];
	_ =	sdelay $0x3  }
0x36: {  	p1 =	seq.s32 s10, $0x1;
	s10 =	sld [smem:$0x3FB8];
	_ =	sdelay $0x3  }
0x37: {  	[smem:$0x3FB8] =	sst s10  }
0x38: {  	s10 =	sld [smem:$0x3FB9]  }
0x39: {  	_ = 	snop;
	(pc) =	sbr.ind lr, $3  }
0x3a: {  	_ = 	snop  }
0x3b: {  	_ = 	snop  }
0x3c: {  	p2 =	seq.s32 s10, $0x1;
	s10 =	sld [smem:$0x3FB8]  }
0x3d: {  	_ =	shalt  }
0x3e: {  	_ =	shalt  }
0x3f: {  	_ =	shalt  }
0x40: {  	_ =	shalt  }
0x41: {  	_ =	shalt  }
0x42: {  	_ =	shalt  }
0x43: {  	_ =	shalt  }
0x44: {  	_ =	shalt  }
0x45: {  	_ =	shalt  }
0x46: {  	_ =	shalt  }
0x47: {  	_ =	shalt  }
0x48: {  	_ =	shalt  }
0x49: {  	_ =	shalt  }
0x4a: {  	_ =	shalt  }
0x4b: {  	_ =	shalt  }
0x4c: {  	_ =	shalt  }
0x4d: {  	_ =	shalt  }
0x4e: {  	_ =	shalt  }
0x4f: {  	_ =	shalt  }
0x50: {  	_ =	shalt  }
0x51: {  	_ =	shalt  }
0x52: {  	_ =	shalt  }
0x53: {  	_ =	shalt  }
0x54: {  	_ =	shalt  }
0x55: {  	_ =	shalt  }
0x56: {  	_ =	shalt  }
0x57: {  	_ =	shalt  }
0x58: {  	_ =	shalt  }
0x59: {  	_ =	shalt  }
0x5a: {  	_ =	shalt  }
0x5b: {  	_ =	shalt  }
0x5c: {  	_ =	shalt  }
0x5d: {  	_ =	shalt  }
0x5e: {  	_ =	shalt  }
0x5f: {  	_ =	shalt  }
0x60: {  	_ =	shalt  }
0x61: {  	_ =	shalt  }
0x62: {  	_ =	shalt  }
0x63: {  	_ =	shalt  }
0x64: {  	_ =	shalt  }
0x65: {  	_ =	shalt  }
0x66: {  	_ =	shalt  }
0x67: {  	_ =	shalt  }
0x68: {  	_ =	shalt  }
0x69: {  	_ =	shalt  }
0x6a: {  	_ =	shalt  }
0x6b: {  	_ =	shalt  }
0x6c: {  	_ =	shalt  }
0x6d: {  	_ =	shalt  }
0x6e: {  	_ =	shalt  }
0x6f: {  	_ =	shalt  }
0x70: {  	_ =	shalt  }
0x71: {  	_ =	shalt  }
0x72: {  	_ =	shalt  }
0x73: {  	_ =	shalt  }
0x74: {  	_ =	shalt  }
0x75: {  	_ =	shalt  }
0x76: {  	_ =	shalt  }
0x77: {  	_ =	shalt  }
0x78: {  	_ =	shalt  }
0x79: {  	_ =	shalt  }
0x7a: {  	_ =	shalt  }
0x7b: {  	_ =	shalt  }
0x7c: {  	_ =	shalt  }
0x7d: {  	_ =	shalt  }
0x7e: {  	_ =	shalt  }
0x7f: {  	_ =	shalt  }
0x80: {  	_ =	shalt  }
0x81: {  	_ =	shalt  }
0x82: {  	_ =	shalt  }
0x83: {  	_ =	shalt  }
0x84: {  	_ =	shalt  }
0x85: {  	_ =	shalt  }
0x86: {  	_ =	shalt  }
0x87: {  	_ =	shalt  }
.Lfunc_end0:
.L_simem_size_0:
called_computation_lowered:
.L_overlay_start_0:
0x88: {  	s2 =	sld [smem:$0x3FD9]  }
0x89: {  	s3 =	sld [smem:$0x3FFE];
	_ =	sdelay $0x1  }
0x8a: {  	s1 =	srdreg.scid  }
0x8b: {  	s0 =	sand.u32 $0x1, s1  }
0x8c: {  	s17 =	sshll.u32 s0, $0xA;
	s2 =	sadd.s32 s3, s2  }
0x8d: {  	s2 =	sadd.s32 s2, s17  }
0x8e: {  	[smem:$0x3FC4] =	sst s2  }
0x8f: {  	_ = 	snop  }
0x90: {  	s2 =	sld [smem:$0x3FD0];
	(tm) =	ssettm $0x1  }
0x91: {  	s18 =	sld [smem:$0x3FFB];
	_ =	sdelay $0x3  }
0x92: {  	_ =	strace s18  }
0x93: {  	s3 =	sld [smem:$0x3FFC];
	_ =	sdelay $0x3  }
0x94: {  	_ =	strace s3  }
0x95: {  	s3 =	sld [smem:$0x3FFD];
	_ =	sdelay $0x3  }
0x96: {  	_ =	strace s3  }
0x97: {  	_ =	strace $0x8FFFFFFF  }
0x98: {  	s19 =	sld [smem:$0x3FDB];
	_ =	sdelay $0x1  }
0x99: {  	s4 =	simm.s32 $_scs_section_size  }
0x9a: {  	s5 =	simm.s32 $_size__tile_overlayer_lowered;
	s6 =	simm.s32 $_tile_overlayer_lowered  }
0x9b: {  	s22 =	simm.s32 $0x1BFF;
	s21 =	sshll.u32 s6, $0x1;
	s3 =	sadd.s32 s4, s19  }
0x9c: {  	s7 =	simm.s32 $0x0;
	s20 =	sshll.u32 s5, $0x1;
	s5 =	sadd.s32 s21, s3  }
0x9d: {  	[timem:s7], [sflag:s22] =	dma.local [hbm:s5], s20  }
0x9e: {  	_ =	swait.ge [sflag:s22], s20  }
0x9f: {  	s4 =	ssub.s32 $0x0, s20;
	[sflag:s22] =	ssyncset.done $0x0  }
0xa0: {  	[sflag:s22] =	ssyncadd.s32 s4;
	_ =	sdelay $0x1  }
0xa1: {  	s23 =	simm.s32 $0x1B8B  }
0xa2: {  	_ =	swait.ge [sflag:s23], $0x1  }
0xa3: {  	[sflag:s23] =	ssyncset.done $0x0  }
0xa4: {  	s25 =	simm.s32 $0x1B8E;
	s24 =	sld [smem:$0x3FFE];
	[sflag:s23] =	ssyncadd.s32 $0xFFFFFFFF  }
0xa5: {  	s26 =	simm.s32 $execute0_lowered;
	[smem:$0x3FD2] =	sst s25  }
0xa6: {  	s5 =	sshll.u32 s26, $0x1;
	_ =	strace $0x80000046;
	[dreg:$0x1] =	wrdreg $0xFFFFFFFF  }
0xa7: {  	s28 =	simm.s32 $_size_execute0_lowered;
	s3 =	sadd.s32 s3, s5;
	[dreg:$0x0] =	wrdreg $0x0  }
0xa8: {  	s5 =	sshll.u32 s28, $0x1;
	[dreg:$0x2] =	wrdreg s3  }
0xa9: {  	[dreg:$0x3] =	wrdreg s5  }
0xaa: {  	[dreg:$0x4] =	wrdreg $0xC0  }
0xab: {  	_ =	task [dreg:s7], $0x5FFFF  }
0xac: {  	[dreg:$0x1] =	wrdreg $0xFFFFFFFF  }
0xad: {  	[dreg:$0x0] =	wrdreg $0x60  }
0xae: {  	[dreg:$0x2] =	wrdreg s24  }
0xaf: {  	[dreg:$0x3] =	wrdreg s2  }
0xb0: {  	[dreg:$0x4] =	wrdreg $0x9  }
0xb1: {  	_ =	task.clear_ibuf [dreg:s7], $0x5FFFF;
	_ =	strace $0x90000046  }
0xb2: {  	s29 =	simm.s32 $0x9;
	_ =	strace $0x80000048  }
0xb3: {  	_ =	swait.ge [sflag:s29], $0x1  }
0xb4: {  	[sflag:s29] =	ssyncadd.s32 $0xFFFFFFFF  }
0xb5: {  	_ =	strace $0x90000048  }
0xb6: {  	_ =	sfence  }
0xb7: {  	s30 =	sld [smem:$0x0];
	_ =	sdelay $0x2  }
0xb8: {  	s31 =	sshll.u32 s1, $0xD;
	s1 =	sshrl.u32 s1, $0x2  }
0xb9: {  	s3 =	sand.u32 $0x4000, s31;
	s1 =	sadd.s32 s1, s30  }
0xba: {  	s0 =	sor.u32 s3, s0;
	s1 =	sshll.u32 s1, $0x11  }
0xbb: {  	s0 =	sor.u32 s1, s0  }
0xbc: {  	s0 =	sadd.s32 $0x8F2B, s0  }
0xbd: {  	[sflag:s0] =	ssyncadd.remote.s32 $0x1  }
0xbe: {  	_ =	sfence.sel $0xFFFF  }
0xbf: {  	[dreg:$0x0] =	wrdreg $0xFFFFFFFF;
	(pc) =	sbr.abs _section_cstart, $3  }
0xc0: {  	[dreg:$0x1] =	wrdreg $0xFFFFFFFF  }
0xc1: {  	_ =	task.clear_ibuf [dreg:s7], $0x2FFFF;
	_ =	strace $0x9FFFFFFF  }
0xc2: {  	(tm) =	ssettm $0x7FFFFFFF  }
0xc3: {  	_ =	shalt  }
tec
execute0_lowered:
.L_overlay_start_1:
0x0: {  	(tag) =	ssettag $0x1  }
0x1: {  	v0 =	vimm.s32 $0x7000;
	vm0 =	vcmask $0x300  }
0x2: {  	vm15 =	vcmask $0x704;
	v0 =	vsel vm0, $0x0, v0  }
0x3: {  	s0 =	rddreg [dreg:$0x0];
	s2 =	simm.s32 $0x0;
	vm4 =	vcmask $0xB08;
	v0 =	vsel vm15, $0x800, v0  }
0x4: {  	s1 =	srdreg.scid;
	vm5 =	vcmask $0xF0C;
	s19 =	stileid.u32;
	s20 =	simm.s32 $0x6800;
	v0 =	vsel vm4, $0x1000, v0  }
0x5: {  	vm6 =	vcmask $0x1310;
	s21 =	simm.s32 $0x1;
	s22 =	simm.s32 $0x8000;
	[smem:$0x7FF] =	sst s2;
	v0 =	vsel vm5, $0x1800, v0  }
0x6: {  	vm7 =	vcmask $0x1714;
	s23 =	simm.s32 $0x2;
	s3 =	sadd.s32 $0x301600, s0;
	s4 =	sadd.s32 $0x341600, s0;
	v0 =	vsel vm6, $0x2000, v0  }
0x7: {  	vm8 =	vcmask $0x1B18;
	s6 =	sadd.s32 $0x41600, s0;
	s7 =	sadd.s32 $0x81600, s0;
	s8 =	sadd.s32 $0xC1600, s0;
	v0 =	vsel vm7, $0x2800, v0  }
0x8: {  	vm9 =	vcmask $0x1F1C;
	s25 =	simm.s32 $0x0;
	s9 =	sadd.s32 $0x101600, s0;
	s10 =	sadd.s32 $0x141600, s0;
	v0 =	vsel vm8, $0x3000, v0  }
0x9: {  	vm10 =	vcmask $0x2320;
	s5 =	sadd.s32 $0x1600, s0;
	s11 =	sadd.s32 $0x181600, s0;
	s12 =	sadd.s32 $0x1C1600, s0;
	v0 =	vsel vm9, $0x3800, v0  }
0xa: {  	vm11 =	vcmask $0x2724;
	s13 =	sadd.s32 $0x201600, s0;
	s1 =	sand.u32 $0x1, s1;
	s14 =	sadd.s32 $0x241600, s0;
	v0 =	vsel vm10, $0x4000, v0  }
0xb: {  	vm12 =	vcmask $0x2B28;
	s15 =	sadd.s32 $0x281600, s0;
	s17 =	sadd.s32 $0x2C1600, s0;
	s16 =	ssub.s32 $0x2, s1;
	v0 =	vsel vm11, $0x4800, v0  }
0xc: {  	vm13 =	vcmask $0x2F2C;
	s19 =	sshll.u32 s19, $0x11;
	s1 =	sshll.u32 s1, $0x10;
	s18 =	sshrl.u32 s16, $0x1;
	v0 =	vsel vm12, $0x5000, v0  }
0xd: {  	vm14 =	vcmask $0x3330;
	_ =	strace $0x80000047;
	s19 =	sor.u32 s1, s19;
	s16 =	ssub.s32 s16, s18;
	v0 =	vsel vm13, $0x5800, v0  }
0xe: {  	vm15 =	vcmask $0x3734;
	s1 =	simm.s32 $0x7000;
	s18 =	sadd.s32 $0x381600, s0;
	s31 =	smax.u32 s16, $0x1;
	v0 =	vsel vm14, $0x6000, v0  }
0xf: {  	s0 =	simm.s32 $0x5800;
	s16 =	simm.s32 $0x6000;
	[dreg:$0x3] =	wrdreg s31;
	v0 =	vsel vm15, $0x6800, v0  }
.LBB2_1:
0x10: {  	[dreg:$0x4] =	wrdreg s25;
	s24 =	simm.s32 $0x0  }
.LBB2_2:
0x11: {  	s25 =	sshll.u32 s24, $0xB  }
0x12: {  	s25 =	sadd.s32 s19, s25  }
0x13: {  	s28 =	sshrl.u32 s25, $0x3  }
0x14: {  	s26 =	simm.s32 $0x0;
	s29 =	sadd.s32 s3, s28  }
0x15: {  	[tilespmem:s26], [sflag:$0x1] =	stream.linear.gather [hbm4b:s29+s26], $0x800, $0x38;
	[tilespmem:$0x10000] =	vst v63  }
0x16: {  	s30 =	simm.s32 $0x800;
	s29 =	sadd.s32 s4, s28  }
0x17: {  	[tilespmem:s30], [sflag:$0x1] =	stream.linear.gather [hbm4b:s29+s26], $0x800, $0x38;
	[tilespmem:$0x10000] =	vst v63  }
0x18: {  	s29 =	rddreg [dreg:$0x1]  }
0x19: {  	s30 =	simm.s32 $0x1000;
	s29 =	sadd.s32 s29, s28  }
0x1a: {  	[tilespmem:s30], [sflag:$0x1] =	stream.linear.gather [hbm4b:s29+s26], $0x800, $0x38;
	[tilespmem:$0x10000] =	vst v63  }
0x1b: {  	s29 =	sadd.s32 s5, s28;
	s30 =	simm.s32 $0x1800  }
0x1c: {  	[tilespmem:s30], [sflag:$0x1] =	stream.linear.gather [hbm4b:s29+s26], $0x800, $0x38;
	[tilespmem:$0x10000] =	vst v63  }
0x1d: {  	s29 =	sadd.s32 s6, s28;
	s30 =	simm.s32 $0x2000  }
0x1e: {  	[tilespmem:s30], [sflag:$0x1] =	stream.linear.gather [hbm4b:s29+s26], $0x800, $0x38;
	[tilespmem:$0x10000] =	vst v63  }
0x1f: {  	s29 =	sadd.s32 s7, s28;
	s30 =	simm.s32 $0x2800  }
0x20: {  	[tilespmem:s30], [sflag:$0x1] =	stream.linear.gather [hbm4b:s29+s26], $0x800, $0x38;
	[tilespmem:$0x10000] =	vst v63  }
0x21: {  	s29 =	sadd.s32 s8, s28;
	s30 =	simm.s32 $0x3000  }
0x22: {  	[tilespmem:s30], [sflag:$0x1] =	stream.linear.gather [hbm4b:s29+s26], $0x800, $0x38;
	[tilespmem:$0x10000] =	vst v63  }
0x23: {  	s29 =	sadd.s32 s9, s28;
	s30 =	simm.s32 $0x3800  }
0x24: {  	[tilespmem:s30], [sflag:$0x1] =	stream.linear.gather [hbm4b:s29+s26], $0x800, $0x38;
	[tilespmem:$0x10000] =	vst v63  }
0x25: {  	s29 =	sadd.s32 s10, s28;
	s30 =	simm.s32 $0x4000  }
0x26: {  	[tilespmem:s30], [sflag:$0x1] =	stream.linear.gather [hbm4b:s29+s26], $0x800, $0x38;
	[tilespmem:$0x10000] =	vst v63  }
0x27: {  	s29 =	sadd.s32 s11, s28;
	s30 =	simm.s32 $0x4800  }
0x28: {  	[tilespmem:s30], [sflag:$0x1] =	stream.linear.gather [hbm4b:s29+s26], $0x800, $0x38;
	[tilespmem:$0x10000] =	vst v63  }
0x29: {  	s29 =	sadd.s32 s12, s28;
	s30 =	simm.s32 $0x5000  }
0x2a: {  	[tilespmem:s30], [sflag:$0x1] =	stream.linear.gather [hbm4b:s29+s26], $0x800, $0x38;
	[tilespmem:$0x10000] =	vst v63  }
0x2b: {  	s29 =	sadd.s32 s13, s28  }
0x2c: {  	[tilespmem:s0], [sflag:$0x1] =	stream.linear.gather [hbm4b:s29+s26], $0x800, $0x38;
	[tilespmem:$0x10000] =	vst v63  }
0x2d: {  	s29 =	sadd.s32 s14, s28  }
0x2e: {  	[tilespmem:s16], [sflag:$0x1] =	stream.linear.gather [hbm4b:s29+s26], $0x800, $0x38;
	[tilespmem:$0x10000] =	vst v63  }
0x2f: {  	s29 =	sadd.s32 s15, s28  }
0x30: {  	[tilespmem:s20], [sflag:$0x1] =	stream.linear.gather [hbm4b:s29+s26], $0x800, $0x38;
	[tilespmem:$0x10000] =	vst v63  }
0x31: {  	s28 =	sadd.s32 s17, s28  }
0x32: {  	[tilespmem:s1], [sflag:$0x1] =	stream.linear.gather [hbm4b:s28+s26], $0x800, $0x38;
	[tilespmem:$0x10000] =	vst v63  }
0x33: {  	_ =	swait.ge [sflag:s21], $0x800  }
0x34: {  	[sflag:s21] =	ssyncset.done $0x0  }
0x35: {  	[sflag:s21] =	ssyncadd.s32 $0xFFFFF800  }
0x36: {  	_ =	swait.ge [sflag:s21], $0x800  }
0x37: {  	[sflag:s21] =	ssyncset.done $0x0  }
0x38: {  	[sflag:s21] =	ssyncadd.s32 $0xFFFFF800  }
0x39: {  	_ =	swait.ge [sflag:s21], $0x800  }
0x3a: {  	[sflag:s21] =	ssyncset.done $0x0  }
0x3b: {  	[sflag:s21] =	ssyncadd.s32 $0xFFFFF800  }
0x3c: {  	_ =	swait.ge [sflag:s21], $0x800  }
0x3d: {  	[sflag:s21] =	ssyncset.done $0x0  }
0x3e: {  	[sflag:s21] =	ssyncadd.s32 $0xFFFFF800  }
0x3f: {  	_ =	swait.ge [sflag:s21], $0x800  }
0x40: {  	[sflag:s21] =	ssyncset.done $0x0  }
0x41: {  	[sflag:s21] =	ssyncadd.s32 $0xFFFFF800  }
0x42: {  	_ =	swait.ge [sflag:s21], $0x800  }
0x43: {  	[sflag:s21] =	ssyncset.done $0x0  }
0x44: {  	[sflag:s21] =	ssyncadd.s32 $0xFFFFF800  }
0x45: {  	_ =	swait.ge [sflag:s21], $0x800  }
0x46: {  	[sflag:s21] =	ssyncset.done $0x0  }
0x47: {  	[sflag:s21] =	ssyncadd.s32 $0xFFFFF800  }
0x48: {  	_ =	swait.ge [sflag:s21], $0x800  }
0x49: {  	[sflag:s21] =	ssyncset.done $0x0  }
0x4a: {  	[sflag:s21] =	ssyncadd.s32 $0xFFFFF800  }
0x4b: {  	_ =	swait.ge [sflag:s21], $0x800  }
0x4c: {  	[sflag:s21] =	ssyncset.done $0x0  }
0x4d: {  	[sflag:s21] =	ssyncadd.s32 $0xFFFFF800  }
0x4e: {  	_ =	swait.ge [sflag:s21], $0x800  }
0x4f: {  	[sflag:s21] =	ssyncset.done $0x0  }
0x50: {  	[sflag:s21] =	ssyncadd.s32 $0xFFFFF800  }
0x51: {  	_ =	swait.ge [sflag:s21], $0x800  }
0x52: {  	[sflag:s21] =	ssyncset.done $0x0  }
0x53: {  	[sflag:s21] =	ssyncadd.s32 $0xFFFFF800  }
0x54: {  	_ =	swait.ge [sflag:s21], $0x800  }
0x55: {  	[sflag:s21] =	ssyncset.done $0x0  }
0x56: {  	[sflag:s21] =	ssyncadd.s32 $0xFFFFF800  }
0x57: {  	_ =	swait.ge [sflag:s21], $0x800  }
0x58: {  	[sflag:s21] =	ssyncset.done $0x0  }
0x59: {  	[sflag:s21] =	ssyncadd.s32 $0xFFFFF800  }
0x5a: {  	s28 =	simm.s32 $0x7;
	_ =	swait.ge [sflag:s21], $0x800  }
0x5b: {  	s29 =	simm.s32 $0x1;
	v1 =	vor.u32 s28, v0;
	[sflag:s21] =	ssyncset.done $0x0  }
0x5c: {  	v2 =	vor.u32 s29, v0;
	s28 =	simm.s32 $0x2;
	[sflag:s21] =	ssyncadd.s32 $0xFFFFF800  }
0x5d: {  	v3 =	vor.u32 s28, v0;
	s28 =	simm.s32 $0x3;
	_ =	swait.ge [sflag:s21], $0x800  }
0x5e: {  	v4 =	vor.u32 s28, v0;
	s28 =	simm.s32 $0x4;
	[sflag:s21] =	ssyncset.done $0x0  }
0x5f: {  	v5 =	vor.u32 s28, v0;
	s28 =	simm.s32 $0x5;
	[sflag:s21] =	ssyncadd.s32 $0xFFFFF800  }
0x60: {  	v6 =	vor.u32 s28, v0;
	s28 =	simm.s32 $0x6;
	v1 =	vld.idx.msk [tilespmem:v1+s2+$0x0], $0xffff  }
0x61: {  	v7 =	vor.u32 s28, v0;
	s28 =	simm.s32 $0xF;
	v2 =	vld.idx.msk [tilespmem:v2+s2+$0x0], $0xffff  }
0x62: {  	v11 =	vor.u32 s28, v0;
	v9 =	vld.idx.msk [tilespmem:v3+s2+$0x0], $0xffff  }
0x63: {  	v8 =	vor.u32 s26, v0;
	s28 =	simm.s32 $0xA;
	v12 =	vld.idx.msk [tilespmem:v4+s2+$0x0], $0xffff  }
0x64: {  	s31 =	simm.s32 $0x9;
	v15 =	vor.u32 s28, v0;
	v14 =	vld.idx.msk [tilespmem:v5+s2+$0x0], $0xffff  }
0x65: {  	v13 =	vor.u32 s31, v0;
	s26 =	simm.s32 $0x8040;
	s28 =	simm.s32 $0xB;
	v5 =	vld.idx.msk [tilespmem:v6+s2+$0x0], $0xffff  }
0x66: {  	v10 =	vor.u32 s28, v0;
	s28 =	simm.s32 $0xC;
	v4 =	vld.idx.msk [tilespmem:v7+s2+$0x0], $0xffff;
	[tilespmem:s26+$0x30] =	vst v1  }
0x67: {  	s29 =	simm.s32 $0xD;
	[tilespmem:s26+$0xFFFFFFD0] =	vst v2;
	v1 =	vld.idx.msk [tilespmem:v11+s2+$0x0], $0xffff;
	v11 =	vor.u32 s28, v0  }
0x68: {  	v3 =	vld.idx.msk [tilespmem:v8+s2+$0x0], $0xffff;
	v8 =	vor.u32 s29, v0;
	s29 =	simm.s32 $0xE;
	[tilespmem:s26+$0xFFFFFFE0] =	vst v9  }
0x69: {  	s31 =	simm.s32 $0x8;
	v6 =	vld.idx.msk [tilespmem:v15+s2+$0x0], $0xffff;
	[tilespmem:s26+$0xFFFFFFF0] =	vst v12;
	v9 =	vor.u32 s29, v0  }
0x6a: {  	s30 =	simm.s32 $0x17;
	v7 =	vor.u32 s31, v0;
	v2 =	vld.idx.msk [tilespmem:v13+s2+$0x0], $0xffff;
	s28 =	simm.s32 $0x10;
	s29 =	simm.s32 $0x18;
	[tilespmem:s26+$0x0] =	vst v14  }
.LBB2_3:
0x6b: {  	p0 =	slt.u32 s29, $0x7F8;
	s31 =	sadd.s32 $0x1, s28;
	v12 =	vor.u32 s30, v0;
	v13 =	vld.idx.msk [tilespmem:v10+s2+$0x0], $0xffff;
	[tilespmem:s26+$0x10] =	vst v5  }
0x6c: {  	s30 =	sadd.s32 $0x2, s28;
	v14 =	vor.u32 s31, v0;
	v15 =	vld.idx.msk [tilespmem:v11+s2+$0x0], $0xffff;
	[tilespmem:s26+$0x20] =	vst v4  }
0x6d: {  	v16 =	vor.u32 s30, v0;
	s30 =	sadd.s32 $0x3, s28;
	v5 =	vld.idx.msk [tilespmem:v8+s2+$0x0], $0xffff;
	[tilespmem:s26+$0xFFFFFFC0] =	vst v3;
	s26 =	sadd.s32 $0x80, s26  }
.Ltmp0:
0x6e: {  	v10 =	vor.u32 s30, v0;
	s30 =	sadd.s32 $0x4, s28;
	v4 =	vld.idx.msk [tilespmem:v9+s2+$0x0], $0xffff;
	[tilespmem:s26+$0x30] =	vst v1;
	(pc) =	sbr.rel @p0 .LBB2_3-.Ltmp0, $4  }
0x6f: {  	v11 =	vor.u32 s30, v0;
	s30 =	sadd.s32 $0x5, s28;
	v3 =	vld.idx.msk [tilespmem:v7+s2+$0x0], $0xffff;
	[tilespmem:s26+$0xFFFFFFD0] =	vst v2  }
0x70: {  	v8 =	vor.u32 s30, v0;
	s30 =	sadd.s32 $0x6, s28;
	v1 =	vld.idx.msk [tilespmem:v12+s2+$0x0], $0xffff;
	[tilespmem:s26+$0xFFFFFFE0] =	vst v6  }
0x71: {  	v9 =	vor.u32 s30, v0;
	v2 =	vld.idx.msk [tilespmem:v14+s2+$0x0], $0xffff;
	[tilespmem:s26+$0xFFFFFFF0] =	vst v13  }
0x72: {  	v7 =	vor.u32 s28, v0;
	s28 =	smov.u32 s29;
	s30 =	sadd.s32 $0x7, s29;
	s29 =	sadd.s32 $0x8, s29;
	v6 =	vld.idx.msk [tilespmem:v16+s2+$0x0], $0xffff;
	[tilespmem:s26+$0x0] =	vst v15  }
0x73: {  	_ =	sdelay $0x2  }
0x74: {  	[tilespmem:s26+$0x10] =	vst v5  }
0x75: {  	v57 =	vor.u32 s30, v0;
	v10 =	vld.idx.msk [tilespmem:v10+s2+$0x0], $0xffff;
	[tilespmem:s26+$0x20] =	vst v4  }
0x76: {  	s29 =	sadd.s32 $0x1, s28;
	v11 =	vld.idx.msk [tilespmem:v11+s2+$0x0], $0xffff;
	v61 =	vor.u32 s28, v0;
	[tilespmem:s26+$0xFFFFFFC0] =	vst v3;
	s26 =	sadd.s32 $0x80, s26  }
0x77: {  	s31 =	sadd.s32 $0x2, s28;
	v8 =	vld.idx.msk [tilespmem:v8+s2+$0x0], $0xffff;
	v58 =	vor.u32 s29, v0;
	[tilespmem:s26+$0x30] =	vst v1  }
0x78: {  	s30 =	sadd.s32 $0x3, s28;
	v9 =	vld.idx.msk [tilespmem:v9+s2+$0x0], $0xffff;
	v3 =	vor.u32 s31, v0;
	[tilespmem:s26+$0xFFFFFFD0] =	vst v2  }
0x79: {  	v7 =	vld.idx.msk [tilespmem:v7+s2+$0x0], $0xffff;
	s31 =	sadd.s32 $0x4, s28;
	v1 =	vor.u32 s30, v0;
	[tilespmem:s26+$0xFFFFFFE0] =	vst v6  }
0x7a: {  	s30 =	sadd.s32 $0x5, s28;
	v2 =	vor.u32 s31, v0;
	v5 =	vld.idx.msk [tilespmem:v57+s2+$0x0], $0xffff;
	[tilespmem:s26+$0xFFFFFFF0] =	vst v10  }
0x7b: {  	v59 =	vor.u32 s30, v0;
	s31 =	sadd.s32 $0x6, s28;
	[tilespmem:s26+$0x0] =	vst v11;
	v63 =	vld.idx.msk [tilespmem:v61+s2+$0x0], $0xffff  }
0x7c: {  	v60 =	vor.u32 s31, v0;
	[tilespmem:s26+$0x10] =	vst v8;
	v4 =	vld.idx.msk [tilespmem:v58+s2+$0x0], $0xffff  }
0x7d: {  	[tilespmem:s26+$0x20] =	vst v9;
	v3 =	vld.idx.msk [tilespmem:v3+s2+$0x0], $0xffff  }
0x7e: {  	[tilespmem:s26+$0xFFFFFFC0] =	vst v7;
	s26 =	sadd.s32 $0x80, s26;
	v1 =	vld.idx.msk [tilespmem:v1+s2+$0x0], $0xffff  }
0x7f: {  	v2 =	vld.idx.msk [tilespmem:v2+s2+$0x0], $0xffff;
	[tilespmem:s26+$0x30] =	vst v5  }
0x80: {  	v6 =	vld.idx.msk [tilespmem:v59+s2+$0x0], $0xffff;
	[tilespmem:s26+$0xFFFFFFC0] =	vst v63  }
0x81: {  	v62 =	vld.idx.msk [tilespmem:v60+s2+$0x0], $0xffff;
	[tilespmem:s26+$0xFFFFFFD0] =	vst v4  }
0x82: {  	[tilespmem:s26+$0xFFFFFFE0] =	vst v3  }
0x83: {  	[tilespmem:s26+$0xFFFFFFF0] =	vst v1  }
0x84: {  	s24 =	sadd.s32 $0x1, s24;
	[tilespmem:s26+$0x0] =	vst v2  }
0x85: {  	s25 =	sshll.u32 s25, $0x1;
	p0 =	sne.s32 s24, $0x20;
	[tilespmem:s26+$0x10] =	vst v6  }
.Ltmp1:
0x86: {  	s25 =	sadd.s32 s18, s25;
	[tilespmem:s26+$0x20] =	vst v62;
	(pc) =	sbr.rel @p0 .LBB2_2-.Ltmp1, $4  }
0x87: {  	[hbm4b:s25+s2] =	stream.linear.scatter [tilespmem:s22], [sflag:$0x2], $0x8000, $0x38;
	[tilespmem:$0x10000] =	vst v63  }
0x88: {  	_ =	swait.ge [sflag:s23], $0x8000  }
0x89: {  	[sflag:s23] =	ssyncset.done $0x0  }
0x8a: {  	[sflag:s23] =	ssyncadd.s32 $0xFFFF8000  }
0x8b: {  	s25 =	rddreg [dreg:$0x4]  }
0x8c: {  	s24 =	rddreg [dreg:$0x3];
	s25 =	sadd.s32 $0x1, s25  }
0x8d: {  	p0 =	sne.s32 s25, s24  }
.Ltmp2:
0x8e: {  	_ = 	snop;
	(pc) =	sbr.rel @p0 .LBB2_1-.Ltmp2, $1  }
0x8f: {  	_ =	sdelay $0x3  }
0x90: {  	_ =	sfence.sel $0x180000  }
0x91: {  	[bflag:$0x0] =	sbarrier.arrive $0xFFFF  }
0x92: {  	_ =	strace $0x90000047  }
0x93: {  	s0 =	stileid.u32;
	[bflag:$0x2] =	sbarrier.arrive $0xFFFF  }
0x94: {  	p0 =	sne.s32 s0, $0x0;
	s0 =	rddreg [dreg:$0x2]  }
0x95: {  	s0 =	sadd.s32 @!p0 $0x100000, s0  }
0x96: {  	[sflag:s0] =	ssyncadd.tile.s32 @!p0 $0x1;
	_ =	shalt  }
.Lfunc_end2:
_tile_overlayer_lowered:
.L_overlay_start_2:
0x97: {  	(tag) =	ssettag $0x2  }
0x98: {  	s0 =	rddreg [dreg:$0x0];
	s2 =	stileid.u32  }
0x99: {  	s1 =	rddreg [dreg:$0x1];
	p0 =	sne.s32 s2, $0x0  }
0x9a: {  	s3 =	rddreg [dreg:$0x2];
	[bflag:$0x3] =	sbarrier.arrive $0xFFFF;
	s2 =	simm.s32 @!p0 $0x1C02  }
0x9b: {  	[timem:s3], [sflag:s2] =	dma.local @!p0 [hbm:s0], s1  }
0x9c: {  	s0 =	simm.s32 @!p0 $0x2  }
0x9d: {  	_ =	swait.ge @!p0 [sflag:s0], s1  }
0x9e: {  	s1 =	ssub.s32 @!p0 $0x0, s1;
	[sflag:s0] =	ssyncset.done @!p0 $0x0  }
0x9f: {  	[sflag:s0] =	ssyncadd.s32 @!p0 s1  }
0xa0: {  	[bflag:$0x3] =	sbarrier.arrive $0xFFFF  }
0xa1: {  	_ =	shalt  }

// kernel: kernel.9.cloned.1.call-start
scs
__scs_entry_jumppad:
0x0: {  	(pc) =	sbr.rel $0x88, $3  }
0x1: {  	(tag) =	ssettag $0x0;
	lr =	simm.s32 $0x1  }
0x2: {  	[smem:$0x3F9D] =	sst lr;
	_ =	strace $0xD0000000  }
0x3: {  	_ = 	snop  }
0x4: {  	_ = 	snop  }
0x5: {  	_ = 	snop  }
0x6: {  	_ = 	snop  }
0x7: {  	_ = 	snop  }
__scs_overlays_trampoline_lowered:
0x8: {  	[smem:$0x3FAC] =	sst s0  }
0x9: {  	[smem:$0x3FAD] =	sst s1  }
0xa: {  	[smem:$0x3FAE] =	sst s2  }
0xb: {  	[smem:$0x3FAF] =	sst s3  }
0xc: {  	[smem:$0x3FB0] =	sst s4  }
0xd: {  	[smem:$0x3FB1] =	sst s5  }
0xe: {  	[smem:$0x3FB2] =	sst s6  }
0xf: {  	[smem:$0x3FB3] =	sst s7  }
0x10: {  	[smem:$0x3FB4] =	sst s8  }
0x11: {  	[smem:$0x3FB5] =	sst s9;
	s0 =	simm.s32 @!p0 $0x0  }
0x12: {  	s1 =	sld [smem:$0x3F9B];
	s0 =	simm.s32 @p0 $0x1  }
0x13: {  	[smem:$0x3FB6] =	sst s0;
	s0 =	simm.s32 @!p1 $0x0  }
0x14: {  	s2 =	sld [smem:$0x3F9A];
	s0 =	simm.s32 @p1 $0x1  }
0x15: {  	[smem:$0x3FB7] =	sst s0;
	s0 =	simm.s32 @!p2 $0x0  }
0x16: {  	s3 =	sld [smem:$0x3FDB];
	s0 =	simm.s32 @p2 $0x1  }
0x17: {  	s4 =	simm.s32 $0x1BF5;
	[smem:$0x3FB9] =	sst s0  }
0x18: {  	s0 =	sld [smem:$0x3F9C];
	_ =	swait.ge [sflag:s4], $0x0  }
0x19: {  	s7 =	sld [smem:$0x3F9D]  }
0x1a: {  	s8 =	sadd.s32 $0xFFFFE003, lr  }
0x1b: {  	s9 =	sadd.s32 $0xFFFFFEF7, lr;
	s5 =	simm.s32 $0xFFFFFFFF;
	p2 =	slt.u32 s8, $0xFFFFF086  }
0x1c: {  	p1 =	slt.u32 s9, $0xF7A;
	s5 =	simm.s32 @!p2 $0x0  }
0x1d: {  	s5 =	simm.s32 @p1 $0x1;
	p0 =	seq.s32 s7, s2  }
0x1e: {  	s7 =	smul.u32 @!p0 $0xF7A, s2;
	p2 =	seq.s32 @!p0 s5, $0x0  }
0x1f: {  	s9 =	smul.u32 $0xF7A, s1;
	s8 =	simm.s32 @!p0 $0x1BF5;
	p2 =	por !p2, p0  }
0x20: {  	[sflag:s8] =	ssyncset.s32 @!p0 $0xFFFFF086;
	s6 =	sadd.s32 @!p0 s3, s7;
	s7 =	simm.s32 @!p0 $0x108  }
0x21: {  	s3 =	sadd.s32 s3, s9;
	s6 =	sadd.s32 @!p0 $0x88, s6;
	s7 =	simm.s32 @p2 $0x1082  }
0x22: {  	[simem:s7], [sflag:s8] =	dma.local @!p0 [hbm:s6], $0xF7A  }
0x23: {  	s9 =	sor.u32 $0xD0000000, s2;
	s6 =	simm.s32 $0x108;
	_ =	swait.ge @!p0 [sflag:s8], $0x0  }
0x24: {  	s3 =	sadd.s32 $0x88, s3;
	s6 =	simm.s32 @!p1 $0x1082;
	[sflag:s4] =	ssyncset.s32 $0xFFFFF086  }
0x25: {  	[simem:s6], [sflag:s4] =	dma.local [hbm:s3], $0xF7A  }
0x26: {  	[smem:$0x3F9D] =	sst s1;
	(tag) =	ssettag s2;
	_ =	strace s9  }
0x27: {  	s1 =	sld [smem:$0x3FAD]  }
0x28: {  	s2 =	sld [smem:$0x3FAE]  }
0x29: {  	s4 =	sld [smem:$0x3FB0]  }
0x2a: {  	p0 =	seq.s32 s5, $0x0;
	s5 =	sld [smem:$0x3FB1]  }
0x2b: {  	s6 =	sld [smem:$0x3FB2]  }
0x2c: {  	s7 =	sld [smem:$0x3FB3]  }
0x2d: {  	s3 =	simm.s32 $0x108;
	s8 =	sld [smem:$0x3FB4]  }
0x2e: {  	s3 =	simm.s32 @!p0 $0x1082;
	s9 =	sld [smem:$0x3FB5]  }
0x2f: {  	lr =	sadd.s32 s0, s3;
	s0 =	sld [smem:$0x3FAC]  }
0x30: {  	s3 =	sld [smem:$0x3FAF]  }
0x31: {  	[smem:$0x3FB8] =	sst s10  }
0x32: {  	s10 =	sld [smem:$0x3FB6];
	_ =	sdelay $0x3  }
0x33: {  	p0 =	seq.s32 s10, $0x1;
	s10 =	sld [smem:$0x3FB8];
	_ =	sdelay $0x3  }
0x34: {  	[smem:$0x3FB8] =	sst s10  }
0x35: {  	s10 =	sld [smem:$0x3FB7];
	_ =	sdelay $0x3  }
0x36: {  	p1 =	seq.s32 s10, $0x1;
	s10 =	sld [smem:$0x3FB8];
	_ =	sdelay $0x3  }
0x37: {  	[smem:$0x3FB8] =	sst s10  }
0x38: {  	s10 =	sld [smem:$0x3FB9]  }
0x39: {  	_ = 	snop;
	(pc) =	sbr.ind lr, $3  }
0x3a: {  	_ = 	snop  }
0x3b: {  	_ = 	snop  }
0x3c: {  	p2 =	seq.s32 s10, $0x1;
	s10 =	sld [smem:$0x3FB8]  }
0x3d: {  	_ =	shalt  }
0x3e: {  	_ =	shalt  }
0x3f: {  	_ =	shalt  }
0x40: {  	_ =	shalt  }
0x41: {  	_ =	shalt  }
0x42: {  	_ =	shalt  }
0x43: {  	_ =	shalt  }
0x44: {  	_ =	shalt  }
0x45: {  	_ =	shalt  }
0x46: {  	_ =	shalt  }
0x47: {  	_ =	shalt  }
0x48: {  	_ =	shalt  }
0x49: {  	_ =	shalt  }
0x4a: {  	_ =	shalt  }
0x4b: {  	_ =	shalt  }
0x4c: {  	_ =	shalt  }
0x4d: {  	_ =	shalt  }
0x4e: {  	_ =	shalt  }
0x4f: {  	_ =	shalt  }
0x50: {  	_ =	shalt  }
0x51: {  	_ =	shalt  }
0x52: {  	_ =	shalt  }
0x53: {  	_ =	shalt  }
0x54: {  	_ =	shalt  }
0x55: {  	_ =	shalt  }
0x56: {  	_ =	shalt  }
0x57: {  	_ =	shalt  }
0x58: {  	_ =	shalt  }
0x59: {  	_ =	shalt  }
0x5a: {  	_ =	shalt  }
0x5b: {  	_ =	shalt  }
0x5c: {  	_ =	shalt  }
0x5d: {  	_ =	shalt  }
0x5e: {  	_ =	shalt  }
0x5f: {  	_ =	shalt  }
0x60: {  	_ =	shalt  }
0x61: {  	_ =	shalt  }
0x62: {  	_ =	shalt  }
0x63: {  	_ =	shalt  }
0x64: {  	_ =	shalt  }
0x65: {  	_ =	shalt  }
0x66: {  	_ =	shalt  }
0x67: {  	_ =	shalt  }
0x68: {  	_ =	shalt  }
0x69: {  	_ =	shalt  }
0x6a: {  	_ =	shalt  }
0x6b: {  	_ =	shalt  }
0x6c: {  	_ =	shalt  }
0x6d: {  	_ =	shalt  }
0x6e: {  	_ =	shalt  }
0x6f: {  	_ =	shalt  }
0x70: {  	_ =	shalt  }
0x71: {  	_ =	shalt  }
0x72: {  	_ =	shalt  }
0x73: {  	_ =	shalt  }
0x74: {  	_ =	shalt  }
0x75: {  	_ =	shalt  }
0x76: {  	_ =	shalt  }
0x77: {  	_ =	shalt  }
0x78: {  	_ =	shalt  }
0x79: {  	_ =	shalt  }
0x7a: {  	_ =	shalt  }
0x7b: {  	_ =	shalt  }
0x7c: {  	_ =	shalt  }
0x7d: {  	_ =	shalt  }
0x7e: {  	_ =	shalt  }
0x7f: {  	_ =	shalt  }
0x80: {  	_ =	shalt  }
0x81: {  	_ =	shalt  }
0x82: {  	_ =	shalt  }
0x83: {  	_ =	shalt  }
0x84: {  	_ =	shalt  }
0x85: {  	_ =	shalt  }
0x86: {  	_ =	shalt  }
0x87: {  	_ =	shalt  }
.Lfunc_end0:
.L_simem_size_0:
called_computation.1_lowered:
.L_overlay_start_0:
0x88: {  	s2 =	sld [smem:$0x3FD9]  }
0x89: {  	s3 =	sld [smem:$0x3FFE];
	_ =	sdelay $0x1  }
0x8a: {  	s1 =	srdreg.scid  }
0x8b: {  	s0 =	sand.u32 $0x1, s1  }
0x8c: {  	s17 =	sshll.u32 s0, $0xA;
	s2 =	sadd.s32 s3, s2  }
0x8d: {  	s2 =	sadd.s32 s2, s17  }
0x8e: {  	[smem:$0x3FC4] =	sst s2  }
0x8f: {  	_ = 	snop  }
0x90: {  	s2 =	sld [smem:$0x3FD0];
	(tm) =	ssettm $0x1  }
0x91: {  	s18 =	sld [smem:$0x3FFB];
	_ =	sdelay $0x3  }
0x92: {  	_ =	strace s18  }
0x93: {  	s3 =	sld [smem:$0x3FFC];
	_ =	sdelay $0x3  }
0x94: {  	_ =	strace s3  }
0x95: {  	s3 =	sld [smem:$0x3FFD];
	_ =	sdelay $0x3  }
0x96: {  	_ =	strace s3  }
0x97: {  	_ =	strace $0x8FFFFFFF  }
0x98: {  	s19 =	sld [smem:$0x3FDB];
	_ =	sdelay $0x1  }
0x99: {  	s4 =	simm.s32 $_scs_section_size  }
0x9a: {  	s5 =	simm.s32 $_size__tile_overlayer_lowered;
	s6 =	simm.s32 $_tile_overlayer_lowered  }
0x9b: {  	s22 =	simm.s32 $0x1BFF;
	s21 =	sshll.u32 s6, $0x1;
	s3 =	sadd.s32 s4, s19  }
0x9c: {  	s7 =	simm.s32 $0x0;
	s20 =	sshll.u32 s5, $0x1;
	s5 =	sadd.s32 s21, s3  }
0x9d: {  	[timem:s7], [sflag:s22] =	dma.local [hbm:s5], s20  }
0x9e: {  	_ =	swait.ge [sflag:s22], s20  }
0x9f: {  	s4 =	ssub.s32 $0x0, s20;
	[sflag:s22] =	ssyncset.done $0x0  }
0xa0: {  	[sflag:s22] =	ssyncadd.s32 s4;
	_ =	sdelay $0x1  }
0xa1: {  	s23 =	simm.s32 $0x1B8B  }
0xa2: {  	_ =	swait.ge [sflag:s23], $0x1  }
0xa3: {  	[sflag:s23] =	ssyncset.done $0x0  }
0xa4: {  	s25 =	simm.s32 $0x1B8E;
	s24 =	sld [smem:$0x3FFE];
	[sflag:s23] =	ssyncadd.s32 $0xFFFFFFFF  }
0xa5: {  	s26 =	simm.s32 $execute0_lowered;
	[smem:$0x3FD2] =	sst s25  }
0xa6: {  	s5 =	sshll.u32 s26, $0x1;
	_ =	strace $0x80000049;
	[dreg:$0x1] =	wrdreg $0xFFFFFFFF  }
0xa7: {  	s28 =	simm.s32 $_size_execute0_lowered;
	s3 =	sadd.s32 s3, s5;
	[dreg:$0x0] =	wrdreg $0x0  }
0xa8: {  	s5 =	sshll.u32 s28, $0x1;
	[dreg:$0x2] =	wrdreg s3  }
0xa9: {  	[dreg:$0x3] =	wrdreg s5  }
0xaa: {  	[dreg:$0x4] =	wrdreg $0xC0  }
0xab: {  	_ =	task [dreg:s7], $0x5FFFF  }
0xac: {  	[dreg:$0x1] =	wrdreg $0xFFFFFFFF  }
0xad: {  	[dreg:$0x0] =	wrdreg $0x60  }
0xae: {  	[dreg:$0x2] =	wrdreg s24  }
0xaf: {  	[dreg:$0x3] =	wrdreg s2  }
0xb0: {  	[dreg:$0x4] =	wrdreg $0x9  }
0xb1: {  	_ =	task.clear_ibuf [dreg:s7], $0x5FFFF;
	_ =	strace $0x90000049  }
0xb2: {  	s29 =	simm.s32 $0x9;
	_ =	strace $0x8000004B  }
0xb3: {  	_ =	swait.ge [sflag:s29], $0x1  }
0xb4: {  	[sflag:s29] =	ssyncadd.s32 $0xFFFFFFFF  }
0xb5: {  	_ =	strace $0x9000004B  }
0xb6: {  	_ =	sfence  }
0xb7: {  	s30 =	sld [smem:$0x0];
	_ =	sdelay $0x2  }
0xb8: {  	s31 =	sshll.u32 s1, $0xD;
	s1 =	sshrl.u32 s1, $0x2  }
0xb9: {  	s3 =	sand.u32 $0x4000, s31;
	s1 =	sadd.s32 s1, s30  }
0xba: {  	s0 =	sor.u32 s3, s0;
	s1 =	sshll.u32 s1, $0x11  }
0xbb: {  	s0 =	sor.u32 s1, s0  }
0xbc: {  	s0 =	sadd.s32 $0x8F2B, s0  }
0xbd: {  	[sflag:s0] =	ssyncadd.remote.s32 $0x1  }
0xbe: {  	_ =	sfence.sel $0xFFFF  }
0xbf: {  	[dreg:$0x0] =	wrdreg $0xFFFFFFFF;
	(pc) =	sbr.abs _section_cstart, $3  }
0xc0: {  	[dreg:$0x1] =	wrdreg $0xFFFFFFFF  }
0xc1: {  	_ =	task.clear_ibuf [dreg:s7], $0x2FFFF;
	_ =	strace $0x9FFFFFFF  }
0xc2: {  	(tm) =	ssettm $0x7FFFFFFF  }
0xc3: {  	_ =	shalt  }
tec
execute0_lowered:
.L_overlay_start_1:
0x0: {  	(tag) =	ssettag $0x1  }
0x1: {  	s0 =	rddreg [dreg:$0x0]  }
0x2: {  	s1 =	rddreg [dreg:$0x1];
	s3 =	simm.s32 $0x0  }
0x3: {  	s2 =	srdreg.scid;
	s11 =	stileid.u32;
	s14 =	simm.s32 $0x4  }
0x4: {  	s20 =	simm.s32 $0x1;
	s28 =	simm.s32 $0x15800;
	s29 =	simm.s32 $0x16000  }
0x5: {  	s30 =	simm.s32 $0x16800;
	s31 =	simm.s32 $0x17000;
	s12 =	simm.s32 $0x2  }
0x6: {  	s13 =	simm.s32 $0x3;
	[smem:$0x7FF] =	sst s3;
	s4 =	sadd.s32 $0x381600, s0  }
0x7: {  	s2 =	sand.u32 $0x1, s2;
	s6 =	sshll.u32 s11, $0x1;
	s5 =	sadd.s32 $0x781600, s0  }
0x8: {  	s23 =	sshll.u32 s11, $0x10;
	s11 =	simm.s32 $0x19800;
	_ =	strace $0x8000004A  }
0x9: {  	s6 =	sor.u32 s2, s6;
	s7 =	ssub.s32 $0x2, s2;
	s2 =	sshll.u32 s2, $0xF  }
0xa: {  	s8 =	sshll.u32 s6, $0x2;
	s9 =	sshrl.u32 s7, $0x1;
	s21 =	sshll.u32 s6, $0xF  }
0xb: {  	s10 =	smul.u32 $0x3000, s6;
	s2 =	sor.u32 s2, s23;
	[dreg:$0x3] =	wrdreg s21  }
0xc: {  	s0 =	sadd.s32 s8, s0;
	s8 =	sor.u32 $0x1000, s21;
	[dreg:$0x7] =	wrdreg s2  }
0xd: {  	v1 =	vimm.s32 $0xDAFC9EB8;
	v0 =	vimm.f32 $0.0e+00;
	v2 =	vimm.s32 $0x52741630;
	s7 =	ssub.s32 s7, s9;
	s26 =	sor.u32 $0x800, s2;
	[dreg:$0x5] =	wrdreg s8  }
0xe: {  	v8 =	vlaneseq.u32;
	v4 =	vimm.s32 $0x63052741;
	v6 =	vimm.s32 $0x74163052;
	s21 =	simm.s32 $0x12800;
	s22 =	sadd.s32 s5, s10;
	[dreg:$0xa] =	wrdreg s26  }
0xf: {  	v3 =	vunpack.c.l.s4.s8 v1;
	v1 =	vmul.u32 $0x3, v8;
	v5 =	vunpack.c.l.s4.s8 v2;
	s2 =	simm.s32 $0x18000;
	s24 =	sadd.s32 $0x1600, s0;
	[dreg:$0x4] =	wrdreg s22  }
0x10: {  	v7 =	vunpack.c.l.s4.s8 v4;
	v9 =	vunpack.c.l.s4.s8 v6;
	v8 =	vmul.u32 $0x800, v8;
	s9 =	simm.s32 $0x19000;
	s0 =	sadd.s32 $0x1602, s0;
	[dreg:$0x6] =	wrdreg s24  }
0x11: {  	v2 =	vunpack.c.0.s8.s32 v3;
	v3 =	vadd.s32 $0x1, v1;
	v4 =	vadd.s32 $0x2, v1;
	s25 =	smax.u32 s7, $0x1;
	s7 =	simm.s32 $0x18800;
	[dreg:$0x8] =	wrdreg s0  }
0x12: {  	v5 =	vunpack.c.0.s8.s32 v5;
	v6 =	vunpack.c.0.s8.s32 v7;
	v7 =	vunpack.c.0.s8.s32 v9;
	s8 =	simm.s32 $0x0;
	[dreg:$0x9] =	wrdreg s25;
	s0 =	simm.s32 $0x17800  }
.LBB2_1:
0x13: {  	[dreg:$0xb] =	wrdreg s8;
	[tilespmem:$0x1A800] =	vst v0;
	s6 =	simm.s32 $0x90;
	v9 =	vor.u32 s3, v3;
	v11 =	vor.u32 s3, v4;
	v20 =	vor.u32 s3, v1  }
0x14: {  	[tilespmem:$0x1A810] =	vst v0;
	s22 =	rddreg [dreg:$0x4];
	s23 =	simm.s32 $0x30;
	s24 =	simm.s32 $0x60;
	v10 =	vadd.s32 s6, v3;
	v12 =	vadd.s32 s6, v4;
	v13 =	vadd.s32 s6, v1  }
0x15: {  	[tilespmem:s3], [sflag:$0x4] =	stream.linear.gather [hbm4b:s22+s3], $0x1800, $0x38;
	v14 =	vadd.s32 s23, v3;
	v15 =	vadd.s32 s24, v3;
	v10 =	vand.u32 $0x3FF8, v10;
	[tilespmem:$0x1A820] =	vst v63  }
0x16: {  	v16 =	vadd.s32 s23, v4;
	_ =	swait.ge [sflag:s14], $0x1800;
	v12 =	vand.u32 $0x3FF8, v12;
	v10 =	vor.u32 v6, v10  }
0x17: {  	v17 =	vadd.s32 s24, v4;
	v13 =	vand.u32 $0x3FF8, v13;
	[sflag:s14] =	ssyncset.done $0x0;
	v12 =	vor.u32 v7, v12  }
0x18: {  	s10 =	simm.s32 $0x150;
	v18 =	vadd.s32 s23, v1;
	v19 =	vadd.s32 s24, v1;
	v13 =	vor.u32 v5, v13;
	[sflag:s14] =	ssyncadd.s32 $0xFFFFE800  }
0x19: {  	v20 =	vand.u32 v2, v20;
	v22 =	vadd.s32 s10, v3;
	v14 =	vand.u32 $0x3FF8, v14;
	v9 =	vld.idx.msk [tilespmem:v9+s3+$0x0], $0xffff  }
0x1a: {  	s26 =	simm.s32 $0xF0;
	v25 =	vadd.s32 s10, v1;
	v17 =	vand.u32 $0x3FF8, v17;
	v14 =	vor.u32 v6, v14;
	v11 =	vld.idx.msk [tilespmem:v11+s3+$0x0], $0xffff  }
0x1b: {  	s15 =	simm.s32 $0x120;
	v26 =	vadd.s32 s26, v4;
	v16 =	vand.u32 $0x3FF8, v16;
	v17 =	vor.u32 v7, v17;
	v10 =	vld.idx.msk [tilespmem:v10+s3+$0x0], $0xffff  }
0x1c: {  	v29 =	vadd.s32 s15, v1;
	v15 =	vand.u32 $0x3FF8, v15;
	v16 =	vor.u32 v7, v16;
	v12 =	vld.idx.msk [tilespmem:v12+s3+$0x0], $0xffff  }
0x1d: {  	v18 =	vand.u32 $0x3FF8, v18;
	v19 =	vand.u32 $0x3FF8, v19;
	v15 =	vor.u32 v6, v15;
	v13 =	vld.idx.msk [tilespmem:v13+s3+$0x0], $0xffff  }
0x1e: {  	v25 =	vand.u32 $0x3FF8, v25;
	v26 =	vand.u32 $0x3FF8, v26;
	v18 =	vor.u32 v5, v18;
	v20 =	vld.idx.msk [tilespmem:v20+s3+$0x0], $0xffff  }
0x1f: {  	v19 =	vor.u32 v5, v19;
	v25 =	vor.u32 v5, v25;
	v26 =	vor.u32 v7, v26;
	v14 =	vld.idx.msk [tilespmem:v14+s3+$0x0], $0xffff  }
0x20: {  	s25 =	simm.s32 $0xC0;
	v24 =	vld.idx.msk [tilespmem:v17+s3+$0x0], $0xffff;
	v17 =	vand.u32 $0x3FF8, v22;
	v22 =	vadd.s32 s10, v4;
	v10 =	vmul.u32 $0x1779B1, v10  }
0x21: {  	v16 =	vld.idx.msk [tilespmem:v16+s3+$0x0], $0xffff;
	v21 =	vmul.u32 $0x25795, v11;
	v11 =	vor.u32 s25, v3;
	v12 =	vmul.u32 $0x25795, v12  }
0x22: {  	v22 =	vand.u32 $0x3FF8, v22;
	v10 =	vxor.u32 v13, v10;
	v13 =	vld.idx.msk [tilespmem:v15+s3+$0x0], $0xffff;
	v15 =	vor.u32 s25, v4  }
0x23: {  	v18 =	vld.idx.msk [tilespmem:v18+s3+$0x0], $0xffff;
	v17 =	vor.u32 v6, v17;
	v22 =	vor.u32 v7, v22;
	v10 =	vxor.u32 v12, v10  }
0x24: {  	v19 =	vld.idx.msk [tilespmem:v19+s3+$0x0], $0xffff;
	v12 =	vadd.s32 s26, v3;
	v23 =	vand.u32 $0x1FFFFF, v10;
	v10 =	vadd.s32 s15, v3  }
0x25: {  	v25 =	vld.idx.msk [tilespmem:v25+s3+$0x0], $0xffff;
	v9 =	vmul.u32 $0x1779B1, v9;
	v12 =	vand.u32 $0x3FF8, v12;
	v10 =	vand.u32 $0x3FF8, v10  }
0x26: {  	v27 =	vld.idx.msk [tilespmem:v11+s3+$0x0], $0xffff;
	v11 =	vor.u32 v6, v12;
	v12 =	vor.u32 v6, v10;
	v10 =	vadd.s32 s15, v4  }
0x27: {  	v28 =	vadd.s32 s26, v1;
	v62 =	vand.u32 $0x3FF8, v29;
	v15 =	vld.idx.msk [tilespmem:v15+s3+$0x0], $0xffff;
	v10 =	vand.u32 $0x3FF8, v10  }
0x28: {  	v20 =	vxor.u32 v20, v9;
	v31 =	vld.idx.msk [tilespmem:v17+s3+$0x0], $0xffff;
	v30 =	vor.u32 v7, v10;
	v10 =	vand.u32 $0x3FF8, v28  }
0x29: {  	v9 =	vor.u32 s25, v1;
	v14 =	vmul.u32 $0x1779B1, v14;
	v22 =	vld.idx.msk [tilespmem:v22+s3+$0x0], $0xffff;
	v63 =	vor.u32 v5, v10  }
0x2a: {  	v16 =	vmul.u32 $0x25795, v16;
	v32 =	vmul.u32 $0x1779B1, v13;
	v13 =	vld.idx.msk [tilespmem:v26+s3+$0x0], $0xffff;
	v28 =	vor.u32 v5, v62  }
0x2b: {  	v24 =	vmul.u32 $0x25795, v24;
	v21 =	vxor.u32 v21, v20;
	v17 =	vand.u32 v2, v9;
	v11 =	vld.idx.msk [tilespmem:v11+s3+$0x0], $0xffff  }
0x2c: {  	v10 =	vmul.u32 $0x1779B1, v27;
	v12 =	vld.idx.msk [tilespmem:v12+s3+$0x0], $0xffff;
	v9 =	vmul.u32 $0x25795, v15;
	v15 =	vxor.u32 v18, v14  }
0x2d: {  	s6 =	simm.s32 $0x1820;
	v18 =	vxor.u32 v19, v32;
	v19 =	vmul.u32 $0x1779B1, v31;
	v14 =	vld.idx.msk [tilespmem:v30+s3+$0x0], $0xffff;
	v16 =	vxor.u32 v16, v15  }
0x2e: {  	[tilespmem:s6+$0x10] =	vst v23;
	v24 =	vxor.u32 v24, v18;
	v18 =	vmul.u32 $0x25795, v22;
	v15 =	vld.idx.msk [tilespmem:v63+s3+$0x0], $0xffff;
	v22 =	vand.u32 $0x1FFFFF, v16  }
0x2f: {  	s8 =	simm.s32 $0x40;
	s10 =	simm.s32 $0x180;
	v16 =	vld.idx.msk [tilespmem:v28+s3+$0x0], $0xffff;
	v20 =	vxor.u32 v25, v19;
	v19 =	vand.u32 $0x1FFFFF, v21;
	v21 =	vand.u32 $0x1FFFFF, v24;
	[tilespmem:s6+$0xFFFFFFF0] =	vst v22  }
.LBB2_2:
0x30: {  	v22 =	vor.u32 s10, v3;
	v23 =	vor.u32 s10, v4;
	s15 =	sadd.s32 $0x30, s10;
	s16 =	sadd.s32 $0x90, s10;
	s8 =	sadd.s32 $0x40, s8;
	v24 =	vld.idx.msk [tilespmem:v17+s3+$0x0], $0xffff;
	v17 =	vxor.u32 v18, v20;
	[tilespmem:s6+$0x0] =	vst v21  }
0x31: {  	s17 =	sadd.s32 $0x60, s10;
	v18 =	vadd.s32 s15, v3;
	v20 =	vadd.s32 s16, v3;
	p0 =	slt.u32 s8, $0x7C0;
	v17 =	vand.u32 $0x1FFFFF, v17;
	[tilespmem:s6+$0xFFFFFFE0] =	vst v19;
	s6 =	sadd.s32 $0x40, s6  }
0x32: {  	v19 =	vadd.s32 s17, v3;
	v21 =	vadd.s32 s16, v4;
	v20 =	vand.u32 $0x3FF8, v20;
	[tilespmem:s6+$0x10] =	vst v17  }
0x33: {  	v17 =	vadd.s32 s16, v1;
	v21 =	vand.u32 $0x3FF8, v21;
	v20 =	vor.u32 v6, v20  }
0x34: {  	v18 =	vand.u32 $0x3FF8, v18;
	v17 =	vand.u32 $0x3FF8, v17;
	v21 =	vor.u32 v7, v21  }
0x35: {  	v25 =	vadd.s32 s15, v4;
	v19 =	vand.u32 $0x3FF8, v19;
	v26 =	vor.u32 v5, v17;
	v22 =	vld.idx.msk [tilespmem:v22+s3+$0x0], $0xffff  }
0x36: {  	v18 =	vor.u32 v6, v18;
	v19 =	vor.u32 v6, v19;
	v17 =	vadd.s32 s17, v4;
	v23 =	vld.idx.msk [tilespmem:v23+s3+$0x0], $0xffff  }
0x37: {  	v27 =	vadd.s32 s15, v1;
	v25 =	vand.u32 $0x3FF8, v25;
	v17 =	vand.u32 $0x3FF8, v17  }
0x38: {  	v28 =	vadd.s32 s17, v1;
	v25 =	vor.u32 v7, v25;
	v29 =	vor.u32 v7, v17;
	v20 =	vld.idx.msk [tilespmem:v20+s3+$0x0], $0xffff  }
0x39: {  	v27 =	vand.u32 $0x3FF8, v27;
	v28 =	vand.u32 $0x3FF8, v28;
	v17 =	vor.u32 s10, v1;
	v21 =	vld.idx.msk [tilespmem:v21+s3+$0x0], $0xffff  }
0x3a: {  	v27 =	vor.u32 v5, v27;
	v28 =	vor.u32 v5, v28;
	v17 =	vand.u32 v2, v17;
	v26 =	vld.idx.msk [tilespmem:v26+s3+$0x0], $0xffff  }
0x3b: {  	v30 =	vmul.u32 $0x1779B1, v11;
	v22 =	vmul.u32 $0x1779B1, v22;
	v11 =	vld.idx.msk [tilespmem:v18+s3+$0x0], $0xffff;
	v18 =	vmul.u32 $0x1779B1, v12  }
.Ltmp0:
0x3c: {  	v31 =	vmul.u32 $0x25795, v14;
	v23 =	vmul.u32 $0x25795, v23;
	v12 =	vld.idx.msk [tilespmem:v19+s3+$0x0], $0xffff;
	v19 =	vmul.u32 $0x25795, v13;
	(pc) =	sbr.rel @p0 .LBB2_2-.Ltmp0, $4  }
0x3d: {  	v30 =	vxor.u32 v15, v30;
	v24 =	vxor.u32 v24, v10;
	v13 =	vld.idx.msk [tilespmem:v25+s3+$0x0], $0xffff;
	v15 =	vxor.u32 v16, v18  }
0x3e: {  	v10 =	vmovc v22;
	v20 =	vmul.u32 $0x1779B1, v20;
	v14 =	vld.idx.msk [tilespmem:v29+s3+$0x0], $0xffff;
	v16 =	vxor.u32 v19, v30;
	v25 =	vxor.u32 v31, v15  }
0x3f: {  	v18 =	vmul.u32 $0x25795, v21;
	v19 =	vxor.u32 v9, v24;
	v9 =	vmovc v23;
	v15 =	vld.idx.msk [tilespmem:v27+s3+$0x0], $0xffff;
	v21 =	vand.u32 $0x1FFFFF, v16  }
0x40: {  	s10 =	sadd.s32 $0xC0, s10;
	v20 =	vxor.u32 v26, v20;
	v19 =	vand.u32 $0x1FFFFF, v19;
	v16 =	vld.idx.msk [tilespmem:v28+s3+$0x0], $0xffff;
	[tilespmem:s6+$0xFFFFFFF0] =	vst v21;
	v21 =	vand.u32 $0x1FFFFF, v25  }
0x41: {  	_ =	sdelay $0x3  }
0x42: {  	v17 =	vld.idx.msk [tilespmem:v17+s3+$0x0], $0xffff  }
0x43: {  	v11 =	vmul.u32 $0x1779B1, v11  }
0x44: {  	v12 =	vmul.u32 $0x1779B1, v12;
	v13 =	vmul.u32 $0x25795, v13  }
0x45: {  	v18 =	vxor.u32 v18, v20;
	[tilespmem:s6+$0x0] =	vst v21;
	v14 =	vmul.u32 $0x25795, v14;
	v11 =	vxor.u32 v15, v11  }
0x46: {  	[tilespmem:s6+$0xFFFFFFE0] =	vst v19;
	s25 =	sadd.s32 $0x40, s6;
	v63 =	vand.u32 $0x1FFFFF, v18;
	v12 =	vxor.u32 v16, v12;
	v11 =	vxor.u32 v13, v11  }
0x47: {  	[tilespmem:s25+$0x10] =	vst v63;
	v10 =	vxor.u32 v17, v10;
	v12 =	vxor.u32 v14, v12;
	v11 =	vand.u32 $0x1FFFFF, v11  }
0x48: {  	v9 =	vxor.u32 v9, v10;
	[tilespmem:s25+$0xFFFFFFF0] =	vst v11;
	v10 =	vand.u32 $0x1FFFFF, v12  }
0x49: {  	v9 =	vand.u32 $0x1FFFFF, v9;
	[tilespmem:s25+$0x0] =	vst v10  }
0x4a: {  	s26 =	simm.s32 $0x800;
	s8 =	simm.s32 $0x1800;
	s10 =	simm.s32 $0x2800;
	[tilespmem:s25+$0xFFFFFFE0] =	vst v9  }
0x4b: {  	[tilespmem:s10], [sflag:$0x1] =	stream.indirect.gather [hbm4b:s4+s26], $0x10, s8, s26, $0xb8;
	[tilespmem:$0x1A820] =	vst v63  }
0x4c: {  	s16 =	rddreg [dreg:$0xa]  }
0x4d: {  	s10 =	simm.s32 $0x0;
	s17 =	rddreg [dreg:$0x7];
	s8 =	simm.s32 $0x0  }
.LBB2_4:
0x4e: {  	s19 =	sshll.u32 s8, $0xC;
	s6 =	rddreg [dreg:$0x3]  }
0x4f: {  	s15 =	sor.u32 s19, s6  }
0x50: {  	s18 =	sor.u32 $0x800, s15  }
0x51: {  	s22 =	smul.u32 $0x3, s18  }
0x52: {  	s23 =	simm.s32 $0x30  }
0x53: {  	v9 =	vor.u32 s10, v3;
	v11 =	vor.u32 s10, v4;
	s24 =	simm.s32 $0x60;
	v20 =	vor.u32 s10, v1;
	s6 =	sshrl.u32 s22, $0x3;
	s22 =	simm.s32 $0x90  }
0x54: {  	v14 =	vadd.s32 s23, v3;
	v15 =	vadd.s32 s24, v3;
	s6 =	sadd.s32 s5, s6;
	v10 =	vadd.s32 s22, v3  }
0x55: {  	v16 =	vadd.s32 s23, v4;
	v12 =	vadd.s32 s22, v4;
	[tilespmem:s10], [sflag:$0x4] =	stream.linear.gather [hbm4b:s6+s10], $0x1800, $0x38;
	v10 =	vand.u32 $0x3FF8, v10;
	[tilespmem:$0x1A820] =	vst v63  }
0x56: {  	v13 =	vadd.s32 s22, v1;
	v12 =	vand.u32 $0x3FF8, v12;
	_ =	swait.ge [sflag:s14], $0x1800;
	v10 =	vor.u32 v6, v10  }
0x57: {  	v17 =	vadd.s32 s24, v4;
	v13 =	vand.u32 $0x3FF8, v13;
	v12 =	vor.u32 v7, v12;
	[sflag:s14] =	ssyncset.done $0x0  }
0x58: {  	v18 =	vadd.s32 s23, v1;
	v14 =	vand.u32 $0x3FF8, v14;
	v13 =	vor.u32 v5, v13;
	[sflag:s14] =	ssyncadd.s32 $0xFFFFE800  }
0x59: {  	v19 =	vadd.s32 s24, v1;
	v16 =	vand.u32 $0x3FF8, v16;
	v14 =	vor.u32 v6, v14;
	v9 =	vld.idx.msk [tilespmem:v9+s3+$0x0], $0xffff  }
0x5a: {  	s26 =	simm.s32 $0xF0;
	v20 =	vand.u32 v2, v20;
	v17 =	vand.u32 $0x3FF8, v17;
	v16 =	vor.u32 v7, v16;
	v11 =	vld.idx.msk [tilespmem:v11+s3+$0x0], $0xffff  }
0x5b: {  	v26 =	vadd.s32 s26, v4;
	v18 =	vand.u32 $0x3FF8, v18;
	v17 =	vor.u32 v7, v17;
	v10 =	vld.idx.msk [tilespmem:v10+s3+$0x0], $0xffff  }
0x5c: {  	s23 =	simm.s32 $0x150;
	v28 =	vadd.s32 s26, v1;
	v15 =	vand.u32 $0x3FF8, v15;
	v18 =	vor.u32 v5, v18;
	v12 =	vld.idx.msk [tilespmem:v12+s3+$0x0], $0xffff  }
0x5d: {  	v19 =	vand.u32 $0x3FF8, v19;
	v25 =	vadd.s32 s23, v1;
	v15 =	vor.u32 v6, v15;
	v13 =	vld.idx.msk [tilespmem:v13+s3+$0x0], $0xffff  }
0x5e: {  	s24 =	simm.s32 $0x120;
	v22 =	vadd.s32 s23, v3;
	v26 =	vand.u32 $0x3FF8, v26;
	v25 =	vand.u32 $0x3FF8, v25;
	v14 =	vld.idx.msk [tilespmem:v14+s3+$0x0], $0xffff  }
0x5f: {  	v29 =	vadd.s32 s24, v1;
	v19 =	vor.u32 v5, v19;
	v25 =	vor.u32 v5, v25;
	v16 =	vld.idx.msk [tilespmem:v16+s3+$0x0], $0xffff  }
0x60: {  	s25 =	simm.s32 $0xC0;
	v24 =	vld.idx.msk [tilespmem:v17+s3+$0x0], $0xffff;
	v17 =	vand.u32 $0x3FF8, v22;
	v22 =	vadd.s32 s23, v4;
	v10 =	vmul.u32 $0x1779B1, v10  }
0x61: {  	v18 =	vld.idx.msk [tilespmem:v18+s3+$0x0], $0xffff;
	v21 =	vmul.u32 $0x25795, v11;
	v11 =	vor.u32 s25, v3;
	v12 =	vmul.u32 $0x25795, v12  }
0x62: {  	v22 =	vand.u32 $0x3FF8, v22;
	v10 =	vxor.u32 v13, v10;
	v13 =	vld.idx.msk [tilespmem:v15+s3+$0x0], $0xffff;
	v15 =	vor.u32 s25, v4  }
0x63: {  	v20 =	vld.idx.msk [tilespmem:v20+s3+$0x0], $0xffff;
	v17 =	vor.u32 v6, v17;
	v22 =	vor.u32 v7, v22;
	v10 =	vxor.u32 v12, v10  }
0x64: {  	v19 =	vld.idx.msk [tilespmem:v19+s3+$0x0], $0xffff;
	v12 =	vadd.s32 s26, v3;
	v23 =	vand.u32 $0x1FFFFF, v10;
	v10 =	vadd.s32 s24, v3  }
0x65: {  	v26 =	vor.u32 v7, v26;
	v25 =	vld.idx.msk [tilespmem:v25+s3+$0x0], $0xffff;
	v12 =	vand.u32 $0x3FF8, v12;
	v10 =	vand.u32 $0x3FF8, v10  }
0x66: {  	v27 =	vld.idx.msk [tilespmem:v11+s3+$0x0], $0xffff;
	v11 =	vor.u32 v6, v12;
	v12 =	vor.u32 v6, v10;
	v10 =	vadd.s32 s24, v4  }
0x67: {  	v62 =	vand.u32 $0x3FF8, v29;
	v9 =	vmul.u32 $0x1779B1, v9;
	v15 =	vld.idx.msk [tilespmem:v15+s3+$0x0], $0xffff;
	v10 =	vand.u32 $0x3FF8, v10  }
0x68: {  	v14 =	vmul.u32 $0x1779B1, v14;
	v31 =	vld.idx.msk [tilespmem:v17+s3+$0x0], $0xffff;
	v30 =	vor.u32 v7, v10;
	v10 =	vand.u32 $0x3FF8, v28  }
0x69: {  	v16 =	vmul.u32 $0x25795, v16;
	v20 =	vxor.u32 v20, v9;
	v22 =	vld.idx.msk [tilespmem:v22+s3+$0x0], $0xffff;
	v63 =	vor.u32 v5, v10  }
0x6a: {  	v9 =	vor.u32 s25, v1;
	v32 =	vmul.u32 $0x1779B1, v13;
	v13 =	vld.idx.msk [tilespmem:v26+s3+$0x0], $0xffff;
	v28 =	vor.u32 v5, v62  }
0x6b: {  	v24 =	vmul.u32 $0x25795, v24;
	v17 =	vand.u32 v2, v9;
	v21 =	vxor.u32 v21, v20;
	v11 =	vld.idx.msk [tilespmem:v11+s3+$0x0], $0xffff  }
0x6c: {  	v10 =	vmul.u32 $0x1779B1, v27;
	v12 =	vld.idx.msk [tilespmem:v12+s3+$0x0], $0xffff;
	v9 =	vmul.u32 $0x25795, v15;
	v15 =	vxor.u32 v18, v14  }
0x6d: {  	s6 =	simm.s32 $0x2020;
	v18 =	vxor.u32 v19, v32;
	v19 =	vmul.u32 $0x1779B1, v31;
	v14 =	vld.idx.msk [tilespmem:v30+s3+$0x0], $0xffff;
	v16 =	vxor.u32 v16, v15  }
0x6e: {  	[tilespmem:s6+$0x10] =	vst v23;
	v24 =	vxor.u32 v24, v18;
	v18 =	vmul.u32 $0x25795, v22;
	v15 =	vld.idx.msk [tilespmem:v63+s3+$0x0], $0xffff;
	v22 =	vand.u32 $0x1FFFFF, v16  }
0x6f: {  	s22 =	simm.s32 $0x40;
	s23 =	simm.s32 $0x180;
	v16 =	vld.idx.msk [tilespmem:v28+s3+$0x0], $0xffff;
	v20 =	vxor.u32 v25, v19;
	v19 =	vand.u32 $0x1FFFFF, v21;
	v21 =	vand.u32 $0x1FFFFF, v24;
	[tilespmem:s6+$0xFFFFFFF0] =	vst v22  }
.LBB2_5:
0x70: {  	v22 =	vor.u32 s23, v3;
	v23 =	vor.u32 s23, v4;
	s24 =	sadd.s32 $0x30, s23;
	s25 =	sadd.s32 $0x90, s23;
	s22 =	sadd.s32 $0x40, s22;
	v24 =	vld.idx.msk [tilespmem:v17+s3+$0x0], $0xffff;
	v17 =	vxor.u32 v18, v20;
	[tilespmem:s6+$0x0] =	vst v21  }
0x71: {  	s26 =	sadd.s32 $0x60, s23;
	v18 =	vadd.s32 s24, v3;
	v20 =	vadd.s32 s25, v3;
	p0 =	slt.u32 s22, $0x7C0;
	v17 =	vand.u32 $0x1FFFFF, v17;
	[tilespmem:s6+$0xFFFFFFE0] =	vst v19;
	s6 =	sadd.s32 $0x40, s6  }
0x72: {  	v19 =	vadd.s32 s26, v3;
	v21 =	vadd.s32 s25, v4;
	v20 =	vand.u32 $0x3FF8, v20;
	[tilespmem:s6+$0x10] =	vst v17  }
0x73: {  	v17 =	vadd.s32 s25, v1;
	v21 =	vand.u32 $0x3FF8, v21;
	v20 =	vor.u32 v6, v20  }
0x74: {  	v18 =	vand.u32 $0x3FF8, v18;
	v17 =	vand.u32 $0x3FF8, v17;
	v21 =	vor.u32 v7, v21  }
0x75: {  	v25 =	vadd.s32 s24, v4;
	v19 =	vand.u32 $0x3FF8, v19;
	v26 =	vor.u32 v5, v17;
	v22 =	vld.idx.msk [tilespmem:v22+s3+$0x0], $0xffff  }
0x76: {  	v18 =	vor.u32 v6, v18;
	v19 =	vor.u32 v6, v19;
	v17 =	vadd.s32 s26, v4;
	v23 =	vld.idx.msk [tilespmem:v23+s3+$0x0], $0xffff  }
0x77: {  	v27 =	vadd.s32 s24, v1;
	v25 =	vand.u32 $0x3FF8, v25;
	v17 =	vand.u32 $0x3FF8, v17  }
0x78: {  	v28 =	vadd.s32 s26, v1;
	v25 =	vor.u32 v7, v25;
	v29 =	vor.u32 v7, v17;
	v20 =	vld.idx.msk [tilespmem:v20+s3+$0x0], $0xffff  }
0x79: {  	v27 =	vand.u32 $0x3FF8, v27;
	v28 =	vand.u32 $0x3FF8, v28;
	v17 =	vor.u32 s23, v1;
	v21 =	vld.idx.msk [tilespmem:v21+s3+$0x0], $0xffff  }
0x7a: {  	v27 =	vor.u32 v5, v27;
	v28 =	vor.u32 v5, v28;
	v17 =	vand.u32 v2, v17;
	v26 =	vld.idx.msk [tilespmem:v26+s3+$0x0], $0xffff  }
0x7b: {  	v30 =	vmul.u32 $0x1779B1, v11;
	v22 =	vmul.u32 $0x1779B1, v22;
	v11 =	vld.idx.msk [tilespmem:v18+s3+$0x0], $0xffff;
	v18 =	vmul.u32 $0x1779B1, v12  }
.Ltmp1:
0x7c: {  	v31 =	vmul.u32 $0x25795, v14;
	v23 =	vmul.u32 $0x25795, v23;
	v12 =	vld.idx.msk [tilespmem:v19+s3+$0x0], $0xffff;
	v19 =	vmul.u32 $0x25795, v13;
	(pc) =	sbr.rel @p0 .LBB2_5-.Ltmp1, $4  }
0x7d: {  	v30 =	vxor.u32 v15, v30;
	v24 =	vxor.u32 v24, v10;
	v13 =	vld.idx.msk [tilespmem:v25+s3+$0x0], $0xffff;
	v15 =	vxor.u32 v16, v18  }
0x7e: {  	v10 =	vmovc v22;
	v20 =	vmul.u32 $0x1779B1, v20;
	v14 =	vld.idx.msk [tilespmem:v29+s3+$0x0], $0xffff;
	v16 =	vxor.u32 v19, v30;
	v25 =	vxor.u32 v31, v15  }
0x7f: {  	v18 =	vmul.u32 $0x25795, v21;
	v19 =	vxor.u32 v9, v24;
	v9 =	vmovc v23;
	v15 =	vld.idx.msk [tilespmem:v27+s3+$0x0], $0xffff;
	v21 =	vand.u32 $0x1FFFFF, v16  }
0x80: {  	s23 =	sadd.s32 $0xC0, s23;
	v20 =	vxor.u32 v26, v20;
	v19 =	vand.u32 $0x1FFFFF, v19;
	v16 =	vld.idx.msk [tilespmem:v28+s3+$0x0], $0xffff;
	[tilespmem:s6+$0xFFFFFFF0] =	vst v21;
	v21 =	vand.u32 $0x1FFFFF, v25  }
0x81: {  	_ =	sdelay $0x3  }
0x82: {  	v17 =	vld.idx.msk [tilespmem:v17+s3+$0x0], $0xffff  }
0x83: {  	v11 =	vmul.u32 $0x1779B1, v11  }
0x84: {  	v12 =	vmul.u32 $0x1779B1, v12;
	v13 =	vmul.u32 $0x25795, v13  }
0x85: {  	v18 =	vxor.u32 v18, v20;
	[tilespmem:s6+$0x0] =	vst v21;
	v14 =	vmul.u32 $0x25795, v14;
	v11 =	vxor.u32 v15, v11  }
0x86: {  	[tilespmem:s6+$0xFFFFFFE0] =	vst v19;
	s23 =	sadd.s32 $0x40, s6;
	v15 =	vand.u32 $0x1FFFFF, v18;
	v12 =	vxor.u32 v16, v12;
	v11 =	vxor.u32 v13, v11  }
0x87: {  	[tilespmem:s23+$0x10] =	vst v15;
	v10 =	vxor.u32 v17, v10;
	v12 =	vxor.u32 v14, v12;
	v11 =	vand.u32 $0x1FFFFF, v11  }
0x88: {  	v9 =	vxor.u32 v9, v10;
	[tilespmem:s23+$0xFFFFFFF0] =	vst v11;
	v10 =	vand.u32 $0x1FFFFF, v12  }
0x89: {  	v9 =	vand.u32 $0x1FFFFF, v9;
	[tilespmem:s23+$0x0] =	vst v10  }
0x8a: {  	s24 =	simm.s32 $0x800;
	s22 =	simm.s32 $0x2000;
	[tilespmem:s23+$0xFFFFFFE0] =	vst v9;
	s23 =	simm.s32 $0xA800  }
0x8b: {  	[tilespmem:s23], [sflag:$0x2] =	stream.indirect.gather [hbm4b:s4+s24], $0x10, s22, s24, $0xb8;
	[tilespmem:$0x1A820] =	vst v63  }
0x8c: {  	_ =	swait.ge [sflag:s20], $0x8000  }
0x8d: {  	[sflag:s20] =	ssyncset.done $0x0  }
0x8e: {  	s23 =	simm.s32 $0x2840;
	[sflag:s20] =	ssyncadd.s32 $0xFFFF8000  }
0x8f: {  	v9 =	vld [tilespmem:s23+$0xFFFFFFC0]  }
0x90: {  	v10 =	vld [tilespmem:$0x1A800]  }
0x91: {  	s25 =	simm.s32 $0x0;
	v11 =	vld [tilespmem:s23+$0xFFFFFFD0]  }
0x92: {  	s26 =	sadd.s32 $0x0, s17;
	v14 =	vor.u32 s25, v8;
	s24 =	simm.s32 $0x1;
	v12 =	vld [tilespmem:s23+$0xFFFFFFE0]  }
0x93: {  	p0 =	slt.u32 s26, $0xF4240;
	s26 =	simm.s32 $0x3;
	s25 =	simm.s32 $0x2;
	v15 =	vor.u32 s24, v8;
	v13 =	vld [tilespmem:$0x1A810]  }
0x94: {  	v19 =	vor.u32 s26, v8;
	s26 =	simm.s32 $0x5;
	v18 =	vor.u32 s25, v8;
	s22 =	simm.f32 $1.000000000e+00;
	v17 =	vld [tilespmem:s23+$0xFFFFFFF0]  }
0x95: {  	v26 =	vor.u32 s26, v8;
	s25 =	simm.s32 $0x4;
	s22 =	simm.s32 @!p0 $0x0;
	v23 =	vld [tilespmem:s23+$0x0];
	v16 =	vmul.f32 v9, v9  }
0x96: {  	v22 =	vor.u32 s25, v8;
	s24 =	simm.s32 $0x6;
	v20 =	vmul.f32 s22, v9;
	v21 =	vmul.f32 v11, v11  }
0x97: {  	v28 =	vor.u32 s24, v8;
	v24 =	vmul.f32 s22, v11;
	[tilespmem:v14+s21+$0x0] =	vst.idx.msk $0xffff, v9;
	v16 =	vmul.f32 s22, v16  }
0x98: {  	v27 =	vld [tilespmem:s23+$0x10];
	v25 =	vmul.f32 v12, v12;
	v9 =	vmul.f32 s22, v12;
	[tilespmem:v15+s21+$0x0] =	vst.idx.msk $0xffff, v11;
	v10 =	vadd.f32 v20, v10  }
0x99: {  	[tilespmem:v18+s21+$0x0] =	vst.idx.msk $0xffff, v12;
	v12 =	vmul.f32 s22, v17;
	v13 =	vadd.f32 v16, v13;
	v16 =	vmul.f32 s22, v21  }
0x9a: {  	s25 =	simm.s32 $0x7;
	v14 =	vld [tilespmem:s23+$0x20];
	v18 =	vmul.f32 v23, v23;
	v20 =	vmul.f32 v17, v17;
	v11 =	vadd.f32 v24, v10  }
0x9b: {  	v15 =	vmul.f32 s22, v25;
	v10 =	vor.u32 s25, v8;
	v13 =	vadd.f32 v16, v13  }
0x9c: {  	s6 =	simm.s32 $0x8;
	[tilespmem:v19+s21+$0x0] =	vst.idx.msk $0xffff, v17;
	v20 =	vmul.f32 s22, v20;
	v21 =	vmul.f32 s22, v18;
	v17 =	vadd.f32 v9, v11  }
0x9d: {  	[tilespmem:v22+s21+$0x0] =	vst.idx.msk $0xffff, v23;
	v18 =	vmul.f32 s22, v27;
	v9 =	vor.u32 s6, v8;
	v11 =	vld [tilespmem:s23+$0x30];
	v13 =	vadd.f32 v15, v13  }
0x9e: {  	s26 =	simm.s32 $0x9;
	[tilespmem:v26+s21+$0x0] =	vst.idx.msk $0xffff, v27;
	v16 =	vmul.f32 s22, v23;
	s23 =	simm.s32 $0x28C0;
	v15 =	vmul.f32 v27, v27;
	v19 =	vadd.f32 v12, v17  }
0x9f: {  	s24 =	simm.s32 $0x10;
	[tilespmem:v28+s21+$0x0] =	vst.idx.msk $0xffff, v14;
	v12 =	vld [tilespmem:s23+$0xFFFFFFC0];
	v17 =	vmul.f32 v14, v14;
	v20 =	vadd.f32 v20, v13;
	v13 =	vor.u32 s26, v8  }
.LBB2_7:
0xa0: {  	v16 =	vadd.f32 v16, v19  }
0xa1: {  	p0 =	slt.u32 s24, $0x7F8;
	v22 =	vld [tilespmem:s23+$0xFFFFFFD0];
	s25 =	sadd.s32 $0x2, s6;
	v19 =	vadd.f32 v21, v20;
	v15 =	vmul.f32 s22, v15;
	v14 =	vmul.f32 s22, v14  }
0xa2: {  	v20 =	vor.u32 s25, v8;
	[tilespmem:v10+s21+$0x0] =	vst.idx.msk $0xffff, v11;
	v10 =	vmul.f32 v11, v11;
	v17 =	vmul.f32 s22, v17  }
0xa3: {  	s26 =	sadd.s32 $0x3, s6;
	s25 =	sadd.s32 s6, s17;
	v11 =	vmul.f32 s22, v11;
	v21 =	vld [tilespmem:s23+$0xFFFFFFE0];
	v16 =	vadd.f32 v18, v16;
	v15 =	vadd.f32 v15, v19  }
0xa4: {  	p1 =	slt.u32 s25, $0xF4240;
	v18 =	vor.u32 s26, v8;
	[tilespmem:v9+s21+$0x0] =	vst.idx.msk $0xffff, v12;
	v9 =	vmul.f32 v12, v12;
	v10 =	vmul.f32 s22, v10;
	s22 =	simm.f32 $1.000000000e+00  }
0xa5: {  	s25 =	sadd.s32 $0x4, s6;
	v19 =	vld [tilespmem:s23+$0xFFFFFFF0];
	v14 =	vadd.f32 v14, v16;
	v15 =	vadd.f32 v17, v15;
	s22 =	simm.s32 @!p1 $0x0  }
0xa6: {  	v16 =	vor.u32 s25, v8;
	v12 =	vmul.f32 s22, v12;
	[tilespmem:v13+s21+$0x0] =	vst.idx.msk $0xffff, v22;
	v13 =	vmul.f32 v22, v22  }
0xa7: {  	s25 =	sadd.s32 $0x5, s6;
	v9 =	vmul.f32 s22, v9;
	v17 =	vld [tilespmem:s23+$0x0];
	v11 =	vadd.f32 v11, v14;
	v10 =	vadd.f32 v10, v15  }
0xa8: {  	v14 =	vmul.f32 s22, v22;
	[tilespmem:v20+s21+$0x0] =	vst.idx.msk $0xffff, v21;
	v15 =	vmul.f32 v21, v21;
	v20 =	vor.u32 s25, v8  }
0xa9: {  	s25 =	sadd.s32 $0x6, s6;
	v11 =	vadd.f32 v12, v11;
	v9 =	vadd.f32 v9, v10;
	v10 =	vmul.f32 s22, v13;
	v22 =	vld [tilespmem:s23+$0x10]  }
0xaa: {  	v12 =	vmul.f32 s22, v21;
	v23 =	vor.u32 s25, v8;
	[tilespmem:v18+s21+$0x0] =	vst.idx.msk $0xffff, v19;
	v13 =	vmul.f32 v19, v19  }
0xab: {  	s25 =	sadd.s32 $0x7, s6;
	s6 =	smov.u32 s24;
	v15 =	vmul.f32 s22, v15;
	v11 =	vadd.f32 v14, v11;
	v9 =	vadd.f32 v10, v9;
	v14 =	vld [tilespmem:s23+$0x20]  }
.Ltmp2:
0xac: {  	v18 =	vmul.f32 s22, v19;
	v10 =	vor.u32 s25, v8;
	[tilespmem:v16+s21+$0x0] =	vst.idx.msk $0xffff, v17;
	v21 =	vmul.f32 v17, v17;
	(pc) =	sbr.rel @p0 .LBB2_7-.Ltmp2, $4  }
0xad: {  	v13 =	vmul.f32 s22, v13;
	v19 =	vadd.f32 v12, v11;
	v24 =	vadd.f32 v15, v9;
	v11 =	vld [tilespmem:s23+$0x30]  }
0xae: {  	v16 =	vmul.f32 s22, v17;
	v9 =	vor.u32 s24, v8;
	s23 =	sadd.s32 $0x80, s23;
	[tilespmem:v20+s21+$0x0] =	vst.idx.msk $0xffff, v22;
	v15 =	vmul.f32 v22, v22  }
0xaf: {  	s25 =	sadd.s32 $0x1, s24;
	v21 =	vmul.f32 s22, v21;
	v12 =	vld [tilespmem:s23+$0xFFFFFFC0];
	v19 =	vadd.f32 v18, v19;
	v20 =	vadd.f32 v13, v24  }
0xb0: {  	s24 =	sadd.s32 $0x8, s24;
	v13 =	vor.u32 s25, v8;
	v18 =	vmul.f32 s22, v22;
	[tilespmem:v23+s21+$0x0] =	vst.idx.msk $0xffff, v14;
	v17 =	vmul.f32 v14, v14  }
0xb1: {  	v16 =	vadd.f32 v16, v19  }
0xb2: {  	v36 =	vadd.f32 v21, v20;
	v15 =	vmul.f32 s22, v15  }
0xb3: {  	v37 =	vld [tilespmem:s23+$0xFFFFFFD0];
	v14 =	vmul.f32 s22, v14;
	v16 =	vadd.f32 v18, v16  }
0xb4: {  	s24 =	sadd.s32 s6, s17;
	v38 =	vmul.f32 v11, v11;
	v17 =	vmul.f32 s22, v17;
	v15 =	vadd.f32 v15, v36  }
0xb5: {  	v39 =	vld [tilespmem:s23+$0xFFFFFFE0];
	p0 =	slt.u32 s24, $0xF4240;
	v40 =	vmul.f32 s22, v11;
	s24 =	simm.f32 $1.000000000e+00;
	v14 =	vadd.f32 v14, v16  }
0xb6: {  	s24 =	simm.s32 @!p0 $0x0;
	v41 =	vmul.f32 v12, v12;
	v42 =	vmul.f32 s22, v38;
	v15 =	vadd.f32 v17, v15  }
0xb7: {  	v43 =	vld [tilespmem:s23+$0xFFFFFFF0];
	v22 =	vmul.f32 s24, v12;
	v14 =	vadd.f32 v40, v14  }
0xb8: {  	s25 =	sadd.s32 $0x2, s6;
	v44 =	vmul.f32 v37, v37;
	v16 =	vmul.f32 s24, v41;
	v15 =	vadd.f32 v42, v15  }
0xb9: {  	v23 =	vld [tilespmem:s23+$0x0];
	v45 =	vor.u32 s25, v8;
	v24 =	vmul.f32 s24, v37;
	v14 =	vadd.f32 v22, v14  }
0xba: {  	s26 =	sadd.s32 $0x3, s6;
	v46 =	vmul.f32 v39, v39;
	v47 =	vmul.f32 s24, v44;
	v15 =	vadd.f32 v16, v15  }
0xbb: {  	v25 =	vld [tilespmem:s23+$0x10];
	v48 =	vor.u32 s26, v8;
	v26 =	vmul.f32 s24, v39;
	v14 =	vadd.f32 v24, v14  }
0xbc: {  	s25 =	sadd.s32 $0x4, s6;
	v49 =	vmul.f32 v43, v43;
	v50 =	vmul.f32 s24, v46;
	v15 =	vadd.f32 v47, v15  }
0xbd: {  	v27 =	vld [tilespmem:s23+$0x20];
	v51 =	vor.u32 s25, v8;
	v28 =	vmul.f32 s24, v43;
	v14 =	vadd.f32 v26, v14  }
0xbe: {  	s26 =	sadd.s32 $0x5, s6;
	v52 =	vmul.f32 v23, v23;
	v53 =	vmul.f32 s24, v49;
	v15 =	vadd.f32 v50, v15  }
0xbf: {  	v29 =	vld [tilespmem:s23+$0x30];
	v54 =	vor.u32 s26, v8;
	v55 =	vmul.f32 s24, v23;
	v14 =	vadd.f32 v28, v14  }
0xc0: {  	s23 =	sadd.s32 $0x6, s6;
	[tilespmem:v10+s21+$0x0] =	vst.idx.msk $0xffff, v11;
	v11 =	vmul.f32 v25, v25;
	v56 =	vmul.f32 s24, v52;
	v10 =	vadd.f32 v53, v15  }
0xc1: {  	[tilespmem:v9+s21+$0x0] =	vst.idx.msk $0xffff, v12;
	v9 =	vor.u32 s23, v8;
	v58 =	vmul.f32 s24, v25;
	v57 =	vadd.f32 v55, v14  }
0xc2: {  	s25 =	sadd.s32 $0x7, s6;
	[tilespmem:v13+s21+$0x0] =	vst.idx.msk $0xffff, v37;
	v59 =	vmul.f32 v27, v27;
	v11 =	vmul.f32 s24, v11;
	v10 =	vadd.f32 v56, v10  }
0xc3: {  	v60 =	vor.u32 s25, v8;
	v61 =	vmul.f32 s24, v27;
	[tilespmem:v45+s21+$0x0] =	vst.idx.msk $0xffff, v39;
	v12 =	vadd.f32 v58, v57  }
0xc4: {  	v62 =	vmul.f32 v29, v29;
	[tilespmem:v48+s21+$0x0] =	vst.idx.msk $0xffff, v43;
	v10 =	vadd.f32 v11, v10;
	v11 =	vmul.f32 s24, v59  }
0xc5: {  	v63 =	vmul.f32 s24, v29;
	[tilespmem:v51+s21+$0x0] =	vst.idx.msk $0xffff, v23;
	v12 =	vadd.f32 v61, v12  }
0xc6: {  	[tilespmem:v54+s21+$0x0] =	vst.idx.msk $0xffff, v25;
	v10 =	vadd.f32 v11, v10;
	v11 =	vmul.f32 s24, v62  }
0xc7: {  	[tilespmem:v9+s21+$0x0] =	vst.idx.msk $0xffff, v27;
	v9 =	vadd.f32 v63, v12  }
0xc8: {  	[tilespmem:v60+s21+$0x0] =	vst.idx.msk $0xffff, v29;
	v10 =	vadd.f32 v11, v10  }
0xc9: {  	s6 =	sshrl.u32 s15, $0x3;
	[tilespmem:$0x1A800] =	vst v9  }
0xca: {  	s15 =	sadd.s32 s1, s6;
	s26 =	sor.u32 $0x20000, s6;
	[tilespmem:$0x1A810] =	vst v10  }
0xcb: {  	[hbm4b:s15+s3] =	stream.linear.scatter [tilespmem:s21], [sflag:$0x3], $0x800, $0x38;
	[tilespmem:$0x1A820] =	vst v63  }
0xcc: {  	s25 =	simm.s32 $0x13000;
	s22 =	sor.u32 $0x40000, s6;
	s15 =	sadd.s32 s1, s26  }
0xcd: {  	[hbm4b:s15+s3] =	stream.linear.scatter [tilespmem:s25], [sflag:$0x3], $0x800, $0x38;
	[tilespmem:$0x1A820] =	vst v63  }
0xce: {  	s23 =	sor.u32 $0x60000, s6;
	s26 =	simm.s32 $0x13800;
	s15 =	sadd.s32 s1, s22  }
0xcf: {  	[hbm4b:s15+s3] =	stream.linear.scatter [tilespmem:s26], [sflag:$0x3], $0x800, $0x38;
	[tilespmem:$0x1A820] =	vst v63  }
0xd0: {  	s24 =	simm.s32 $0x14000;
	s15 =	sadd.s32 s1, s23;
	s23 =	sor.u32 $0x80000, s6  }
0xd1: {  	[hbm4b:s15+s3] =	stream.linear.scatter [tilespmem:s24], [sflag:$0x3], $0x800, $0x38;
	[tilespmem:$0x1A820] =	vst v63  }
0xd2: {  	s15 =	sadd.s32 s1, s23;
	s24 =	simm.s32 $0x14800;
	s23 =	sor.u32 $0xA0000, s6  }
0xd3: {  	[hbm4b:s15+s3] =	stream.linear.scatter [tilespmem:s24], [sflag:$0x3], $0x800, $0x38;
	[tilespmem:$0x1A820] =	vst v63  }
0xd4: {  	s15 =	sadd.s32 s1, s23;
	s24 =	simm.s32 $0x15000;
	s23 =	sor.u32 $0xC0000, s6  }
0xd5: {  	[hbm4b:s15+s3] =	stream.linear.scatter [tilespmem:s24], [sflag:$0x3], $0x800, $0x38;
	[tilespmem:$0x1A820] =	vst v63  }
0xd6: {  	s15 =	sadd.s32 s1, s23;
	s24 =	sor.u32 $0xE0000, s6  }
0xd7: {  	[hbm4b:s15+s3] =	stream.linear.scatter [tilespmem:s28], [sflag:$0x3], $0x800, $0x38;
	[tilespmem:$0x1A820] =	vst v63  }
0xd8: {  	s22 =	sor.u32 $0x100000, s6;
	s15 =	sadd.s32 s1, s24  }
0xd9: {  	[hbm4b:s15+s3] =	stream.linear.scatter [tilespmem:s29], [sflag:$0x3], $0x800, $0x38;
	[tilespmem:$0x1A820] =	vst v63  }
0xda: {  	s23 =	sor.u32 $0x120000, s6;
	s15 =	sadd.s32 s1, s22  }
0xdb: {  	[hbm4b:s15+s3] =	stream.linear.scatter [tilespmem:s30], [sflag:$0x3], $0x800, $0x38;
	[tilespmem:$0x1A820] =	vst v63  }
0xdc: {  	s24 =	sor.u32 $0x140000, s6;
	s15 =	sadd.s32 s1, s23  }
0xdd: {  	[hbm4b:s15+s3] =	stream.linear.scatter [tilespmem:s31], [sflag:$0x3], $0x800, $0x38;
	[tilespmem:$0x1A820] =	vst v63  }
0xde: {  	s22 =	sor.u32 $0x160000, s6;
	s15 =	sadd.s32 s1, s24  }
0xdf: {  	[hbm4b:s15+s3] =	stream.linear.scatter [tilespmem:s0], [sflag:$0x3], $0x800, $0x38;
	[tilespmem:$0x1A820] =	vst v63  }
0xe0: {  	s23 =	sor.u32 $0x180000, s6;
	s15 =	sadd.s32 s1, s22  }
0xe1: {  	[hbm4b:s15+s3] =	stream.linear.scatter [tilespmem:s2], [sflag:$0x3], $0x800, $0x38;
	[tilespmem:$0x1A820] =	vst v63  }
0xe2: {  	p0 =	seq.s32 s8, $0x7;
	s15 =	sadd.s32 s1, s23  }
0xe3: {  	[hbm4b:s15+s3] =	stream.linear.scatter [tilespmem:s7], [sflag:$0x3], $0x800, $0x38;
	[tilespmem:$0x1A820] =	vst v63  }
.Ltmp3:
0xe4: {  	s24 =	sor.u32 $0x1A0000, s6;
	(pc) =	sbr.rel @p0 .LBB2_12-.Ltmp3, $4  }
0xe5: {  	s6 =	sor.u32 $0x1C0000, s6;
	s15 =	sadd.s32 s1, s24  }
0xe6: {  	[hbm4b:s15+s3] =	stream.linear.scatter [tilespmem:s9], [sflag:$0x3], $0x800, $0x38;
	[tilespmem:$0x1A820] =	vst v63  }
0xe7: {  	s6 =	sadd.s32 s1, s6  }
0xe8: {  	[hbm4b:s6+s3] =	stream.linear.scatter [tilespmem:s11], [sflag:$0x3], $0x800, $0x38;
	[tilespmem:$0x1A820] =	vst v63  }
0xe9: {  	s6 =	rddreg [dreg:$0x5]  }
0xea: {  	s6 =	sadd.s32 s19, s6  }
0xeb: {  	s6 =	smul.u32 $0x3, s6  }
0xec: {  	s15 =	simm.s32 $0x0;
	s24 =	simm.s32 $0x90  }
0xed: {  	s22 =	simm.s32 $0x60;
	v9 =	vor.u32 s15, v3;
	v10 =	vadd.s32 s24, v3;
	v11 =	vor.u32 s15, v4;
	s6 =	sshrl.u32 s6, $0x3  }
0xee: {  	v12 =	vadd.s32 s24, v4;
	v13 =	vadd.s32 s24, v1;
	v15 =	vadd.s32 s22, v3;
	s6 =	sadd.s32 s5, s6  }
0xef: {  	v17 =	vadd.s32 s22, v4;
	v19 =	vadd.s32 s22, v1;
	v10 =	vand.u32 $0x3FF8, v10;
	[tilespmem:s15], [sflag:$0x4] =	stream.linear.gather [hbm4b:s6+s15], $0x1800, $0x38;
	[tilespmem:$0x1A820] =	vst v63  }
0xf0: {  	s19 =	simm.s32 $0x30;
	v20 =	vor.u32 s15, v1;
	v12 =	vand.u32 $0x3FF8, v12;
	v10 =	vor.u32 v6, v10;
	_ =	swait.ge [sflag:s14], $0x1800  }
0xf1: {  	v13 =	vand.u32 $0x3FF8, v13;
	v14 =	vadd.s32 s19, v3;
	v12 =	vor.u32 v7, v12;
	[sflag:s14] =	ssyncset.done $0x0  }
0xf2: {  	s23 =	simm.s32 $0xF0;
	v16 =	vadd.s32 s19, v4;
	v13 =	vor.u32 v5, v13;
	v14 =	vand.u32 $0x3FF8, v14;
	[sflag:s14] =	ssyncadd.s32 $0xFFFFE800  }
0xf3: {  	v26 =	vadd.s32 s23, v4;
	v16 =	vand.u32 $0x3FF8, v16;
	v14 =	vor.u32 v6, v14;
	v9 =	vld.idx.msk [tilespmem:v9+s3+$0x0], $0xffff  }
0xf4: {  	v18 =	vadd.s32 s19, v1;
	v17 =	vand.u32 $0x3FF8, v17;
	v16 =	vor.u32 v7, v16;
	v11 =	vld.idx.msk [tilespmem:v11+s3+$0x0], $0xffff  }
0xf5: {  	v28 =	vadd.s32 s23, v1;
	v17 =	vor.u32 v7, v17;
	v18 =	vand.u32 $0x3FF8, v18;
	v10 =	vld.idx.msk [tilespmem:v10+s3+$0x0], $0xffff  }
0xf6: {  	s24 =	simm.s32 $0x150;
	v15 =	vand.u32 $0x3FF8, v15;
	v19 =	vand.u32 $0x3FF8, v19;
	v18 =	vor.u32 v5, v18;
	v12 =	vld.idx.msk [tilespmem:v12+s3+$0x0], $0xffff  }
0xf7: {  	v20 =	vand.u32 v2, v20;
	v25 =	vadd.s32 s24, v1;
	v15 =	vor.u32 v6, v15;
	v13 =	vld.idx.msk [tilespmem:v13+s3+$0x0], $0xffff  }
0xf8: {  	s22 =	simm.s32 $0x120;
	v22 =	vadd.s32 s24, v3;
	v26 =	vand.u32 $0x3FF8, v26;
	v25 =	vand.u32 $0x3FF8, v25;
	v14 =	vld.idx.msk [tilespmem:v14+s3+$0x0], $0xffff  }
0xf9: {  	v29 =	vadd.s32 s22, v1;
	v19 =	vor.u32 v5, v19;
	v25 =	vor.u32 v5, v25;
	v16 =	vld.idx.msk [tilespmem:v16+s3+$0x0], $0xffff  }
0xfa: {  	s6 =	simm.s32 $0xC0;
	v24 =	vld.idx.msk [tilespmem:v17+s3+$0x0], $0xffff;
	v17 =	vand.u32 $0x3FF8, v22;
	v22 =	vadd.s32 s24, v4;
	v10 =	vmul.u32 $0x1779B1, v10  }
0xfb: {  	v18 =	vld.idx.msk [tilespmem:v18+s3+$0x0], $0xffff;
	v12 =	vmul.u32 $0x25795, v12;
	v21 =	vmul.u32 $0x25795, v11;
	v11 =	vor.u32 s6, v3  }
0xfc: {  	v22 =	vand.u32 $0x3FF8, v22;
	v10 =	vxor.u32 v13, v10;
	v13 =	vld.idx.msk [tilespmem:v15+s3+$0x0], $0xffff;
	v15 =	vor.u32 s6, v4  }
0xfd: {  	v20 =	vld.idx.msk [tilespmem:v20+s3+$0x0], $0xffff;
	v17 =	vor.u32 v6, v17;
	v22 =	vor.u32 v7, v22;
	v10 =	vxor.u32 v12, v10  }
0xfe: {  	v19 =	vld.idx.msk [tilespmem:v19+s3+$0x0], $0xffff;
	v12 =	vadd.s32 s23, v3;
	v23 =	vand.u32 $0x1FFFFF, v10;
	v10 =	vadd.s32 s22, v3  }
0xff: {  	v26 =	vor.u32 v7, v26;
	v25 =	vld.idx.msk [tilespmem:v25+s3+$0x0], $0xffff;
	v12 =	vand.u32 $0x3FF8, v12;
	v10 =	vand.u32 $0x3FF8, v10  }
0x100: {  	v27 =	vld.idx.msk [tilespmem:v11+s3+$0x0], $0xffff;
	v11 =	vor.u32 v6, v12;
	v12 =	vor.u32 v6, v10;
	v10 =	vadd.s32 s22, v4  }
0x101: {  	v62 =	vand.u32 $0x3FF8, v29;
	v9 =	vmul.u32 $0x1779B1, v9;
	v15 =	vld.idx.msk [tilespmem:v15+s3+$0x0], $0xffff;
	v10 =	vand.u32 $0x3FF8, v10  }
0x102: {  	v14 =	vmul.u32 $0x1779B1, v14;
	v31 =	vld.idx.msk [tilespmem:v17+s3+$0x0], $0xffff;
	v30 =	vor.u32 v7, v10;
	v10 =	vand.u32 $0x3FF8, v28  }
0x103: {  	v16 =	vmul.u32 $0x25795, v16;
	v20 =	vxor.u32 v20, v9;
	v22 =	vld.idx.msk [tilespmem:v22+s3+$0x0], $0xffff;
	v63 =	vor.u32 v5, v10  }
0x104: {  	v9 =	vor.u32 s6, v1;
	v32 =	vmul.u32 $0x1779B1, v13;
	v13 =	vld.idx.msk [tilespmem:v26+s3+$0x0], $0xffff;
	v28 =	vor.u32 v5, v62  }
0x105: {  	v24 =	vmul.u32 $0x25795, v24;
	v17 =	vand.u32 v2, v9;
	v21 =	vxor.u32 v21, v20;
	v11 =	vld.idx.msk [tilespmem:v11+s3+$0x0], $0xffff  }
0x106: {  	v10 =	vmul.u32 $0x1779B1, v27;
	v12 =	vld.idx.msk [tilespmem:v12+s3+$0x0], $0xffff;
	v9 =	vmul.u32 $0x25795, v15;
	v15 =	vxor.u32 v18, v14  }
0x107: {  	s6 =	simm.s32 $0x1820;
	v18 =	vxor.u32 v19, v32;
	v19 =	vmul.u32 $0x1779B1, v31;
	v14 =	vld.idx.msk [tilespmem:v30+s3+$0x0], $0xffff;
	v16 =	vxor.u32 v16, v15  }
0x108: {  	[tilespmem:s6+$0x10] =	vst v23;
	v24 =	vxor.u32 v24, v18;
	v18 =	vmul.u32 $0x25795, v22;
	v15 =	vld.idx.msk [tilespmem:v63+s3+$0x0], $0xffff;
	v22 =	vand.u32 $0x1FFFFF, v16  }
0x109: {  	s19 =	simm.s32 $0x180;
	s15 =	simm.s32 $0x40;
	v16 =	vld.idx.msk [tilespmem:v28+s3+$0x0], $0xffff;
	v20 =	vxor.u32 v25, v19;
	v19 =	vand.u32 $0x1FFFFF, v21;
	v21 =	vand.u32 $0x1FFFFF, v24;
	[tilespmem:s6+$0xFFFFFFF0] =	vst v22  }
.LBB2_10:
0x10a: {  	v22 =	vor.u32 s19, v3;
	v23 =	vor.u32 s19, v4;
	s22 =	sadd.s32 $0x30, s19;
	s23 =	sadd.s32 $0x90, s19;
	s15 =	sadd.s32 $0x40, s15;
	v24 =	vld.idx.msk [tilespmem:v17+s3+$0x0], $0xffff;
	v17 =	vxor.u32 v18, v20;
	[tilespmem:s6+$0x0] =	vst v21  }
0x10b: {  	s24 =	sadd.s32 $0x60, s19;
	v18 =	vadd.s32 s22, v3;
	v20 =	vadd.s32 s23, v3;
	p0 =	slt.u32 s15, $0x7C0;
	v17 =	vand.u32 $0x1FFFFF, v17;
	[tilespmem:s6+$0xFFFFFFE0] =	vst v19;
	s6 =	sadd.s32 $0x40, s6  }
0x10c: {  	v19 =	vadd.s32 s24, v3;
	v21 =	vadd.s32 s23, v4;
	v20 =	vand.u32 $0x3FF8, v20;
	[tilespmem:s6+$0x10] =	vst v17  }
0x10d: {  	v17 =	vadd.s32 s23, v1;
	v21 =	vand.u32 $0x3FF8, v21;
	v20 =	vor.u32 v6, v20  }
0x10e: {  	v18 =	vand.u32 $0x3FF8, v18;
	v17 =	vand.u32 $0x3FF8, v17;
	v21 =	vor.u32 v7, v21  }
0x10f: {  	v25 =	vadd.s32 s22, v4;
	v19 =	vand.u32 $0x3FF8, v19;
	v26 =	vor.u32 v5, v17;
	v22 =	vld.idx.msk [tilespmem:v22+s3+$0x0], $0xffff  }
0x110: {  	v18 =	vor.u32 v6, v18;
	v19 =	vor.u32 v6, v19;
	v17 =	vadd.s32 s24, v4;
	v23 =	vld.idx.msk [tilespmem:v23+s3+$0x0], $0xffff  }
0x111: {  	v27 =	vadd.s32 s22, v1;
	v25 =	vand.u32 $0x3FF8, v25;
	v17 =	vand.u32 $0x3FF8, v17  }
0x112: {  	v28 =	vadd.s32 s24, v1;
	v25 =	vor.u32 v7, v25;
	v29 =	vor.u32 v7, v17;
	v20 =	vld.idx.msk [tilespmem:v20+s3+$0x0], $0xffff  }
0x113: {  	v27 =	vand.u32 $0x3FF8, v27;
	v28 =	vand.u32 $0x3FF8, v28;
	v17 =	vor.u32 s19, v1;
	v21 =	vld.idx.msk [tilespmem:v21+s3+$0x0], $0xffff  }
0x114: {  	v27 =	vor.u32 v5, v27;
	v28 =	vor.u32 v5, v28;
	v17 =	vand.u32 v2, v17;
	v26 =	vld.idx.msk [tilespmem:v26+s3+$0x0], $0xffff  }
0x115: {  	v30 =	vmul.u32 $0x1779B1, v11;
	v22 =	vmul.u32 $0x1779B1, v22;
	v11 =	vld.idx.msk [tilespmem:v18+s3+$0x0], $0xffff;
	v18 =	vmul.u32 $0x1779B1, v12  }
.Ltmp4:
0x116: {  	v31 =	vmul.u32 $0x25795, v14;
	v23 =	vmul.u32 $0x25795, v23;
	v12 =	vld.idx.msk [tilespmem:v19+s3+$0x0], $0xffff;
	v19 =	vmul.u32 $0x25795, v13;
	(pc) =	sbr.rel @p0 .LBB2_10-.Ltmp4, $4  }
0x117: {  	v30 =	vxor.u32 v15, v30;
	v24 =	vxor.u32 v24, v10;
	v13 =	vld.idx.msk [tilespmem:v25+s3+$0x0], $0xffff;
	v15 =	vxor.u32 v16, v18  }
0x118: {  	v10 =	vmovc v22;
	v20 =	vmul.u32 $0x1779B1, v20;
	v14 =	vld.idx.msk [tilespmem:v29+s3+$0x0], $0xffff;
	v16 =	vxor.u32 v19, v30;
	v25 =	vxor.u32 v31, v15  }
0x119: {  	v18 =	vmul.u32 $0x25795, v21;
	v19 =	vxor.u32 v9, v24;
	v9 =	vmovc v23;
	v15 =	vld.idx.msk [tilespmem:v27+s3+$0x0], $0xffff;
	v21 =	vand.u32 $0x1FFFFF, v16  }
0x11a: {  	s19 =	sadd.s32 $0xC0, s19;
	v20 =	vxor.u32 v26, v20;
	v19 =	vand.u32 $0x1FFFFF, v19;
	v16 =	vld.idx.msk [tilespmem:v28+s3+$0x0], $0xffff;
	[tilespmem:s6+$0xFFFFFFF0] =	vst v21;
	v21 =	vand.u32 $0x1FFFFF, v25  }
0x11b: {  	_ =	sdelay $0x3  }
0x11c: {  	v17 =	vld.idx.msk [tilespmem:v17+s3+$0x0], $0xffff  }
0x11d: {  	v11 =	vmul.u32 $0x1779B1, v11  }
0x11e: {  	v12 =	vmul.u32 $0x1779B1, v12;
	v13 =	vmul.u32 $0x25795, v13  }
0x11f: {  	v18 =	vxor.u32 v18, v20;
	[tilespmem:s6+$0x0] =	vst v21;
	v14 =	vmul.u32 $0x25795, v14;
	v11 =	vxor.u32 v15, v11  }
0x120: {  	[tilespmem:s6+$0xFFFFFFE0] =	vst v19;
	s23 =	sadd.s32 $0x40, s6;
	v63 =	vand.u32 $0x1FFFFF, v18;
	v12 =	vxor.u32 v16, v12;
	v11 =	vxor.u32 v13, v11  }
0x121: {  	[tilespmem:s23+$0x10] =	vst v63;
	v10 =	vxor.u32 v17, v10;
	v12 =	vxor.u32 v14, v12;
	v11 =	vand.u32 $0x1FFFFF, v11  }
0x122: {  	v9 =	vxor.u32 v9, v10;
	[tilespmem:s23+$0xFFFFFFF0] =	vst v11;
	v10 =	vand.u32 $0x1FFFFF, v12  }
0x123: {  	v9 =	vand.u32 $0x1FFFFF, v9;
	[tilespmem:s23+$0x0] =	vst v10  }
0x124: {  	s24 =	simm.s32 $0x800;
	s15 =	simm.s32 $0x1800;
	s19 =	simm.s32 $0x2800;
	[tilespmem:s23+$0xFFFFFFE0] =	vst v9  }
0x125: {  	[tilespmem:s19], [sflag:$0x1] =	stream.indirect.gather [hbm4b:s4+s24], $0x10, s15, s24, $0xb8;
	[tilespmem:$0x1A820] =	vst v63  }
.LBB2_12:
0x126: {  	_ =	swait.ge [sflag:s12], $0x8000  }
0x127: {  	[sflag:s12] =	ssyncset.done $0x0  }
0x128: {  	[sflag:s12] =	ssyncadd.s32 $0xFFFF8000  }
0x129: {  	_ =	swait.ge [sflag:s13], $0x800  }
0x12a: {  	[sflag:s13] =	ssyncset.done $0x0  }
0x12b: {  	[sflag:s13] =	ssyncadd.s32 $0xFFFFF800  }
0x12c: {  	_ =	swait.ge [sflag:s13], $0x800  }
0x12d: {  	[sflag:s13] =	ssyncset.done $0x0  }
0x12e: {  	[sflag:s13] =	ssyncadd.s32 $0xFFFFF800  }
0x12f: {  	_ =	swait.ge [sflag:s13], $0x800  }
0x130: {  	[sflag:s13] =	ssyncset.done $0x0  }
0x131: {  	[sflag:s13] =	ssyncadd.s32 $0xFFFFF800  }
0x132: {  	_ =	swait.ge [sflag:s13], $0x800  }
0x133: {  	[sflag:s13] =	ssyncset.done $0x0  }
0x134: {  	[sflag:s13] =	ssyncadd.s32 $0xFFFFF800  }
0x135: {  	_ =	swait.ge [sflag:s13], $0x800  }
0x136: {  	[sflag:s13] =	ssyncset.done $0x0  }
0x137: {  	[sflag:s13] =	ssyncadd.s32 $0xFFFFF800  }
0x138: {  	_ =	swait.ge [sflag:s13], $0x800  }
0x139: {  	[sflag:s13] =	ssyncset.done $0x0  }
0x13a: {  	[sflag:s13] =	ssyncadd.s32 $0xFFFFF800  }
0x13b: {  	_ =	swait.ge [sflag:s13], $0x800  }
0x13c: {  	[sflag:s13] =	ssyncset.done $0x0  }
0x13d: {  	[sflag:s13] =	ssyncadd.s32 $0xFFFFF800  }
0x13e: {  	_ =	swait.ge [sflag:s13], $0x800  }
0x13f: {  	[sflag:s13] =	ssyncset.done $0x0  }
0x140: {  	[sflag:s13] =	ssyncadd.s32 $0xFFFFF800  }
0x141: {  	_ =	swait.ge [sflag:s13], $0x800  }
0x142: {  	[sflag:s13] =	ssyncset.done $0x0  }
0x143: {  	[sflag:s13] =	ssyncadd.s32 $0xFFFFF800  }
0x144: {  	_ =	swait.ge [sflag:s13], $0x800  }
0x145: {  	[sflag:s13] =	ssyncset.done $0x0  }
0x146: {  	[sflag:s13] =	ssyncadd.s32 $0xFFFFF800  }
0x147: {  	_ =	swait.ge [sflag:s13], $0x800  }
0x148: {  	[sflag:s13] =	ssyncset.done $0x0  }
0x149: {  	[sflag:s13] =	ssyncadd.s32 $0xFFFFF800  }
0x14a: {  	_ =	swait.ge [sflag:s13], $0x800  }
0x14b: {  	[sflag:s13] =	ssyncset.done $0x0  }
0x14c: {  	[sflag:s13] =	ssyncadd.s32 $0xFFFFF800  }
0x14d: {  	_ =	swait.ge [sflag:s13], $0x800  }
0x14e: {  	[sflag:s13] =	ssyncset.done $0x0  }
0x14f: {  	[sflag:s13] =	ssyncadd.s32 $0xFFFFF800  }
0x150: {  	_ =	swait.ge [sflag:s13], $0x800  }
0x151: {  	[sflag:s13] =	ssyncset.done $0x0  }
0x152: {  	[sflag:s13] =	ssyncadd.s32 $0xFFFFF800  }
0x153: {  	_ =	swait.ge [sflag:s13], $0x800  }
0x154: {  	[sflag:s13] =	ssyncset.done $0x0  }
0x155: {  	s19 =	simm.s32 $0xA840;
	[sflag:s13] =	ssyncadd.s32 $0xFFFFF800  }
0x156: {  	v9 =	vld [tilespmem:s19+$0xFFFFFFC0]  }
0x157: {  	v10 =	vld [tilespmem:$0x1A800]  }
0x158: {  	v11 =	vld [tilespmem:s19+$0xFFFFFFD0]  }
0x159: {  	s6 =	simm.s32 $0x0;
	s15 =	sadd.s32 $0x0, s16;
	v12 =	vld [tilespmem:s19+$0xFFFFFFE0]  }
0x15a: {  	s22 =	simm.s32 $0x1;
	s23 =	simm.s32 $0x2;
	s24 =	simm.s32 $0x3;
	v14 =	vor.u32 s6, v8;
	v13 =	vld [tilespmem:$0x1A810]  }
0x15b: {  	p0 =	slt.u32 s15, $0xF4240;
	s15 =	simm.f32 $1.000000000e+00;
	v15 =	vor.u32 s22, v8;
	v18 =	vor.u32 s23, v8;
	s23 =	simm.s32 $0x4;
	v17 =	vld [tilespmem:s19+$0xFFFFFFF0]  }
0x15c: {  	v19 =	vor.u32 s24, v8;
	s24 =	simm.s32 $0x5;
	s15 =	simm.s32 @!p0 $0x0;
	v22 =	vor.u32 s23, v8;
	v16 =	vmul.f32 v9, v9  }
0x15d: {  	s22 =	simm.s32 $0x6;
	v26 =	vor.u32 s24, v8;
	v23 =	vld [tilespmem:s19+$0x0];
	v20 =	vmul.f32 s15, v9;
	v21 =	vmul.f32 v11, v11  }
0x15e: {  	v28 =	vor.u32 s22, v8;
	v24 =	vmul.f32 s15, v11;
	v16 =	vmul.f32 s15, v16  }
0x15f: {  	v25 =	vmul.f32 v12, v12;
	[tilespmem:v14+s21+$0x0] =	vst.idx.msk $0xffff, v9;
	v9 =	vmul.f32 s15, v12;
	v10 =	vadd.f32 v20, v10  }
0x160: {  	v27 =	vld [tilespmem:s19+$0x10];
	[tilespmem:v18+s21+$0x0] =	vst.idx.msk $0xffff, v12;
	v18 =	vmul.f32 s15, v17;
	v13 =	vadd.f32 v16, v13;
	v16 =	vmul.f32 s15, v21  }
0x161: {  	s23 =	simm.s32 $0x7;
	[tilespmem:v15+s21+$0x0] =	vst.idx.msk $0xffff, v11;
	v14 =	vld [tilespmem:s19+$0x20];
	v20 =	vmul.f32 v17, v17;
	v15 =	vmul.f32 s15, v25;
	v11 =	vadd.f32 v24, v10  }
0x162: {  	s6 =	simm.s32 $0x8;
	v21 =	vmul.f32 v23, v23;
	v10 =	vor.u32 s23, v8;
	v13 =	vadd.f32 v16, v13  }
0x163: {  	[tilespmem:v19+s21+$0x0] =	vst.idx.msk $0xffff, v17;
	v17 =	vmul.f32 s15, v20;
	v11 =	vadd.f32 v9, v11;
	v9 =	vor.u32 s6, v8  }
0x164: {  	[tilespmem:v22+s21+$0x0] =	vst.idx.msk $0xffff, v23;
	v12 =	vld [tilespmem:s19+$0x30];
	v16 =	vmul.f32 s15, v23;
	v21 =	vmul.f32 s15, v21;
	v13 =	vadd.f32 v15, v13  }
0x165: {  	s24 =	simm.s32 $0x9;
	[tilespmem:v26+s21+$0x0] =	vst.idx.msk $0xffff, v27;
	s19 =	simm.s32 $0xA8C0;
	v15 =	vmul.f32 v27, v27;
	v19 =	vadd.f32 v18, v11;
	v18 =	vmul.f32 s15, v27  }
0x166: {  	s22 =	simm.s32 $0x10;
	[tilespmem:v28+s21+$0x0] =	vst.idx.msk $0xffff, v14;
	v11 =	vld [tilespmem:s19+$0xFFFFFFC0];
	v20 =	vadd.f32 v17, v13;
	v13 =	vor.u32 s24, v8;
	v17 =	vmul.f32 v14, v14  }
.LBB2_13:
0x167: {  	v16 =	vadd.f32 v16, v19  }
0x168: {  	p0 =	slt.u32 s22, $0x7F8;
	v22 =	vld [tilespmem:s19+$0xFFFFFFD0];
	s23 =	sadd.s32 $0x2, s6;
	v19 =	vadd.f32 v21, v20;
	v15 =	vmul.f32 s15, v15;
	v14 =	vmul.f32 s15, v14  }
0x169: {  	v20 =	vor.u32 s23, v8;
	[tilespmem:v10+s21+$0x0] =	vst.idx.msk $0xffff, v12;
	v10 =	vmul.f32 v12, v12;
	v17 =	vmul.f32 s15, v17  }
0x16a: {  	s24 =	sadd.s32 $0x3, s6;
	s23 =	sadd.s32 s6, s16;
	v12 =	vmul.f32 s15, v12;
	v21 =	vld [tilespmem:s19+$0xFFFFFFE0];
	v16 =	vadd.f32 v18, v16;
	v15 =	vadd.f32 v15, v19  }
0x16b: {  	p1 =	slt.u32 s23, $0xF4240;
	v18 =	vor.u32 s24, v8;
	[tilespmem:v9+s21+$0x0] =	vst.idx.msk $0xffff, v11;
	v9 =	vmul.f32 v11, v11;
	v10 =	vmul.f32 s15, v10;
	s15 =	simm.f32 $1.000000000e+00  }
0x16c: {  	s23 =	sadd.s32 $0x4, s6;
	v19 =	vld [tilespmem:s19+$0xFFFFFFF0];
	v14 =	vadd.f32 v14, v16;
	v15 =	vadd.f32 v17, v15;
	s15 =	simm.s32 @!p1 $0x0  }
0x16d: {  	v16 =	vor.u32 s23, v8;
	v11 =	vmul.f32 s15, v11;
	[tilespmem:v13+s21+$0x0] =	vst.idx.msk $0xffff, v22;
	v13 =	vmul.f32 v22, v22  }
0x16e: {  	s23 =	sadd.s32 $0x5, s6;
	v9 =	vmul.f32 s15, v9;
	v17 =	vld [tilespmem:s19+$0x0];
	v12 =	vadd.f32 v12, v14;
	v10 =	vadd.f32 v10, v15  }
0x16f: {  	v14 =	vmul.f32 s15, v22;
	[tilespmem:v20+s21+$0x0] =	vst.idx.msk $0xffff, v21;
	v15 =	vmul.f32 v21, v21;
	v20 =	vor.u32 s23, v8  }
0x170: {  	s23 =	sadd.s32 $0x6, s6;
	v11 =	vadd.f32 v11, v12;
	v9 =	vadd.f32 v9, v10;
	v10 =	vmul.f32 s15, v13;
	v22 =	vld [tilespmem:s19+$0x10]  }
0x171: {  	v12 =	vmul.f32 s15, v21;
	v23 =	vor.u32 s23, v8;
	[tilespmem:v18+s21+$0x0] =	vst.idx.msk $0xffff, v19;
	v13 =	vmul.f32 v19, v19  }
0x172: {  	s23 =	sadd.s32 $0x7, s6;
	s6 =	smov.u32 s22;
	v15 =	vmul.f32 s15, v15;
	v11 =	vadd.f32 v14, v11;
	v9 =	vadd.f32 v10, v9;
	v14 =	vld [tilespmem:s19+$0x20]  }
.Ltmp5:
0x173: {  	v18 =	vmul.f32 s15, v19;
	v10 =	vor.u32 s23, v8;
	[tilespmem:v16+s21+$0x0] =	vst.idx.msk $0xffff, v17;
	v21 =	vmul.f32 v17, v17;
	(pc) =	sbr.rel @p0 .LBB2_13-.Ltmp5, $4  }
0x174: {  	v13 =	vmul.f32 s15, v13;
	v19 =	vadd.f32 v12, v11;
	v24 =	vadd.f32 v15, v9;
	v12 =	vld [tilespmem:s19+$0x30]  }
0x175: {  	v16 =	vmul.f32 s15, v17;
	v9 =	vor.u32 s22, v8;
	s19 =	sadd.s32 $0x80, s19;
	[tilespmem:v20+s21+$0x0] =	vst.idx.msk $0xffff, v22;
	v15 =	vmul.f32 v22, v22  }
0x176: {  	s23 =	sadd.s32 $0x1, s22;
	v21 =	vmul.f32 s15, v21;
	v11 =	vld [tilespmem:s19+$0xFFFFFFC0];
	v19 =	vadd.f32 v18, v19;
	v20 =	vadd.f32 v13, v24  }
0x177: {  	s22 =	sadd.s32 $0x8, s22;
	v13 =	vor.u32 s23, v8;
	v18 =	vmul.f32 s15, v22;
	[tilespmem:v23+s21+$0x0] =	vst.idx.msk $0xffff, v14;
	v17 =	vmul.f32 v14, v14  }
0x178: {  	v16 =	vadd.f32 v16, v19  }
0x179: {  	v36 =	vadd.f32 v21, v20;
	v15 =	vmul.f32 s15, v15  }
0x17a: {  	v37 =	vld [tilespmem:s19+$0xFFFFFFD0];
	v14 =	vmul.f32 s15, v14;
	v16 =	vadd.f32 v18, v16  }
0x17b: {  	s22 =	sadd.s32 s6, s16;
	v38 =	vmul.f32 v12, v12;
	v17 =	vmul.f32 s15, v17;
	v15 =	vadd.f32 v15, v36  }
0x17c: {  	v39 =	vld [tilespmem:s19+$0xFFFFFFE0];
	p0 =	slt.u32 s22, $0xF4240;
	v40 =	vmul.f32 s15, v12;
	s22 =	simm.f32 $1.000000000e+00;
	v14 =	vadd.f32 v14, v16  }
0x17d: {  	s22 =	simm.s32 @!p0 $0x0;
	v41 =	vmul.f32 v11, v11;
	v42 =	vmul.f32 s15, v38;
	v15 =	vadd.f32 v17, v15  }
0x17e: {  	v43 =	vld [tilespmem:s19+$0xFFFFFFF0];
	v22 =	vmul.f32 s22, v11;
	v14 =	vadd.f32 v40, v14  }
0x17f: {  	s24 =	sadd.s32 $0x2, s6;
	v44 =	vmul.f32 v37, v37;
	v16 =	vmul.f32 s22, v41;
	v15 =	vadd.f32 v42, v15  }
0x180: {  	v23 =	vld [tilespmem:s19+$0x0];
	v45 =	vor.u32 s24, v8;
	v24 =	vmul.f32 s22, v37;
	v14 =	vadd.f32 v22, v14  }
0x181: {  	s23 =	sadd.s32 $0x3, s6;
	v25 =	vld [tilespmem:s19+$0x10];
	v46 =	vmul.f32 v39, v39;
	v47 =	vmul.f32 s22, v44;
	v15 =	vadd.f32 v16, v15  }
0x182: {  	v27 =	vld [tilespmem:s19+$0x20];
	v48 =	vor.u32 s23, v8;
	v26 =	vmul.f32 s22, v39;
	v14 =	vadd.f32 v24, v14  }
0x183: {  	v29 =	vld [tilespmem:s19+$0x30];
	s19 =	sadd.s32 $0x7, s6;
	v49 =	vmul.f32 v43, v43;
	v50 =	vmul.f32 s22, v46;
	v15 =	vadd.f32 v47, v15  }
0x184: {  	v60 =	vor.u32 s19, v8;
	v28 =	vmul.f32 s22, v43;
	v14 =	vadd.f32 v26, v14  }
0x185: {  	s24 =	sadd.s32 $0x4, s6;
	v52 =	vmul.f32 v23, v23;
	v53 =	vmul.f32 s22, v49;
	v15 =	vadd.f32 v50, v15  }
0x186: {  	v51 =	vor.u32 s24, v8;
	v55 =	vmul.f32 s22, v23;
	v14 =	vadd.f32 v28, v14  }
0x187: {  	s23 =	sadd.s32 $0x5, s6;
	[tilespmem:v10+s21+$0x0] =	vst.idx.msk $0xffff, v12;
	v10 =	vmul.f32 v25, v25;
	v57 =	vmul.f32 s22, v52;
	v56 =	vadd.f32 v53, v15  }
0x188: {  	v54 =	vor.u32 s23, v8;
	[tilespmem:v9+s21+$0x0] =	vst.idx.msk $0xffff, v11;
	v11 =	vmul.f32 s22, v25;
	v9 =	vadd.f32 v55, v14  }
0x189: {  	s24 =	sadd.s32 $0x6, s6;
	[tilespmem:v13+s21+$0x0] =	vst.idx.msk $0xffff, v37;
	v59 =	vmul.f32 v27, v27;
	v10 =	vmul.f32 s22, v10;
	v12 =	vadd.f32 v57, v56  }
0x18a: {  	v58 =	vor.u32 s24, v8;
	[tilespmem:v45+s21+$0x0] =	vst.idx.msk $0xffff, v39;
	v9 =	vadd.f32 v11, v9;
	v11 =	vmul.f32 s22, v27  }
0x18b: {  	v61 =	vmul.f32 v29, v29;
	[tilespmem:v48+s21+$0x0] =	vst.idx.msk $0xffff, v43;
	v62 =	vmul.f32 s22, v59;
	v10 =	vadd.f32 v10, v12  }
0x18c: {  	v63 =	vmul.f32 s22, v29;
	[tilespmem:v60+s21+$0x0] =	vst.idx.msk $0xffff, v29;
	v9 =	vadd.f32 v11, v9  }
0x18d: {  	[tilespmem:v51+s21+$0x0] =	vst.idx.msk $0xffff, v23;
	v10 =	vadd.f32 v62, v10;
	v11 =	vmul.f32 s22, v61  }
0x18e: {  	[tilespmem:v54+s21+$0x0] =	vst.idx.msk $0xffff, v25;
	v9 =	vadd.f32 v63, v9  }
0x18f: {  	[tilespmem:v58+s21+$0x0] =	vst.idx.msk $0xffff, v27;
	v10 =	vadd.f32 v11, v10  }
0x190: {  	s6 =	sshrl.u32 s18, $0x3;
	[tilespmem:$0x1A800] =	vst v9  }
0x191: {  	s23 =	sadd.s32 s1, s6;
	s24 =	sor.u32 $0x20000, s6;
	[tilespmem:$0x1A810] =	vst v10  }
0x192: {  	[hbm4b:s23+s3] =	stream.linear.scatter [tilespmem:s21], [sflag:$0x3], $0x800, $0x38;
	[tilespmem:$0x1A820] =	vst v63  }
0x193: {  	s15 =	sadd.s32 s1, s24  }
0x194: {  	[hbm4b:s15+s3] =	stream.linear.scatter [tilespmem:s25], [sflag:$0x3], $0x800, $0x38;
	[tilespmem:$0x1A820] =	vst v63  }
0x195: {  	s25 =	sor.u32 $0x40000, s6  }
0x196: {  	s18 =	sor.u32 $0x60000, s6;
	s15 =	sadd.s32 s1, s25  }
0x197: {  	[hbm4b:s15+s3] =	stream.linear.scatter [tilespmem:s26], [sflag:$0x3], $0x800, $0x38;
	[tilespmem:$0x1A820] =	vst v63  }
0x198: {  	s19 =	simm.s32 $0x14000;
	s22 =	sor.u32 $0x80000, s6;
	s15 =	sadd.s32 s1, s18  }
0x199: {  	[hbm4b:s15+s3] =	stream.linear.scatter [tilespmem:s19], [sflag:$0x3], $0x800, $0x38;
	[tilespmem:$0x1A820] =	vst v63  }
0x19a: {  	s24 =	sor.u32 $0xA0000, s6;
	s23 =	simm.s32 $0x14800;
	s15 =	sadd.s32 s1, s22  }
0x19b: {  	[hbm4b:s15+s3] =	stream.linear.scatter [tilespmem:s23], [sflag:$0x3], $0x800, $0x38;
	[tilespmem:$0x1A820] =	vst v63  }
0x19c: {  	s25 =	simm.s32 $0x15000;
	s26 =	sor.u32 $0xC0000, s6;
	s15 =	sadd.s32 s1, s24  }
0x19d: {  	[hbm4b:s15+s3] =	stream.linear.scatter [tilespmem:s25], [sflag:$0x3], $0x800, $0x38;
	[tilespmem:$0x1A820] =	vst v63  }
0x19e: {  	s18 =	sor.u32 $0xE0000, s6;
	s15 =	sadd.s32 s1, s26  }
0x19f: {  	[hbm4b:s15+s3] =	stream.linear.scatter [tilespmem:s28], [sflag:$0x3], $0x800, $0x38;
	[tilespmem:$0x1A820] =	vst v63  }
0x1a0: {  	s19 =	sor.u32 $0x100000, s6;
	s15 =	sadd.s32 s1, s18  }
0x1a1: {  	[hbm4b:s15+s3] =	stream.linear.scatter [tilespmem:s29], [sflag:$0x3], $0x800, $0x38;
	[tilespmem:$0x1A820] =	vst v63  }
0x1a2: {  	s22 =	sor.u32 $0x120000, s6;
	s15 =	sadd.s32 s1, s19  }
0x1a3: {  	[hbm4b:s15+s3] =	stream.linear.scatter [tilespmem:s30], [sflag:$0x3], $0x800, $0x38;
	[tilespmem:$0x1A820] =	vst v63  }
0x1a4: {  	s23 =	sor.u32 $0x140000, s6;
	s15 =	sadd.s32 s1, s22  }
0x1a5: {  	[hbm4b:s15+s3] =	stream.linear.scatter [tilespmem:s31], [sflag:$0x3], $0x800, $0x38;
	[tilespmem:$0x1A820] =	vst v63  }
0x1a6: {  	s24 =	sor.u32 $0x160000, s6;
	s15 =	sadd.s32 s1, s23  }
0x1a7: {  	[hbm4b:s15+s3] =	stream.linear.scatter [tilespmem:s0], [sflag:$0x3], $0x800, $0x38;
	[tilespmem:$0x1A820] =	vst v63  }
0x1a8: {  	s25 =	sor.u32 $0x180000, s6;
	s15 =	sadd.s32 s1, s24  }
0x1a9: {  	[hbm4b:s15+s3] =	stream.linear.scatter [tilespmem:s2], [sflag:$0x3], $0x800, $0x38;
	[tilespmem:$0x1A820] =	vst v63  }
0x1aa: {  	s26 =	sor.u32 $0x1A0000, s6;
	s15 =	sadd.s32 s1, s25  }
0x1ab: {  	[hbm4b:s15+s3] =	stream.linear.scatter [tilespmem:s7], [sflag:$0x3], $0x800, $0x38;
	[tilespmem:$0x1A820] =	vst v63  }
0x1ac: {  	s6 =	sor.u32 $0x1C0000, s6;
	s15 =	sadd.s32 s1, s26  }
0x1ad: {  	[hbm4b:s15+s3] =	stream.linear.scatter [tilespmem:s9], [sflag:$0x3], $0x800, $0x38;
	[tilespmem:$0x1A820] =	vst v63  }
0x1ae: {  	s6 =	sadd.s32 s1, s6  }
0x1af: {  	[hbm4b:s6+s3] =	stream.linear.scatter [tilespmem:s11], [sflag:$0x3], $0x800, $0x38;
	[tilespmem:$0x1A820] =	vst v63  }
0x1b0: {  	_ =	swait.ge [sflag:s13], $0x800  }
0x1b1: {  	[sflag:s13] =	ssyncset.done $0x0  }
0x1b2: {  	[sflag:s13] =	ssyncadd.s32 $0xFFFFF800  }
0x1b3: {  	_ =	swait.ge [sflag:s13], $0x800  }
0x1b4: {  	[sflag:s13] =	ssyncset.done $0x0  }
0x1b5: {  	[sflag:s13] =	ssyncadd.s32 $0xFFFFF800  }
0x1b6: {  	_ =	swait.ge [sflag:s13], $0x800  }
0x1b7: {  	[sflag:s13] =	ssyncset.done $0x0  }
0x1b8: {  	[sflag:s13] =	ssyncadd.s32 $0xFFFFF800  }
0x1b9: {  	_ =	swait.ge [sflag:s13], $0x800  }
0x1ba: {  	[sflag:s13] =	ssyncset.done $0x0  }
0x1bb: {  	[sflag:s13] =	ssyncadd.s32 $0xFFFFF800  }
0x1bc: {  	_ =	swait.ge [sflag:s13], $0x800  }
0x1bd: {  	[sflag:s13] =	ssyncset.done $0x0  }
0x1be: {  	[sflag:s13] =	ssyncadd.s32 $0xFFFFF800  }
0x1bf: {  	_ =	swait.ge [sflag:s13], $0x800  }
0x1c0: {  	[sflag:s13] =	ssyncset.done $0x0  }
0x1c1: {  	[sflag:s13] =	ssyncadd.s32 $0xFFFFF800  }
0x1c2: {  	_ =	swait.ge [sflag:s13], $0x800  }
0x1c3: {  	[sflag:s13] =	ssyncset.done $0x0  }
0x1c4: {  	[sflag:s13] =	ssyncadd.s32 $0xFFFFF800  }
0x1c5: {  	_ =	swait.ge [sflag:s13], $0x800  }
0x1c6: {  	[sflag:s13] =	ssyncset.done $0x0  }
0x1c7: {  	[sflag:s13] =	ssyncadd.s32 $0xFFFFF800  }
0x1c8: {  	_ =	swait.ge [sflag:s13], $0x800  }
0x1c9: {  	[sflag:s13] =	ssyncset.done $0x0  }
0x1ca: {  	[sflag:s13] =	ssyncadd.s32 $0xFFFFF800  }
0x1cb: {  	_ =	swait.ge [sflag:s13], $0x800  }
0x1cc: {  	[sflag:s13] =	ssyncset.done $0x0  }
0x1cd: {  	[sflag:s13] =	ssyncadd.s32 $0xFFFFF800  }
0x1ce: {  	_ =	swait.ge [sflag:s13], $0x800  }
0x1cf: {  	[sflag:s13] =	ssyncset.done $0x0  }
0x1d0: {  	[sflag:s13] =	ssyncadd.s32 $0xFFFFF800  }
0x1d1: {  	_ =	swait.ge [sflag:s13], $0x800  }
0x1d2: {  	[sflag:s13] =	ssyncset.done $0x0  }
0x1d3: {  	[sflag:s13] =	ssyncadd.s32 $0xFFFFF800  }
0x1d4: {  	_ =	swait.ge [sflag:s13], $0x800  }
0x1d5: {  	[sflag:s13] =	ssyncset.done $0x0  }
0x1d6: {  	s8 =	sadd.s32 $0x1, s8;
	[sflag:s13] =	ssyncadd.s32 $0xFFFFF800  }
0x1d7: {  	p0 =	sne.s32 s8, $0x8;
	_ =	swait.ge [sflag:s13], $0x800  }
.Ltmp6:
0x1d8: {  	[sflag:s13] =	ssyncset.done $0x0;
	(pc) =	sbr.rel @p0 .LBB2_4-.Ltmp6, $4  }
0x1d9: {  	[sflag:s13] =	ssyncadd.s32 $0xFFFFF800  }
0x1da: {  	_ =	swait.ge [sflag:s13], $0x800  }
0x1db: {  	[sflag:s13] =	ssyncset.done $0x0  }
0x1dc: {  	s17 =	sadd.s32 $0x1000, s17;
	s16 =	sadd.s32 $0x1000, s16;
	[sflag:s13] =	ssyncadd.s32 $0xFFFFF800  }
0x1dd: {  	s6 =	rddreg [dreg:$0x6];
	s8 =	simm.s32 $0x1A800  }
0x1de: {  	[hbm4b:s6+s3] =	stream.linear.scatter [tilespmem:s8], [sflag:$0x4], $0x10, $0x38;
	[tilespmem:$0x1A820] =	vst v63  }
0x1df: {  	_ =	swait.ge [sflag:s14], $0x10  }
0x1e0: {  	[sflag:s14] =	ssyncset.done $0x0  }
0x1e1: {  	s24 =	simm.s32 $0x1A810;
	s23 =	rddreg [dreg:$0x8];
	[sflag:s14] =	ssyncadd.s32 $0xFFFFFFF0  }
0x1e2: {  	[hbm4b:s23+s3] =	stream.linear.scatter [tilespmem:s24], [sflag:$0x4], $0x10, $0x38;
	[tilespmem:$0x1A820] =	vst v63  }
0x1e3: {  	_ =	swait.ge [sflag:s14], $0x10  }
0x1e4: {  	s25 =	rddreg [dreg:$0xb]  }
0x1e5: {  	s26 =	rddreg [dreg:$0x9];
	s8 =	sadd.s32 $0x1, s25  }
0x1e6: {  	p0 =	sne.s32 s8, s26  }
.Ltmp7:
0x1e7: {  	_ = 	snop;
	(pc) =	sbr.rel @p0 .LBB2_1-.Ltmp7, $3  }
0x1e8: {  	_ =	sdelay $0x1  }
0x1e9: {  	[sflag:s14] =	ssyncset.done $0x0  }
0x1ea: {  	[sflag:s14] =	ssyncadd.s32 $0xFFFFFFF0  }
0x1eb: {  	_ =	sfence.sel $0x180000  }
0x1ec: {  	[bflag:$0x0] =	sbarrier.arrive $0xFFFF  }
0x1ed: {  	_ =	strace $0x9000004A  }
0x1ee: {  	s0 =	stileid.u32;
	[bflag:$0x2] =	sbarrier.arrive $0xFFFF  }
0x1ef: {  	p0 =	sne.s32 s0, $0x0;
	s0 =	rddreg [dreg:$0x2]  }
0x1f0: {  	s0 =	sadd.s32 @!p0 $0x100000, s0  }
0x1f1: {  	[sflag:s0] =	ssyncadd.tile.s32 @!p0 $0x1;
	_ =	shalt  }
.Lfunc_end2:
_tile_overlayer_lowered:
.L_overlay_start_2:
0x1f2: {  	(tag) =	ssettag $0x2  }
0x1f3: {  	s0 =	rddreg [dreg:$0x0];
	s2 =	stileid.u32  }
0x1f4: {  	s1 =	rddreg [dreg:$0x1];
	p0 =	sne.s32 s2, $0x0  }
0x1f5: {  	s3 =	rddreg [dreg:$0x2];
	[bflag:$0x3] =	sbarrier.arrive $0xFFFF;
	s2 =	simm.s32 @!p0 $0x1C04  }
0x1f6: {  	[timem:s3], [sflag:s2] =	dma.local @!p0 [hbm:s0], s1  }
0x1f7: {  	s0 =	simm.s32 @!p0 $0x4  }
0x1f8: {  	_ =	swait.ge @!p0 [sflag:s0], s1  }
0x1f9: {  	s1 =	ssub.s32 @!p0 $0x0, s1;
	[sflag:s0] =	ssyncset.done @!p0 $0x0  }
0x1fa: {  	[sflag:s0] =	ssyncadd.s32 @!p0 s1  }
0x1fb: {  	[bflag:$0x3] =	sbarrier.arrive $0xFFFF  }
0x1fc: {  	_ =	shalt  }

</sc_bundles>
